<compile_context>
chip_gen: v7x
topology: tpu7x:2x2x1
jax: 0.10.2.dev20260603
libtpu: 0.0.44.dev20260713+nightly
codegen_flags: <defaults>
</compile_context>

<pallas_src>
import functools

import jax
import jax.numpy as jnp
from jax import lax
from jax.experimental import pallas as pl
from jax.experimental.pallas import tpu as pltpu
from jax.experimental.pallas import tpu_sc as plsc

N = 8192
D = 4096
L = 16
NC = 2
NS = 16
NW = NC * NS
ROWS_PER_W = N // NW
RB = 8
NB = ROWS_PER_W // RB
NQ = 4
DQ = D // NQ
JC_Q = DQ // L


def _body(x_hbm, perm_hbm, out_hbm, perm_v, in0, in1, ob0, ob1, ob2, ob3,
          sin0, sin1, so0, so1, so2, so3):
    wid = lax.axis_index("s") * NC + lax.axis_index("c")
    row_base = wid * ROWS_PER_W

    ins = [in0, in1]
    obs = [ob0, ob1, ob2, ob3]
    sins = [sin0, sin1]
    souts = [so0, so1, so2, so3]

    pltpu.sync_copy(perm_hbm, perm_v)

    row_splats = [jnp.full((L,), r, dtype=jnp.int32) for r in range(RB)]

    def start_in(b, p):
        pltpu.async_copy(
            x_hbm.at[pl.ds(row_base + b * RB, RB)], ins[p], sins[p])

    def wait_in(b, p):
        pltpu.make_async_copy(
            x_hbm.at[pl.ds(row_base + b * RB, RB)], ins[p], sins[p]).wait()

    def start_out(b, q):
        pltpu.async_copy(
            obs[q],
            out_hbm.at[pl.ds(row_base + b * RB, RB), pl.ds(q * DQ, DQ)],
            souts[q])

    def wait_out(b, q):
        pltpu.make_async_copy(
            obs[q],
            out_hbm.at[pl.ds(row_base + b * RB, RB), pl.ds(q * DQ, DQ)],
            souts[q]).wait()

    def compute_quarter(p, q):
        in_b = ins[p]
        out_b = obs[q]

        @plsc.parallel_loop(0, JC_Q, unroll=4)
        def j_body(j):
            idxs = perm_v[pl.ds((q * JC_Q + j) * L, L)]
            for r in range(RB):
                vals = plsc.load_gather(in_b, [row_splats[r], idxs])
                out_b[r, pl.ds(j * L, L)] = vals

    start_in(0, 0)

    def pair_body(pair, carry):
        for p in range(2):
            b = pair * 2 + p

            wait_in(b, p)

            @pl.when(b >= 1)
            def _():
                wait_out(b - 1, 0)

            compute_quarter(p, 0)

            @pl.when(b + 1 < NB)
            def _():
                start_in(b + 1, 1 - p)

            @pl.when(b >= 1)
            def _():
                start_out(b - 1, NQ - 1)

            for q in range(1, NQ):
                @pl.when(b >= 1)
                def _():
                    wait_out(b - 1, q)

                compute_quarter(p, q)
                start_out(b, q - 1)
        return carry

    lax.fori_loop(0, NB // 2, pair_body, 0)
    for q in range(NQ - 1):
        wait_out(NB - 1, q)
    plsc.subcore_barrier()
    start_out(NB - 1, NQ - 1)
    wait_out(NB - 1, NQ - 1)


@jax.jit
def _permute_cols(x, perm32):
    mesh = plsc.VectorSubcoreMesh(core_axis_name="c", subcore_axis_name="s")
    kern = functools.partial(
        pl.kernel,
        mesh=mesh,
        out_type=jax.ShapeDtypeStruct((N, D), jnp.float32),
        compiler_params=pltpu.CompilerParams(needs_layout_passes=False),
        scratch_types=[
            pltpu.VMEM((D,), jnp.int32),
            pltpu.VMEM((RB, D), jnp.float32),
            pltpu.VMEM((RB, D), jnp.float32),
            pltpu.VMEM((RB, DQ), jnp.float32),
            pltpu.VMEM((RB, DQ), jnp.float32),
            pltpu.VMEM((RB, DQ), jnp.float32),
            pltpu.VMEM((RB, DQ), jnp.float32),
            pltpu.SemaphoreType.DMA,
            pltpu.SemaphoreType.DMA,
            pltpu.SemaphoreType.DMA,
            pltpu.SemaphoreType.DMA,
            pltpu.SemaphoreType.DMA,
            pltpu.SemaphoreType.DMA,
        ],
    )(_body)
    return kern(x, perm32)


def kernel(x, permutation):
    perm32 = permutation.astype(jnp.int32)
    return _permute_cols(x, perm32)

# --- scband reference (transcript-rebuilt; emitter-appended) ---
"""Pipeline reference for scband-permutations-9431748182119 (READ-ONLY COPY).

The authoritative reference and input builder live on the scoring server;
editing this copy changes nothing except your own understanding.
"""

import jax, jax.numpy as jnp
import numpy as np

D = 4096
N = 8192


def setup_inputs(seed: int = 0) -> dict:
    key = jax.random.key(seed)
    kx, kp = jax.random.split(key)
    x = jax.random.normal(kx, (N, D), dtype=jnp.float32)
    # permutation buffer registered at module construction time
    permutation = jax.random.permutation(kp, jnp.arange(D, dtype=jnp.int64))
    return {"x": x, "permutation": permutation}


def reference(x, permutation):
    # torch.index_select(inputs, dim=1, permutation)
    y = jnp.take(x, permutation, axis=1)
    return y

if __name__ == "__main__":
    import jax
    _d = setup_inputs()
    print(jax.jit(kernel)(*tuple(_d.values())))

</pallas_src>

<mosaic_0001>
#map = affine_map<(d0, d1) -> (0, 0)>
#map1 = affine_map<(d0, d1) -> (0)>
module attributes {stable_mosaic.version = 14 : i64} {
  func.func @_body(%arg0: i32, %arg1: i32, %arg2: memref<8192x4096xf32, #tpu.memory_space<hbm>>, %arg3: memref<4096xi32, #tpu.memory_space<hbm>>, %arg4: memref<8192x4096xf32, #tpu.memory_space<hbm>>, %arg5: memref<4096xi32, #tpu.memory_space<vmem>>, %arg6: memref<8x4096xf32, #tpu.memory_space<vmem>>, %arg7: memref<8x4096xf32, #tpu.memory_space<vmem>>, %arg8: memref<8x1024xf32, #tpu.memory_space<vmem>>, %arg9: memref<8x1024xf32, #tpu.memory_space<vmem>>, %arg10: memref<8x1024xf32, #tpu.memory_space<vmem>>, %arg11: memref<8x1024xf32, #tpu.memory_space<vmem>>, %arg12: memref<!tpu.dma_semaphore, #tpu.memory_space<semaphore_mem>>, %arg13: memref<!tpu.dma_semaphore, #tpu.memory_space<semaphore_mem>>, %arg14: memref<!tpu.dma_semaphore, #tpu.memory_space<semaphore_mem>>, %arg15: memref<!tpu.dma_semaphore, #tpu.memory_space<semaphore_mem>>, %arg16: memref<!tpu.dma_semaphore, #tpu.memory_space<semaphore_mem>>, %arg17: memref<!tpu.dma_semaphore, #tpu.memory_space<semaphore_mem>>) attributes {dimension_semantics = [#tpu.dimension_semantics<core_parallel>, #tpu.dimension_semantics<subcore_parallel>], iteration_bounds = array<i64: 2, 16>, scalar_prefetch = 0 : i64, scratch_operands = 13 : i64, tpu.core_type = #tpu.core_type<sc_vector_subcore>, window_params = [{transform_indices = #map}, {transform_indices = #map1}, {transform_indices = #map}]} {
    %mul3A = arith.constant 2 : i32
    %mul3A_0 = arith.muli %arg1, %mul3A : i32
    %add3A = arith.addi %mul3A_0, %arg0 : i32
    %mul3A_1 = arith.constant 256 : i32
    %mul3A_2 = arith.muli %add3A, %mul3A_1 : i32
    "tpu.region"() ({
      %run_scoped3A = tpu.sem_alloc : memref<!tpu.dma_semaphore, #tpu.memory_space<semaphore_mem>>
      tpu.enqueue_dma source(%arg3 : memref<4096xi32, #tpu.memory_space<hbm>>) target(%arg5 : memref<4096xi32, #tpu.memory_space<vmem>>) target_semaphore(%run_scoped3A : memref<!tpu.dma_semaphore, #tpu.memory_space<semaphore_mem>>)
      tpu.wait_dma2 semaphore(%run_scoped3A : memref<!tpu.dma_semaphore, #tpu.memory_space<semaphore_mem>>) src(%arg3 : memref<4096xi32, #tpu.memory_space<hbm>>) dst(%arg5 : memref<4096xi32, #tpu.memory_space<vmem>>)
      tpu.yield
    }) : () -> ()
    %broadcast_in_dim3A = arith.constant 0 : i32
    %broadcast_in_dim3A_3 = vector.broadcast %broadcast_in_dim3A : i32 to vector<16xi32>
    %broadcast_in_dim3A_4 = arith.constant 1 : i32
    %broadcast_in_dim3A_5 = vector.broadcast %broadcast_in_dim3A_4 : i32 to vector<16xi32>
    %broadcast_in_dim3A_6 = arith.constant 2 : i32
    %broadcast_in_dim3A_7 = vector.broadcast %broadcast_in_dim3A_6 : i32 to vector<16xi32>
    %broadcast_in_dim3A_8 = arith.constant 3 : i32
    %broadcast_in_dim3A_9 = vector.broadcast %broadcast_in_dim3A_8 : i32 to vector<16xi32>
    %broadcast_in_dim3A_10 = arith.constant 4 : i32
    %broadcast_in_dim3A_11 = vector.broadcast %broadcast_in_dim3A_10 : i32 to vector<16xi32>
    %broadcast_in_dim3A_12 = arith.constant 5 : i32
    %broadcast_in_dim3A_13 = vector.broadcast %broadcast_in_dim3A_12 : i32 to vector<16xi32>
    %broadcast_in_dim3A_14 = arith.constant 6 : i32
    %broadcast_in_dim3A_15 = vector.broadcast %broadcast_in_dim3A_14 : i32 to vector<16xi32>
    %broadcast_in_dim3A_16 = arith.constant 7 : i32
    %broadcast_in_dim3A_17 = vector.broadcast %broadcast_in_dim3A_16 : i32 to vector<16xi32>
    %add3A_18 = arith.constant 0 : i32
    %add3A_19 = arith.addi %mul3A_2, %add3A_18 : i32
    %dma_start3A = arith.constant 0 : i32
    %dma_start3A_20 = tpu.memref_slice %arg2[%add3A_19, %dma_start3A] : memref<8192x4096xf32, #tpu.memory_space<hbm>> -> memref<8x4096xf32, #tpu.memory_space<hbm>>
    %dma_start3A_21 = arith.constant 0 : i32
    %dma_start3A_22 = tpu.memref_slice %arg2[%add3A_19, %dma_start3A_21] : memref<8192x4096xf32, #tpu.memory_space<hbm>> -> memref<8x4096xf32, #tpu.memory_space<hbm>>
    tpu.enqueue_dma source(%dma_start3A_22 : memref<8x4096xf32, #tpu.memory_space<hbm>>) target(%arg6 : memref<8x4096xf32, #tpu.memory_space<vmem>>) target_semaphore(%arg12 : memref<!tpu.dma_semaphore, #tpu.memory_space<semaphore_mem>>)
    %scan3A = arith.constant 0 : i32
    %scan3A_23 = arith.constant 0 : i32
    %scan3A_24 = arith.constant 16 : i32
    %scan3A_25 = arith.addi %scan3A_23, %scan3A_24 : i32
    %scan3A_26 = arith.constant 1 : i32
    scf.for %scan3A_57 = %scan3A_23 to %scan3A_25 step %scan3A_26  : i32 {
      %mul3A_58 = arith.constant 2 : i32
      %mul3A_59 = arith.muli %scan3A_57, %mul3A_58 : i32
      %add3A_60 = arith.constant 0 : i32
      %add3A_61 = arith.addi %mul3A_59, %add3A_60 : i32
      %mul3A_62 = arith.constant 8 : i32
      %mul3A_63 = arith.muli %add3A_61, %mul3A_62 : i32
      %add3A_64 = arith.addi %mul3A_2, %mul3A_63 : i32
      %dma_wait3A_65 = arith.constant 0 : i32
      %dma_wait3A_66 = tpu.memref_slice %arg2[%add3A_64, %dma_wait3A_65] : memref<8192x4096xf32, #tpu.memory_space<hbm>> -> memref<8x4096xf32, #tpu.memory_space<hbm>>
      %dma_wait3A_67 = arith.constant 0 : i32
      %dma_wait3A_68 = tpu.memref_slice %arg2[%add3A_64, %dma_wait3A_67] : memref<8192x4096xf32, #tpu.memory_space<hbm>> -> memref<8x4096xf32, #tpu.memory_space<hbm>>
      tpu.wait_dma2 semaphore(%arg12 : memref<!tpu.dma_semaphore, #tpu.memory_space<semaphore_mem>>) src(%dma_wait3A_68 : memref<8x4096xf32, #tpu.memory_space<hbm>>) dst(%arg6 : memref<8x4096xf32, #tpu.memory_space<vmem>>)
      %ge3A = arith.constant 1 : i32
      %ge3A_69 = arith.cmpi sge, %add3A_61, %ge3A : i32
      %convert_element_type3A = arith.extui %ge3A_69 : i1 to i32
      %cond3A = arith.constant 0 : i32
      %cond3A_70 = arith.cmpi ne, %convert_element_type3A, %cond3A : i32
      scf.if %cond3A_70 {
        %sub3A = arith.constant 1 : i32
        %sub3A_205 = arith.subi %add3A_61, %sub3A : i32
        %mul3A_206 = arith.constant 8 : i32
        %mul3A_207 = arith.muli %sub3A_205, %mul3A_206 : i32
        %add3A_208 = arith.addi %mul3A_2, %mul3A_207 : i32
        %dma_wait3A_209 = arith.constant 0 : i32
        %dma_wait3A_210 = tpu.memref_slice %arg4[%add3A_208, %dma_wait3A_209] : memref<8192x4096xf32, #tpu.memory_space<hbm>> -> memref<8x1024xf32, #tpu.memory_space<hbm>>
        %dma_wait3A_211 = arith.constant 0 : i32
        %dma_wait3A_212 = tpu.memref_slice %arg4[%add3A_208, %dma_wait3A_211] : memref<8192x4096xf32, #tpu.memory_space<hbm>> -> memref<8x1024xf32, #tpu.memory_space<hbm>>
        tpu.wait_dma2 semaphore(%arg14 : memref<!tpu.dma_semaphore, #tpu.memory_space<semaphore_mem>>) src(%arg8 : memref<8x1024xf32, #tpu.memory_space<vmem>>) dst(%dma_wait3A_212 : memref<8x1024xf32, #tpu.memory_space<hbm>>)
      } else {
      }
      %parallel_loop3A = arith.constant 0 : i32
      %parallel_loop3A_71 = arith.constant 64 : i32
      %parallel_loop3A_72 = arith.constant 1 : i32
      scf.for %parallel_loop3A_205 = %parallel_loop3A to %parallel_loop3A_71 step %parallel_loop3A_72  : i32 {
        %parallel_loop3A_206 = arith.constant 0 : i32
        %parallel_loop3A_207 = arith.addi %parallel_loop3A_206, %parallel_loop3A_205 : i32
        %parallel_loop3A_208 = arith.constant 16 : i32
        %parallel_loop3A_209 = arith.muli %parallel_loop3A_207, %parallel_loop3A_208 : i32
        %parallel_loop3A_210 = arith.index_cast %parallel_loop3A_209 : i32 to index
        %parallel_loop3A_211 = tpu.vector_load %arg5[%parallel_loop3A_210] {strides = array<i32>} : memref<4096xi32, #tpu.memory_space<vmem>>, vector<16xi32>,
        %parallel_loop3A_212 = tpu.vector_load_idx %arg6[%broadcast_in_dim3A_3, %parallel_loop3A_211] : memref<8x4096xf32, #tpu.memory_space<vmem>>[vector<16xi32>, vector<16xi32>], vector<16xf32>,
        %parallel_loop3A_213 = arith.constant 16 : i32
        %parallel_loop3A_214 = arith.muli %parallel_loop3A_205, %parallel_loop3A_213 : i32
        %parallel_loop3A_215 = arith.constant 0 : i32
        %parallel_loop3A_216 = arith.index_cast %parallel_loop3A_215 : i32 to index
        %parallel_loop3A_217 = arith.index_cast %parallel_loop3A_214 : i32 to index
        %parallel_loop3A_218 = tpu.vector_load %arg8[%parallel_loop3A_216, %parallel_loop3A_217] {strides = array<i32>} : memref<8x1024xf32, #tpu.memory_space<vmem>>, vector<16xf32>,
        tpu.vector_store %arg8[%parallel_loop3A_216, %parallel_loop3A_217], %parallel_loop3A_212 {strides = array<i32>} : memref<8x1024xf32, #tpu.memory_space<vmem>>, vector<16xf32>,
        %parallel_loop3A_219 = tpu.vector_load_idx %arg6[%broadcast_in_dim3A_5, %parallel_loop3A_211] : memref<8x4096xf32, #tpu.memory_space<vmem>>[vector<16xi32>, vector<16xi32>], vector<16xf32>,
        %parallel_loop3A_220 = arith.constant 16 : i32
        %parallel_loop3A_221 = arith.muli %parallel_loop3A_205, %parallel_loop3A_220 : i32
        %parallel_loop3A_222 = arith.constant 1 : i32
        %parallel_loop3A_223 = arith.index_cast %parallel_loop3A_222 : i32 to index
        %parallel_loop3A_224 = arith.index_cast %parallel_loop3A_221 : i32 to index
        %parallel_loop3A_225 = tpu.vector_load %arg8[%parallel_loop3A_223, %parallel_loop3A_224] {strides = array<i32>} : memref<8x1024xf32, #tpu.memory_space<vmem>>, vector<16xf32>,
        tpu.vector_store %arg8[%parallel_loop3A_223, %parallel_loop3A_224], %parallel_loop3A_219 {strides = array<i32>} : memref<8x1024xf32, #tpu.memory_space<vmem>>, vector<16xf32>,
        %parallel_loop3A_226 = tpu.vector_load_idx %arg6[%broadcast_in_dim3A_7, %parallel_loop3A_211] : memref<8x4096xf32, #tpu.memory_space<vmem>>[vector<16xi32>, vector<16xi32>], vector<16xf32>,
        %parallel_loop3A_227 = arith.constant 16 : i32
        %parallel_loop3A_228 = arith.muli %parallel_loop3A_205, %parallel_loop3A_227 : i32
        %parallel_loop3A_229 = arith.constant 2 : i32
        %parallel_loop3A_230 = arith.index_cast %parallel_loop3A_229 : i32 to index
        %parallel_loop3A_231 = arith.index_cast %parallel_loop3A_228 : i32 to index
        %parallel_loop3A_232 = tpu.vector_load %arg8[%parallel_loop3A_230, %parallel_loop3A_231] {strides = array<i32>} : memref<8x1024xf32, #tpu.memory_space<vmem>>, vector<16xf32>,
        tpu.vector_store %arg8[%parallel_loop3A_230, %parallel_loop3A_231], %parallel_loop3A_226 {strides = array<i32>} : memref<8x1024xf32, #tpu.memory_space<vmem>>, vector<16xf32>,
        %parallel_loop3A_233 = tpu.vector_load_idx %arg6[%broadcast_in_dim3A_9, %parallel_loop3A_211] : memref<8x4096xf32, #tpu.memory_space<vmem>>[vector<16xi32>, vector<16xi32>], vector<16xf32>,
        %parallel_loop3A_234 = arith.constant 16 : i32
        %parallel_loop3A_235 = arith.muli %parallel_loop3A_205, %parallel_loop3A_234 : i32
        %parallel_loop3A_236 = arith.constant 3 : i32
        %parallel_loop3A_237 = arith.index_cast %parallel_loop3A_236 : i32 to index
        %parallel_loop3A_238 = arith.index_cast %parallel_loop3A_235 : i32 to index
        %parallel_loop3A_239 = tpu.vector_load %arg8[%parallel_loop3A_237, %parallel_loop3A_238] {strides = array<i32>} : memref<8x1024xf32, #tpu.memory_space<vmem>>, vector<16xf32>,
        tpu.vector_store %arg8[%parallel_loop3A_237, %parallel_loop3A_238], %parallel_loop3A_233 {strides = array<i32>} : memref<8x1024xf32, #tpu.memory_space<vmem>>, vector<16xf32>,
        %parallel_loop3A_240 = tpu.vector_load_idx %arg6[%broadcast_in_dim3A_11, %parallel_loop3A_211] : memref<8x4096xf32, #tpu.memory_space<vmem>>[vector<16xi32>, vector<16xi32>], vector<16xf32>,
        %parallel_loop3A_241 = arith.constant 16 : i32
        %parallel_loop3A_242 = arith.muli %parallel_loop3A_205, %parallel_loop3A_241 : i32
        %parallel_loop3A_243 = arith.constant 4 : i32
        %parallel_loop3A_244 = arith.index_cast %parallel_loop3A_243 : i32 to index
        %parallel_loop3A_245 = arith.index_cast %parallel_loop3A_242 : i32 to index
        %parallel_loop3A_246 = tpu.vector_load %arg8[%parallel_loop3A_244, %parallel_loop3A_245] {strides = array<i32>} : memref<8x1024xf32, #tpu.memory_space<vmem>>, vector<16xf32>,
        tpu.vector_store %arg8[%parallel_loop3A_244, %parallel_loop3A_245], %parallel_loop3A_240 {strides = array<i32>} : memref<8x1024xf32, #tpu.memory_space<vmem>>, vector<16xf32>,
        %parallel_loop3A_247 = tpu.vector_load_idx %arg6[%broadcast_in_dim3A_13, %parallel_loop3A_211] : memref<8x4096xf32, #tpu.memory_space<vmem>>[vector<16xi32>, vector<16xi32>], vector<16xf32>,
        %parallel_loop3A_248 = arith.constant 16 : i32
        %parallel_loop3A_249 = arith.muli %parallel_loop3A_205, %parallel_loop3A_248 : i32
        %parallel_loop3A_250 = arith.constant 5 : i32
        %parallel_loop3A_251 = arith.index_cast %parallel_loop3A_250 : i32 to index
        %parallel_loop3A_252 = arith.index_cast %parallel_loop3A_249 : i32 to index
        %parallel_loop3A_253 = tpu.vector_load %arg8[%parallel_loop3A_251, %parallel_loop3A_252] {strides = array<i32>} : memref<8x1024xf32, #tpu.memory_space<vmem>>, vector<16xf32>,
        tpu.vector_store %arg8[%parallel_loop3A_251, %parallel_loop3A_252], %parallel_loop3A_247 {strides = array<i32>} : memref<8x1024xf32, #tpu.memory_space<vmem>>, vector<16xf32>,
        %parallel_loop3A_254 = tpu.vector_load_idx %arg6[%broadcast_in_dim3A_15, %parallel_loop3A_211] : memref<8x4096xf32, #tpu.memory_space<vmem>>[vector<16xi32>, vector<16xi32>], vector<16xf32>,
        %parallel_loop3A_255 = arith.constant 16 : i32
        %parallel_loop3A_256 = arith.muli %parallel_loop3A_205, %parallel_loop3A_255 : i32
        %parallel_loop3A_257 = arith.constant 6 : i32
        %parallel_loop3A_258 = arith.index_cast %parallel_loop3A_257 : i32 to index
        %parallel_loop3A_259 = arith.index_cast %parallel_loop3A_256 : i32 to index
        %parallel_loop3A_260 = tpu.vector_load %arg8[%parallel_loop3A_258, %parallel_loop3A_259] {strides = array<i32>} : memref<8x1024xf32, #tpu.memory_space<vmem>>, vector<16xf32>,
        tpu.vector_store %arg8[%parallel_loop3A_258, %parallel_loop3A_259], %parallel_loop3A_254 {strides = array<i32>} : memref<8x1024xf32, #tpu.memory_space<vmem>>, vector<16xf32>,
        %parallel_loop3A_261 = tpu.vector_load_idx %arg6[%broadcast_in_dim3A_17, %parallel_loop3A_211] : memref<8x4096xf32, #tpu.memory_space<vmem>>[vector<16xi32>, vector<16xi32>], vector<16xf32>,
        %parallel_loop3A_262 = arith.constant 16 : i32
        %parallel_loop3A_263 = arith.muli %parallel_loop3A_205, %parallel_loop3A_262 : i32
        %parallel_loop3A_264 = arith.constant 7 : i32
        %parallel_loop3A_265 = arith.index_cast %parallel_loop3A_264 : i32 to index
        %parallel_loop3A_266 = arith.index_cast %parallel_loop3A_263 : i32 to index
        %parallel_loop3A_267 = tpu.vector_load %arg8[%parallel_loop3A_265, %parallel_loop3A_266] {strides = array<i32>} : memref<8x1024xf32, #tpu.memory_space<vmem>>, vector<16xf32>,
        tpu.vector_store %arg8[%parallel_loop3A_265, %parallel_loop3A_266], %parallel_loop3A_261 {strides = array<i32>} : memref<8x1024xf32, #tpu.memory_space<vmem>>, vector<16xf32>,
      } {sc.loop_unroll_factor = 4 : i64, sc.parallel_access}
      %add3A_73 = arith.constant 1 : i32
      %add3A_74 = arith.addi %add3A_61, %add3A_73 : i32
      %lt3A = arith.constant 32 : i32
      %lt3A_75 = arith.cmpi slt, %add3A_74, %lt3A : i32
      %convert_element_type3A_76 = arith.extui %lt3A_75 : i1 to i32
      %cond3A_77 = arith.constant 0 : i32
      %cond3A_78 = arith.cmpi ne, %convert_element_type3A_76, %cond3A_77 : i32
      scf.if %cond3A_78 {
        %add3A_205 = arith.constant 1 : i32
        %add3A_206 = arith.addi %add3A_61, %add3A_205 : i32
        %mul3A_207 = arith.constant 8 : i32
        %mul3A_208 = arith.muli %add3A_206, %mul3A_207 : i32
        %add3A_209 = arith.addi %mul3A_2, %mul3A_208 : i32
        %dma_start3A_210 = arith.constant 0 : i32
        %dma_start3A_211 = tpu.memref_slice %arg2[%add3A_209, %dma_start3A_210] : memref<8192x4096xf32, #tpu.memory_space<hbm>> -> memref<8x4096xf32, #tpu.memory_space<hbm>>
        %dma_start3A_212 = arith.constant 0 : i32
        %dma_start3A_213 = tpu.memref_slice %arg2[%add3A_209, %dma_start3A_212] : memref<8192x4096xf32, #tpu.memory_space<hbm>> -> memref<8x4096xf32, #tpu.memory_space<hbm>>
        tpu.enqueue_dma source(%dma_start3A_213 : memref<8x4096xf32, #tpu.memory_space<hbm>>) target(%arg7 : memref<8x4096xf32, #tpu.memory_space<vmem>>) target_semaphore(%arg13 : memref<!tpu.dma_semaphore, #tpu.memory_space<semaphore_mem>>)
      } else {
      }
      %ge3A_79 = arith.constant 1 : i32
      %ge3A_80 = arith.cmpi sge, %add3A_61, %ge3A_79 : i32
      %convert_element_type3A_81 = arith.extui %ge3A_80 : i1 to i32
      %cond3A_82 = arith.constant 0 : i32
      %cond3A_83 = arith.cmpi ne, %convert_element_type3A_81, %cond3A_82 : i32
      scf.if %cond3A_83 {
        %sub3A = arith.constant 1 : i32
        %sub3A_205 = arith.subi %add3A_61, %sub3A : i32
        %mul3A_206 = arith.constant 8 : i32
        %mul3A_207 = arith.muli %sub3A_205, %mul3A_206 : i32
        %add3A_208 = arith.addi %mul3A_2, %mul3A_207 : i32
        %dma_start3A_209 = arith.constant 3072 : i32
        %dma_start3A_210 = tpu.memref_slice %arg4[%add3A_208, %dma_start3A_209] : memref<8192x4096xf32, #tpu.memory_space<hbm>> -> memref<8x1024xf32, #tpu.memory_space<hbm>>
        %dma_start3A_211 = arith.constant 3072 : i32
        %dma_start3A_212 = tpu.memref_slice %arg4[%add3A_208, %dma_start3A_211] : memref<8192x4096xf32, #tpu.memory_space<hbm>> -> memref<8x1024xf32, #tpu.memory_space<hbm>>
        tpu.enqueue_dma source(%arg11 : memref<8x1024xf32, #tpu.memory_space<vmem>>) target(%dma_start3A_212 : memref<8x1024xf32, #tpu.memory_space<hbm>>) target_semaphore(%arg17 : memref<!tpu.dma_semaphore, #tpu.memory_space<semaphore_mem>>)
      } else {
      }
      %ge3A_84 = arith.constant 1 : i32
      %ge3A_85 = arith.cmpi sge, %add3A_61, %ge3A_84 : i32
      %convert_element_type3A_86 = arith.extui %ge3A_85 : i1 to i32
      %cond3A_87 = arith.constant 0 : i32
      %cond3A_88 = arith.cmpi ne, %convert_element_type3A_86, %cond3A_87 : i32
      scf.if %cond3A_88 {
        %sub3A = arith.constant 1 : i32
        %sub3A_205 = arith.subi %add3A_61, %sub3A : i32
        %mul3A_206 = arith.constant 8 : i32
        %mul3A_207 = arith.muli %sub3A_205, %mul3A_206 : i32
        %add3A_208 = arith.addi %mul3A_2, %mul3A_207 : i32
        %dma_wait3A_209 = arith.constant 1024 : i32
        %dma_wait3A_210 = tpu.memref_slice %arg4[%add3A_208, %dma_wait3A_209] : memref<8192x4096xf32, #tpu.memory_space<hbm>> -> memref<8x1024xf32, #tpu.memory_space<hbm>>
        %dma_wait3A_211 = arith.constant 1024 : i32
        %dma_wait3A_212 = tpu.memref_slice %arg4[%add3A_208, %dma_wait3A_211] : memref<8192x4096xf32, #tpu.memory_space<hbm>> -> memref<8x1024xf32, #tpu.memory_space<hbm>>
        tpu.wait_dma2 semaphore(%arg15 : memref<!tpu.dma_semaphore, #tpu.memory_space<semaphore_mem>>) src(%arg9 : memref<8x1024xf32, #tpu.memory_space<vmem>>) dst(%dma_wait3A_212 : memref<8x1024xf32, #tpu.memory_space<hbm>>)
      } else {
      }
      %parallel_loop3A_89 = arith.constant 0 : i32
      %parallel_loop3A_90 = arith.constant 64 : i32
      %parallel_loop3A_91 = arith.constant 1 : i32
      scf.for %parallel_loop3A_205 = %parallel_loop3A_89 to %parallel_loop3A_90 step %parallel_loop3A_91  : i32 {
        %parallel_loop3A_206 = arith.constant 64 : i32
        %parallel_loop3A_207 = arith.addi %parallel_loop3A_206, %parallel_loop3A_205 : i32
        %parallel_loop3A_208 = arith.constant 16 : i32
        %parallel_loop3A_209 = arith.muli %parallel_loop3A_207, %parallel_loop3A_208 : i32
        %parallel_loop3A_210 = arith.index_cast %parallel_loop3A_209 : i32 to index
        %parallel_loop3A_211 = tpu.vector_load %arg5[%parallel_loop3A_210] {strides = array<i32>} : memref<4096xi32, #tpu.memory_space<vmem>>, vector<16xi32>,
        %parallel_loop3A_212 = tpu.vector_load_idx %arg6[%broadcast_in_dim3A_3, %parallel_loop3A_211] : memref<8x4096xf32, #tpu.memory_space<vmem>>[vector<16xi32>, vector<16xi32>], vector<16xf32>,
        %parallel_loop3A_213 = arith.constant 16 : i32
        %parallel_loop3A_214 = arith.muli %parallel_loop3A_205, %parallel_loop3A_213 : i32
        %parallel_loop3A_215 = arith.constant 0 : i32
        %parallel_loop3A_216 = arith.index_cast %parallel_loop3A_215 : i32 to index
        %parallel_loop3A_217 = arith.index_cast %parallel_loop3A_214 : i32 to index
        %parallel_loop3A_218 = tpu.vector_load %arg9[%parallel_loop3A_216, %parallel_loop3A_217] {strides = array<i32>} : memref<8x1024xf32, #tpu.memory_space<vmem>>, vector<16xf32>,
        tpu.vector_store %arg9[%parallel_loop3A_216, %parallel_loop3A_217], %parallel_loop3A_212 {strides = array<i32>} : memref<8x1024xf32, #tpu.memory_space<vmem>>, vector<16xf32>,
        %parallel_loop3A_219 = tpu.vector_load_idx %arg6[%broadcast_in_dim3A_5, %parallel_loop3A_211] : memref<8x4096xf32, #tpu.memory_space<vmem>>[vector<16xi32>, vector<16xi32>], vector<16xf32>,
        %parallel_loop3A_220 = arith.constant 16 : i32
        %parallel_loop3A_221 = arith.muli %parallel_loop3A_205, %parallel_loop3A_220 : i32
        %parallel_loop3A_222 = arith.constant 1 : i32
        %parallel_loop3A_223 = arith.index_cast %parallel_loop3A_222 : i32 to index
        %parallel_loop3A_224 = arith.index_cast %parallel_loop3A_221 : i32 to index
        %parallel_loop3A_225 = tpu.vector_load %arg9[%parallel_loop3A_223, %parallel_loop3A_224] {strides = array<i32>} : memref<8x1024xf32, #tpu.memory_space<vmem>>, vector<16xf32>,
        tpu.vector_store %arg9[%parallel_loop3A_223, %parallel_loop3A_224], %parallel_loop3A_219 {strides = array<i32>} : memref<8x1024xf32, #tpu.memory_space<vmem>>, vector<16xf32>,
        %parallel_loop3A_226 = tpu.vector_load_idx %arg6[%broadcast_in_dim3A_7, %parallel_loop3A_211] : memref<8x4096xf32, #tpu.memory_space<vmem>>[vector<16xi32>, vector<16xi32>], vector<16xf32>,
        %parallel_loop3A_227 = arith.constant 16 : i32
        %parallel_loop3A_228 = arith.muli %parallel_loop3A_205, %parallel_loop3A_227 : i32
        %parallel_loop3A_229 = arith.constant 2 : i32
        %parallel_loop3A_230 = arith.index_cast %parallel_loop3A_229 : i32 to index
        %parallel_loop3A_231 = arith.index_cast %parallel_loop3A_228 : i32 to index
        %parallel_loop3A_232 = tpu.vector_load %arg9[%parallel_loop3A_230, %parallel_loop3A_231] {strides = array<i32>} : memref<8x1024xf32, #tpu.memory_space<vmem>>, vector<16xf32>,
        tpu.vector_store %arg9[%parallel_loop3A_230, %parallel_loop3A_231], %parallel_loop3A_226 {strides = array<i32>} : memref<8x1024xf32, #tpu.memory_space<vmem>>, vector<16xf32>,
        %parallel_loop3A_233 = tpu.vector_load_idx %arg6[%broadcast_in_dim3A_9, %parallel_loop3A_211] : memref<8x4096xf32, #tpu.memory_space<vmem>>[vector<16xi32>, vector<16xi32>], vector<16xf32>,
        %parallel_loop3A_234 = arith.constant 16 : i32
        %parallel_loop3A_235 = arith.muli %parallel_loop3A_205, %parallel_loop3A_234 : i32
        %parallel_loop3A_236 = arith.constant 3 : i32
        %parallel_loop3A_237 = arith.index_cast %parallel_loop3A_236 : i32 to index
        %parallel_loop3A_238 = arith.index_cast %parallel_loop3A_235 : i32 to index
        %parallel_loop3A_239 = tpu.vector_load %arg9[%parallel_loop3A_237, %parallel_loop3A_238] {strides = array<i32>} : memref<8x1024xf32, #tpu.memory_space<vmem>>, vector<16xf32>,
        tpu.vector_store %arg9[%parallel_loop3A_237, %parallel_loop3A_238], %parallel_loop3A_233 {strides = array<i32>} : memref<8x1024xf32, #tpu.memory_space<vmem>>, vector<16xf32>,
        %parallel_loop3A_240 = tpu.vector_load_idx %arg6[%broadcast_in_dim3A_11, %parallel_loop3A_211] : memref<8x4096xf32, #tpu.memory_space<vmem>>[vector<16xi32>, vector<16xi32>], vector<16xf32>,
        %parallel_loop3A_241 = arith.constant 16 : i32
        %parallel_loop3A_242 = arith.muli %parallel_loop3A_205, %parallel_loop3A_241 : i32
        %parallel_loop3A_243 = arith.constant 4 : i32
        %parallel_loop3A_244 = arith.index_cast %parallel_loop3A_243 : i32 to index
        %parallel_loop3A_245 = arith.index_cast %parallel_loop3A_242 : i32 to index
        %parallel_loop3A_246 = tpu.vector_load %arg9[%parallel_loop3A_244, %parallel_loop3A_245] {strides = array<i32>} : memref<8x1024xf32, #tpu.memory_space<vmem>>, vector<16xf32>,
        tpu.vector_store %arg9[%parallel_loop3A_244, %parallel_loop3A_245], %parallel_loop3A_240 {strides = array<i32>} : memref<8x1024xf32, #tpu.memory_space<vmem>>, vector<16xf32>,
        %parallel_loop3A_247 = tpu.vector_load_idx %arg6[%broadcast_in_dim3A_13, %parallel_loop3A_211] : memref<8x4096xf32, #tpu.memory_space<vmem>>[vector<16xi32>, vector<16xi32>], vector<16xf32>,
        %parallel_loop3A_248 = arith.constant 16 : i32
        %parallel_loop3A_249 = arith.muli %parallel_loop3A_205, %parallel_loop3A_248 : i32
        %parallel_loop3A_250 = arith.constant 5 : i32
        %parallel_loop3A_251 = arith.index_cast %parallel_loop3A_250 : i32 to index
        %parallel_loop3A_252 = arith.index_cast %parallel_loop3A_249 : i32 to index
        %parallel_loop3A_253 = tpu.vector_load %arg9[%parallel_loop3A_251, %parallel_loop3A_252] {strides = array<i32>} : memref<8x1024xf32, #tpu.memory_space<vmem>>, vector<16xf32>,
        tpu.vector_store %arg9[%parallel_loop3A_251, %parallel_loop3A_252], %parallel_loop3A_247 {strides = array<i32>} : memref<8x1024xf32, #tpu.memory_space<vmem>>, vector<16xf32>,
        %parallel_loop3A_254 = tpu.vector_load_idx %arg6[%broadcast_in_dim3A_15, %parallel_loop3A_211] : memref<8x4096xf32, #tpu.memory_space<vmem>>[vector<16xi32>, vector<16xi32>], vector<16xf32>,
        %parallel_loop3A_255 = arith.constant 16 : i32
        %parallel_loop3A_256 = arith.muli %parallel_loop3A_205, %parallel_loop3A_255 : i32
        %parallel_loop3A_257 = arith.constant 6 : i32
        %parallel_loop3A_258 = arith.index_cast %parallel_loop3A_257 : i32 to index
        %parallel_loop3A_259 = arith.index_cast %parallel_loop3A_256 : i32 to index
        %parallel_loop3A_260 = tpu.vector_load %arg9[%parallel_loop3A_258, %parallel_loop3A_259] {strides = array<i32>} : memref<8x1024xf32, #tpu.memory_space<vmem>>, vector<16xf32>,
        tpu.vector_store %arg9[%parallel_loop3A_258, %parallel_loop3A_259], %parallel_loop3A_254 {strides = array<i32>} : memref<8x1024xf32, #tpu.memory_space<vmem>>, vector<16xf32>,
        %parallel_loop3A_261 = tpu.vector_load_idx %arg6[%broadcast_in_dim3A_17, %parallel_loop3A_211] : memref<8x4096xf32, #tpu.memory_space<vmem>>[vector<16xi32>, vector<16xi32>], vector<16xf32>,
        %parallel_loop3A_262 = arith.constant 16 : i32
        %parallel_loop3A_263 = arith.muli %parallel_loop3A_205, %parallel_loop3A_262 : i32
        %parallel_loop3A_264 = arith.constant 7 : i32
        %parallel_loop3A_265 = arith.index_cast %parallel_loop3A_264 : i32 to index
        %parallel_loop3A_266 = arith.index_cast %parallel_loop3A_263 : i32 to index
        %parallel_loop3A_267 = tpu.vector_load %arg9[%parallel_loop3A_265, %parallel_loop3A_266] {strides = array<i32>} : memref<8x1024xf32, #tpu.memory_space<vmem>>, vector<16xf32>,
        tpu.vector_store %arg9[%parallel_loop3A_265, %parallel_loop3A_266], %parallel_loop3A_261 {strides = array<i32>} : memref<8x1024xf32, #tpu.memory_space<vmem>>, vector<16xf32>,
      } {sc.loop_unroll_factor = 4 : i64, sc.parallel_access}
      %mul3A_92 = arith.constant 8 : i32
      %mul3A_93 = arith.muli %add3A_61, %mul3A_92 : i32
      %add3A_94 = arith.addi %mul3A_2, %mul3A_93 : i32
      %dma_start3A_95 = arith.constant 0 : i32
      %dma_start3A_96 = tpu.memref_slice %arg4[%add3A_94, %dma_start3A_95] : memref<8192x4096xf32, #tpu.memory_space<hbm>> -> memref<8x1024xf32, #tpu.memory_space<hbm>>
      %dma_start3A_97 = arith.constant 0 : i32
      %dma_start3A_98 = tpu.memref_slice %arg4[%add3A_94, %dma_start3A_97] : memref<8192x4096xf32, #tpu.memory_space<hbm>> -> memref<8x1024xf32, #tpu.memory_space<hbm>>
      tpu.enqueue_dma source(%arg8 : memref<8x1024xf32, #tpu.memory_space<vmem>>) target(%dma_start3A_98 : memref<8x1024xf32, #tpu.memory_space<hbm>>) target_semaphore(%arg14 : memref<!tpu.dma_semaphore, #tpu.memory_space<semaphore_mem>>)
      %ge3A_99 = arith.constant 1 : i32
      %ge3A_100 = arith.cmpi sge, %add3A_61, %ge3A_99 : i32
      %convert_element_type3A_101 = arith.extui %ge3A_100 : i1 to i32
      %cond3A_102 = arith.constant 0 : i32
      %cond3A_103 = arith.cmpi ne, %convert_element_type3A_101, %cond3A_102 : i32
      scf.if %cond3A_103 {
        %sub3A = arith.constant 1 : i32
        %sub3A_205 = arith.subi %add3A_61, %sub3A : i32
        %mul3A_206 = arith.constant 8 : i32
        %mul3A_207 = arith.muli %sub3A_205, %mul3A_206 : i32
        %add3A_208 = arith.addi %mul3A_2, %mul3A_207 : i32
        %dma_wait3A_209 = arith.constant 2048 : i32
        %dma_wait3A_210 = tpu.memref_slice %arg4[%add3A_208, %dma_wait3A_209] : memref<8192x4096xf32, #tpu.memory_space<hbm>> -> memref<8x1024xf32, #tpu.memory_space<hbm>>
        %dma_wait3A_211 = arith.constant 2048 : i32
        %dma_wait3A_212 = tpu.memref_slice %arg4[%add3A_208, %dma_wait3A_211] : memref<8192x4096xf32, #tpu.memory_space<hbm>> -> memref<8x1024xf32, #tpu.memory_space<hbm>>
        tpu.wait_dma2 semaphore(%arg16 : memref<!tpu.dma_semaphore, #tpu.memory_space<semaphore_mem>>) src(%arg10 : memref<8x1024xf32, #tpu.memory_space<vmem>>) dst(%dma_wait3A_212 : memref<8x1024xf32, #tpu.memory_space<hbm>>)
      } else {
      }
      %parallel_loop3A_104 = arith.constant 0 : i32
      %parallel_loop3A_105 = arith.constant 64 : i32
      %parallel_loop3A_106 = arith.constant 1 : i32
      scf.for %parallel_loop3A_205 = %parallel_loop3A_104 to %parallel_loop3A_105 step %parallel_loop3A_106  : i32 {
        %parallel_loop3A_206 = arith.constant 128 : i32
        %parallel_loop3A_207 = arith.addi %parallel_loop3A_206, %parallel_loop3A_205 : i32
        %parallel_loop3A_208 = arith.constant 16 : i32
        %parallel_loop3A_209 = arith.muli %parallel_loop3A_207, %parallel_loop3A_208 : i32
        %parallel_loop3A_210 = arith.index_cast %parallel_loop3A_209 : i32 to index
        %parallel_loop3A_211 = tpu.vector_load %arg5[%parallel_loop3A_210] {strides = array<i32>} : memref<4096xi32, #tpu.memory_space<vmem>>, vector<16xi32>,
        %parallel_loop3A_212 = tpu.vector_load_idx %arg6[%broadcast_in_dim3A_3, %parallel_loop3A_211] : memref<8x4096xf32, #tpu.memory_space<vmem>>[vector<16xi32>, vector<16xi32>], vector<16xf32>,
        %parallel_loop3A_213 = arith.constant 16 : i32
        %parallel_loop3A_214 = arith.muli %parallel_loop3A_205, %parallel_loop3A_213 : i32
        %parallel_loop3A_215 = arith.constant 0 : i32
        %parallel_loop3A_216 = arith.index_cast %parallel_loop3A_215 : i32 to index
        %parallel_loop3A_217 = arith.index_cast %parallel_loop3A_214 : i32 to index
        %parallel_loop3A_218 = tpu.vector_load %arg10[%parallel_loop3A_216, %parallel_loop3A_217] {strides = array<i32>} : memref<8x1024xf32, #tpu.memory_space<vmem>>, vector<16xf32>,
        tpu.vector_store %arg10[%parallel_loop3A_216, %parallel_loop3A_217], %parallel_loop3A_212 {strides = array<i32>} : memref<8x1024xf32, #tpu.memory_space<vmem>>, vector<16xf32>,
        %parallel_loop3A_219 = tpu.vector_load_idx %arg6[%broadcast_in_dim3A_5, %parallel_loop3A_211] : memref<8x4096xf32, #tpu.memory_space<vmem>>[vector<16xi32>, vector<16xi32>], vector<16xf32>,
        %parallel_loop3A_220 = arith.constant 16 : i32
        %parallel_loop3A_221 = arith.muli %parallel_loop3A_205, %parallel_loop3A_220 : i32
        %parallel_loop3A_222 = arith.constant 1 : i32
        %parallel_loop3A_223 = arith.index_cast %parallel_loop3A_222 : i32 to index
        %parallel_loop3A_224 = arith.index_cast %parallel_loop3A_221 : i32 to index
        %parallel_loop3A_225 = tpu.vector_load %arg10[%parallel_loop3A_223, %parallel_loop3A_224] {strides = array<i32>} : memref<8x1024xf32, #tpu.memory_space<vmem>>, vector<16xf32>,
        tpu.vector_store %arg10[%parallel_loop3A_223, %parallel_loop3A_224], %parallel_loop3A_219 {strides = array<i32>} : memref<8x1024xf32, #tpu.memory_space<vmem>>, vector<16xf32>,
        %parallel_loop3A_226 = tpu.vector_load_idx %arg6[%broadcast_in_dim3A_7, %parallel_loop3A_211] : memref<8x4096xf32, #tpu.memory_space<vmem>>[vector<16xi32>, vector<16xi32>], vector<16xf32>,
        %parallel_loop3A_227 = arith.constant 16 : i32
        %parallel_loop3A_228 = arith.muli %parallel_loop3A_205, %parallel_loop3A_227 : i32
        %parallel_loop3A_229 = arith.constant 2 : i32
        %parallel_loop3A_230 = arith.index_cast %parallel_loop3A_229 : i32 to index
        %parallel_loop3A_231 = arith.index_cast %parallel_loop3A_228 : i32 to index
        %parallel_loop3A_232 = tpu.vector_load %arg10[%parallel_loop3A_230, %parallel_loop3A_231] {strides = array<i32>} : memref<8x1024xf32, #tpu.memory_space<vmem>>, vector<16xf32>,
        tpu.vector_store %arg10[%parallel_loop3A_230, %parallel_loop3A_231], %parallel_loop3A_226 {strides = array<i32>} : memref<8x1024xf32, #tpu.memory_space<vmem>>, vector<16xf32>,
        %parallel_loop3A_233 = tpu.vector_load_idx %arg6[%broadcast_in_dim3A_9, %parallel_loop3A_211] : memref<8x4096xf32, #tpu.memory_space<vmem>>[vector<16xi32>, vector<16xi32>], vector<16xf32>,
        %parallel_loop3A_234 = arith.constant 16 : i32
        %parallel_loop3A_235 = arith.muli %parallel_loop3A_205, %parallel_loop3A_234 : i32
        %parallel_loop3A_236 = arith.constant 3 : i32
        %parallel_loop3A_237 = arith.index_cast %parallel_loop3A_236 : i32 to index
        %parallel_loop3A_238 = arith.index_cast %parallel_loop3A_235 : i32 to index
        %parallel_loop3A_239 = tpu.vector_load %arg10[%parallel_loop3A_237, %parallel_loop3A_238] {strides = array<i32>} : memref<8x1024xf32, #tpu.memory_space<vmem>>, vector<16xf32>,
        tpu.vector_store %arg10[%parallel_loop3A_237, %parallel_loop3A_238], %parallel_loop3A_233 {strides = array<i32>} : memref<8x1024xf32, #tpu.memory_space<vmem>>, vector<16xf32>,
        %parallel_loop3A_240 = tpu.vector_load_idx %arg6[%broadcast_in_dim3A_11, %parallel_loop3A_211] : memref<8x4096xf32, #tpu.memory_space<vmem>>[vector<16xi32>, vector<16xi32>], vector<16xf32>,
        %parallel_loop3A_241 = arith.constant 16 : i32
        %parallel_loop3A_242 = arith.muli %parallel_loop3A_205, %parallel_loop3A_241 : i32
        %parallel_loop3A_243 = arith.constant 4 : i32
        %parallel_loop3A_244 = arith.index_cast %parallel_loop3A_243 : i32 to index
        %parallel_loop3A_245 = arith.index_cast %parallel_loop3A_242 : i32 to index
        %parallel_loop3A_246 = tpu.vector_load %arg10[%parallel_loop3A_244, %parallel_loop3A_245] {strides = array<i32>} : memref<8x1024xf32, #tpu.memory_space<vmem>>, vector<16xf32>,
        tpu.vector_store %arg10[%parallel_loop3A_244, %parallel_loop3A_245], %parallel_loop3A_240 {strides = array<i32>} : memref<8x1024xf32, #tpu.memory_space<vmem>>, vector<16xf32>,
        %parallel_loop3A_247 = tpu.vector_load_idx %arg6[%broadcast_in_dim3A_13, %parallel_loop3A_211] : memref<8x4096xf32, #tpu.memory_space<vmem>>[vector<16xi32>, vector<16xi32>], vector<16xf32>,
        %parallel_loop3A_248 = arith.constant 16 : i32
        %parallel_loop3A_249 = arith.muli %parallel_loop3A_205, %parallel_loop3A_248 : i32
        %parallel_loop3A_250 = arith.constant 5 : i32
        %parallel_loop3A_251 = arith.index_cast %parallel_loop3A_250 : i32 to index
        %parallel_loop3A_252 = arith.index_cast %parallel_loop3A_249 : i32 to index
        %parallel_loop3A_253 = tpu.vector_load %arg10[%parallel_loop3A_251, %parallel_loop3A_252] {strides = array<i32>} : memref<8x1024xf32, #tpu.memory_space<vmem>>, vector<16xf32>,
        tpu.vector_store %arg10[%parallel_loop3A_251, %parallel_loop3A_252], %parallel_loop3A_247 {strides = array<i32>} : memref<8x1024xf32, #tpu.memory_space<vmem>>, vector<16xf32>,
        %parallel_loop3A_254 = tpu.vector_load_idx %arg6[%broadcast_in_dim3A_15, %parallel_loop3A_211] : memref<8x4096xf32, #tpu.memory_space<vmem>>[vector<16xi32>, vector<16xi32>], vector<16xf32>,
        %parallel_loop3A_255 = arith.constant 16 : i32
        %parallel_loop3A_256 = arith.muli %parallel_loop3A_205, %parallel_loop3A_255 : i32
        %parallel_loop3A_257 = arith.constant 6 : i32
        %parallel_loop3A_258 = arith.index_cast %parallel_loop3A_257 : i32 to index
        %parallel_loop3A_259 = arith.index_cast %parallel_loop3A_256 : i32 to index
        %parallel_loop3A_260 = tpu.vector_load %arg10[%parallel_loop3A_258, %parallel_loop3A_259] {strides = array<i32>} : memref<8x1024xf32, #tpu.memory_space<vmem>>, vector<16xf32>,
        tpu.vector_store %arg10[%parallel_loop3A_258, %parallel_loop3A_259], %parallel_loop3A_254 {strides = array<i32>} : memref<8x1024xf32, #tpu.memory_space<vmem>>, vector<16xf32>,
        %parallel_loop3A_261 = tpu.vector_load_idx %arg6[%broadcast_in_dim3A_17, %parallel_loop3A_211] : memref<8x4096xf32, #tpu.memory_space<vmem>>[vector<16xi32>, vector<16xi32>], vector<16xf32>,
        %parallel_loop3A_262 = arith.constant 16 : i32
        %parallel_loop3A_263 = arith.muli %parallel_loop3A_205, %parallel_loop3A_262 : i32
        %parallel_loop3A_264 = arith.constant 7 : i32
        %parallel_loop3A_265 = arith.index_cast %parallel_loop3A_264 : i32 to index
        %parallel_loop3A_266 = arith.index_cast %parallel_loop3A_263 : i32 to index
        %parallel_loop3A_267 = tpu.vector_load %arg10[%parallel_loop3A_265, %parallel_loop3A_266] {strides = array<i32>} : memref<8x1024xf32, #tpu.memory_space<vmem>>, vector<16xf32>,
        tpu.vector_store %arg10[%parallel_loop3A_265, %parallel_loop3A_266], %parallel_loop3A_261 {strides = array<i32>} : memref<8x1024xf32, #tpu.memory_space<vmem>>, vector<16xf32>,
      } {sc.loop_unroll_factor = 4 : i64, sc.parallel_access}
      %mul3A_107 = arith.constant 8 : i32
      %mul3A_108 = arith.muli %add3A_61, %mul3A_107 : i32
      %add3A_109 = arith.addi %mul3A_2, %mul3A_108 : i32
      %dma_start3A_110 = arith.constant 1024 : i32
      %dma_start3A_111 = tpu.memref_slice %arg4[%add3A_109, %dma_start3A_110] : memref<8192x4096xf32, #tpu.memory_space<hbm>> -> memref<8x1024xf32, #tpu.memory_space<hbm>>
      %dma_start3A_112 = arith.constant 1024 : i32
      %dma_start3A_113 = tpu.memref_slice %arg4[%add3A_109, %dma_start3A_112] : memref<8192x4096xf32, #tpu.memory_space<hbm>> -> memref<8x1024xf32, #tpu.memory_space<hbm>>
      tpu.enqueue_dma source(%arg9 : memref<8x1024xf32, #tpu.memory_space<vmem>>) target(%dma_start3A_113 : memref<8x1024xf32, #tpu.memory_space<hbm>>) target_semaphore(%arg15 : memref<!tpu.dma_semaphore, #tpu.memory_space<semaphore_mem>>)
      %ge3A_114 = arith.constant 1 : i32
      %ge3A_115 = arith.cmpi sge, %add3A_61, %ge3A_114 : i32
      %convert_element_type3A_116 = arith.extui %ge3A_115 : i1 to i32
      %cond3A_117 = arith.constant 0 : i32
      %cond3A_118 = arith.cmpi ne, %convert_element_type3A_116, %cond3A_117 : i32
      scf.if %cond3A_118 {
        %sub3A = arith.constant 1 : i32
        %sub3A_205 = arith.subi %add3A_61, %sub3A : i32
        %mul3A_206 = arith.constant 8 : i32
        %mul3A_207 = arith.muli %sub3A_205, %mul3A_206 : i32
        %add3A_208 = arith.addi %mul3A_2, %mul3A_207 : i32
        %dma_wait3A_209 = arith.constant 3072 : i32
        %dma_wait3A_210 = tpu.memref_slice %arg4[%add3A_208, %dma_wait3A_209] : memref<8192x4096xf32, #tpu.memory_space<hbm>> -> memref<8x1024xf32, #tpu.memory_space<hbm>>
        %dma_wait3A_211 = arith.constant 3072 : i32
        %dma_wait3A_212 = tpu.memref_slice %arg4[%add3A_208, %dma_wait3A_211] : memref<8192x4096xf32, #tpu.memory_space<hbm>> -> memref<8x1024xf32, #tpu.memory_space<hbm>>
        tpu.wait_dma2 semaphore(%arg17 : memref<!tpu.dma_semaphore, #tpu.memory_space<semaphore_mem>>) src(%arg11 : memref<8x1024xf32, #tpu.memory_space<vmem>>) dst(%dma_wait3A_212 : memref<8x1024xf32, #tpu.memory_space<hbm>>)
      } else {
      }
      %parallel_loop3A_119 = arith.constant 0 : i32
      %parallel_loop3A_120 = arith.constant 64 : i32
      %parallel_loop3A_121 = arith.constant 1 : i32
      scf.for %parallel_loop3A_205 = %parallel_loop3A_119 to %parallel_loop3A_120 step %parallel_loop3A_121  : i32 {
        %parallel_loop3A_206 = arith.constant 192 : i32
        %parallel_loop3A_207 = arith.addi %parallel_loop3A_206, %parallel_loop3A_205 : i32
        %parallel_loop3A_208 = arith.constant 16 : i32
        %parallel_loop3A_209 = arith.muli %parallel_loop3A_207, %parallel_loop3A_208 : i32
        %parallel_loop3A_210 = arith.index_cast %parallel_loop3A_209 : i32 to index
        %parallel_loop3A_211 = tpu.vector_load %arg5[%parallel_loop3A_210] {strides = array<i32>} : memref<4096xi32, #tpu.memory_space<vmem>>, vector<16xi32>,
        %parallel_loop3A_212 = tpu.vector_load_idx %arg6[%broadcast_in_dim3A_3, %parallel_loop3A_211] : memref<8x4096xf32, #tpu.memory_space<vmem>>[vector<16xi32>, vector<16xi32>], vector<16xf32>,
        %parallel_loop3A_213 = arith.constant 16 : i32
        %parallel_loop3A_214 = arith.muli %parallel_loop3A_205, %parallel_loop3A_213 : i32
        %parallel_loop3A_215 = arith.constant 0 : i32
        %parallel_loop3A_216 = arith.index_cast %parallel_loop3A_215 : i32 to index
        %parallel_loop3A_217 = arith.index_cast %parallel_loop3A_214 : i32 to index
        %parallel_loop3A_218 = tpu.vector_load %arg11[%parallel_loop3A_216, %parallel_loop3A_217] {strides = array<i32>} : memref<8x1024xf32, #tpu.memory_space<vmem>>, vector<16xf32>,
        tpu.vector_store %arg11[%parallel_loop3A_216, %parallel_loop3A_217], %parallel_loop3A_212 {strides = array<i32>} : memref<8x1024xf32, #tpu.memory_space<vmem>>, vector<16xf32>,
        %parallel_loop3A_219 = tpu.vector_load_idx %arg6[%broadcast_in_dim3A_5, %parallel_loop3A_211] : memref<8x4096xf32, #tpu.memory_space<vmem>>[vector<16xi32>, vector<16xi32>], vector<16xf32>,
        %parallel_loop3A_220 = arith.constant 16 : i32
        %parallel_loop3A_221 = arith.muli %parallel_loop3A_205, %parallel_loop3A_220 : i32
        %parallel_loop3A_222 = arith.constant 1 : i32
        %parallel_loop3A_223 = arith.index_cast %parallel_loop3A_222 : i32 to index
        %parallel_loop3A_224 = arith.index_cast %parallel_loop3A_221 : i32 to index
        %parallel_loop3A_225 = tpu.vector_load %arg11[%parallel_loop3A_223, %parallel_loop3A_224] {strides = array<i32>} : memref<8x1024xf32, #tpu.memory_space<vmem>>, vector<16xf32>,
        tpu.vector_store %arg11[%parallel_loop3A_223, %parallel_loop3A_224], %parallel_loop3A_219 {strides = array<i32>} : memref<8x1024xf32, #tpu.memory_space<vmem>>, vector<16xf32>,
        %parallel_loop3A_226 = tpu.vector_load_idx %arg6[%broadcast_in_dim3A_7, %parallel_loop3A_211] : memref<8x4096xf32, #tpu.memory_space<vmem>>[vector<16xi32>, vector<16xi32>], vector<16xf32>,
        %parallel_loop3A_227 = arith.constant 16 : i32
        %parallel_loop3A_228 = arith.muli %parallel_loop3A_205, %parallel_loop3A_227 : i32
        %parallel_loop3A_229 = arith.constant 2 : i32
        %parallel_loop3A_230 = arith.index_cast %parallel_loop3A_229 : i32 to index
        %parallel_loop3A_231 = arith.index_cast %parallel_loop3A_228 : i32 to index
        %parallel_loop3A_232 = tpu.vector_load %arg11[%parallel_loop3A_230, %parallel_loop3A_231] {strides = array<i32>} : memref<8x1024xf32, #tpu.memory_space<vmem>>, vector<16xf32>,
        tpu.vector_store %arg11[%parallel_loop3A_230, %parallel_loop3A_231], %parallel_loop3A_226 {strides = array<i32>} : memref<8x1024xf32, #tpu.memory_space<vmem>>, vector<16xf32>,
        %parallel_loop3A_233 = tpu.vector_load_idx %arg6[%broadcast_in_dim3A_9, %parallel_loop3A_211] : memref<8x4096xf32, #tpu.memory_space<vmem>>[vector<16xi32>, vector<16xi32>], vector<16xf32>,
        %parallel_loop3A_234 = arith.constant 16 : i32
        %parallel_loop3A_235 = arith.muli %parallel_loop3A_205, %parallel_loop3A_234 : i32
        %parallel_loop3A_236 = arith.constant 3 : i32
        %parallel_loop3A_237 = arith.index_cast %parallel_loop3A_236 : i32 to index
        %parallel_loop3A_238 = arith.index_cast %parallel_loop3A_235 : i32 to index
        %parallel_loop3A_239 = tpu.vector_load %arg11[%parallel_loop3A_237, %parallel_loop3A_238] {strides = array<i32>} : memref<8x1024xf32, #tpu.memory_space<vmem>>, vector<16xf32>,
        tpu.vector_store %arg11[%parallel_loop3A_237, %parallel_loop3A_238], %parallel_loop3A_233 {strides = array<i32>} : memref<8x1024xf32, #tpu.memory_space<vmem>>, vector<16xf32>,
        %parallel_loop3A_240 = tpu.vector_load_idx %arg6[%broadcast_in_dim3A_11, %parallel_loop3A_211] : memref<8x4096xf32, #tpu.memory_space<vmem>>[vector<16xi32>, vector<16xi32>], vector<16xf32>,
        %parallel_loop3A_241 = arith.constant 16 : i32
        %parallel_loop3A_242 = arith.muli %parallel_loop3A_205, %parallel_loop3A_241 : i32
        %parallel_loop3A_243 = arith.constant 4 : i32
        %parallel_loop3A_244 = arith.index_cast %parallel_loop3A_243 : i32 to index
        %parallel_loop3A_245 = arith.index_cast %parallel_loop3A_242 : i32 to index
        %parallel_loop3A_246 = tpu.vector_load %arg11[%parallel_loop3A_244, %parallel_loop3A_245] {strides = array<i32>} : memref<8x1024xf32, #tpu.memory_space<vmem>>, vector<16xf32>,
        tpu.vector_store %arg11[%parallel_loop3A_244, %parallel_loop3A_245], %parallel_loop3A_240 {strides = array<i32>} : memref<8x1024xf32, #tpu.memory_space<vmem>>, vector<16xf32>,
        %parallel_loop3A_247 = tpu.vector_load_idx %arg6[%broadcast_in_dim3A_13, %parallel_loop3A_211] : memref<8x4096xf32, #tpu.memory_space<vmem>>[vector<16xi32>, vector<16xi32>], vector<16xf32>,
        %parallel_loop3A_248 = arith.constant 16 : i32
        %parallel_loop3A_249 = arith.muli %parallel_loop3A_205, %parallel_loop3A_248 : i32
        %parallel_loop3A_250 = arith.constant 5 : i32
        %parallel_loop3A_251 = arith.index_cast %parallel_loop3A_250 : i32 to index
        %parallel_loop3A_252 = arith.index_cast %parallel_loop3A_249 : i32 to index
        %parallel_loop3A_253 = tpu.vector_load %arg11[%parallel_loop3A_251, %parallel_loop3A_252] {strides = array<i32>} : memref<8x1024xf32, #tpu.memory_space<vmem>>, vector<16xf32>,
        tpu.vector_store %arg11[%parallel_loop3A_251, %parallel_loop3A_252], %parallel_loop3A_247 {strides = array<i32>} : memref<8x1024xf32, #tpu.memory_space<vmem>>, vector<16xf32>,
        %parallel_loop3A_254 = tpu.vector_load_idx %arg6[%broadcast_in_dim3A_15, %parallel_loop3A_211] : memref<8x4096xf32, #tpu.memory_space<vmem>>[vector<16xi32>, vector<16xi32>], vector<16xf32>,
        %parallel_loop3A_255 = arith.constant 16 : i32
        %parallel_loop3A_256 = arith.muli %parallel_loop3A_205, %parallel_loop3A_255 : i32
        %parallel_loop3A_257 = arith.constant 6 : i32
        %parallel_loop3A_258 = arith.index_cast %parallel_loop3A_257 : i32 to index
        %parallel_loop3A_259 = arith.index_cast %parallel_loop3A_256 : i32 to index
        %parallel_loop3A_260 = tpu.vector_load %arg11[%parallel_loop3A_258, %parallel_loop3A_259] {strides = array<i32>} : memref<8x1024xf32, #tpu.memory_space<vmem>>, vector<16xf32>,
        tpu.vector_store %arg11[%parallel_loop3A_258, %parallel_loop3A_259], %parallel_loop3A_254 {strides = array<i32>} : memref<8x1024xf32, #tpu.memory_space<vmem>>, vector<16xf32>,
        %parallel_loop3A_261 = tpu.vector_load_idx %arg6[%broadcast_in_dim3A_17, %parallel_loop3A_211] : memref<8x4096xf32, #tpu.memory_space<vmem>>[vector<16xi32>, vector<16xi32>], vector<16xf32>,
        %parallel_loop3A_262 = arith.constant 16 : i32
        %parallel_loop3A_263 = arith.muli %parallel_loop3A_205, %parallel_loop3A_262 : i32
        %parallel_loop3A_264 = arith.constant 7 : i32
        %parallel_loop3A_265 = arith.index_cast %parallel_loop3A_264 : i32 to index
        %parallel_loop3A_266 = arith.index_cast %parallel_loop3A_263 : i32 to index
        %parallel_loop3A_267 = tpu.vector_load %arg11[%parallel_loop3A_265, %parallel_loop3A_266] {strides = array<i32>} : memref<8x1024xf32, #tpu.memory_space<vmem>>, vector<16xf32>,
        tpu.vector_store %arg11[%parallel_loop3A_265, %parallel_loop3A_266], %parallel_loop3A_261 {strides = array<i32>} : memref<8x1024xf32, #tpu.memory_space<vmem>>, vector<16xf32>,
      } {sc.loop_unroll_factor = 4 : i64, sc.parallel_access}
      %mul3A_122 = arith.constant 8 : i32
      %mul3A_123 = arith.muli %add3A_61, %mul3A_122 : i32
      %add3A_124 = arith.addi %mul3A_2, %mul3A_123 : i32
      %dma_start3A_125 = arith.constant 2048 : i32
      %dma_start3A_126 = tpu.memref_slice %arg4[%add3A_124, %dma_start3A_125] : memref<8192x4096xf32, #tpu.memory_space<hbm>> -> memref<8x1024xf32, #tpu.memory_space<hbm>>
      %dma_start3A_127 = arith.constant 2048 : i32
      %dma_start3A_128 = tpu.memref_slice %arg4[%add3A_124, %dma_start3A_127] : memref<8192x4096xf32, #tpu.memory_space<hbm>> -> memref<8x1024xf32, #tpu.memory_space<hbm>>
      tpu.enqueue_dma source(%arg10 : memref<8x1024xf32, #tpu.memory_space<vmem>>) target(%dma_start3A_128 : memref<8x1024xf32, #tpu.memory_space<hbm>>) target_semaphore(%arg16 : memref<!tpu.dma_semaphore, #tpu.memory_space<semaphore_mem>>)
      %mul3A_129 = arith.constant 2 : i32
      %mul3A_130 = arith.muli %scan3A_57, %mul3A_129 : i32
      %add3A_131 = arith.constant 1 : i32
      %add3A_132 = arith.addi %mul3A_130, %add3A_131 : i32
      %mul3A_133 = arith.constant 8 : i32
      %mul3A_134 = arith.muli %add3A_132, %mul3A_133 : i32
      %add3A_135 = arith.addi %mul3A_2, %mul3A_134 : i32
      %dma_wait3A_136 = arith.constant 0 : i32
      %dma_wait3A_137 = tpu.memref_slice %arg2[%add3A_135, %dma_wait3A_136] : memref<8192x4096xf32, #tpu.memory_space<hbm>> -> memref<8x4096xf32, #tpu.memory_space<hbm>>
      %dma_wait3A_138 = arith.constant 0 : i32
      %dma_wait3A_139 = tpu.memref_slice %arg2[%add3A_135, %dma_wait3A_138] : memref<8192x4096xf32, #tpu.memory_space<hbm>> -> memref<8x4096xf32, #tpu.memory_space<hbm>>
      tpu.wait_dma2 semaphore(%arg13 : memref<!tpu.dma_semaphore, #tpu.memory_space<semaphore_mem>>) src(%dma_wait3A_139 : memref<8x4096xf32, #tpu.memory_space<hbm>>) dst(%arg7 : memref<8x4096xf32, #tpu.memory_space<vmem>>)
      %ge3A_140 = arith.constant 1 : i32
      %ge3A_141 = arith.cmpi sge, %add3A_132, %ge3A_140 : i32
      %convert_element_type3A_142 = arith.extui %ge3A_141 : i1 to i32
      %cond3A_143 = arith.constant 0 : i32
      %cond3A_144 = arith.cmpi ne, %convert_element_type3A_142, %cond3A_143 : i32
      scf.if %cond3A_144 {
        %sub3A = arith.constant 1 : i32
        %sub3A_205 = arith.subi %add3A_132, %sub3A : i32
        %mul3A_206 = arith.constant 8 : i32
        %mul3A_207 = arith.muli %sub3A_205, %mul3A_206 : i32
        %add3A_208 = arith.addi %mul3A_2, %mul3A_207 : i32
        %dma_wait3A_209 = arith.constant 0 : i32
        %dma_wait3A_210 = tpu.memref_slice %arg4[%add3A_208, %dma_wait3A_209] : memref<8192x4096xf32, #tpu.memory_space<hbm>> -> memref<8x1024xf32, #tpu.memory_space<hbm>>
        %dma_wait3A_211 = arith.constant 0 : i32
        %dma_wait3A_212 = tpu.memref_slice %arg4[%add3A_208, %dma_wait3A_211] : memref<8192x4096xf32, #tpu.memory_space<hbm>> -> memref<8x1024xf32, #tpu.memory_space<hbm>>
        tpu.wait_dma2 semaphore(%arg14 : memref<!tpu.dma_semaphore, #tpu.memory_space<semaphore_mem>>) src(%arg8 : memref<8x1024xf32, #tpu.memory_space<vmem>>) dst(%dma_wait3A_212 : memref<8x1024xf32, #tpu.memory_space<hbm>>)
      } else {
      }
      %parallel_loop3A_145 = arith.constant 0 : i32
      %parallel_loop3A_146 = arith.constant 64 : i32
      %parallel_loop3A_147 = arith.constant 1 : i32
      scf.for %parallel_loop3A_205 = %parallel_loop3A_145 to %parallel_loop3A_146 step %parallel_loop3A_147  : i32 {
        %parallel_loop3A_206 = arith.constant 0 : i32
        %parallel_loop3A_207 = arith.addi %parallel_loop3A_206, %parallel_loop3A_205 : i32
        %parallel_loop3A_208 = arith.constant 16 : i32
        %parallel_loop3A_209 = arith.muli %parallel_loop3A_207, %parallel_loop3A_208 : i32
        %parallel_loop3A_210 = arith.index_cast %parallel_loop3A_209 : i32 to index
        %parallel_loop3A_211 = tpu.vector_load %arg5[%parallel_loop3A_210] {strides = array<i32>} : memref<4096xi32, #tpu.memory_space<vmem>>, vector<16xi32>,
        %parallel_loop3A_212 = tpu.vector_load_idx %arg7[%broadcast_in_dim3A_3, %parallel_loop3A_211] : memref<8x4096xf32, #tpu.memory_space<vmem>>[vector<16xi32>, vector<16xi32>], vector<16xf32>,
        %parallel_loop3A_213 = arith.constant 16 : i32
        %parallel_loop3A_214 = arith.muli %parallel_loop3A_205, %parallel_loop3A_213 : i32
        %parallel_loop3A_215 = arith.constant 0 : i32
        %parallel_loop3A_216 = arith.index_cast %parallel_loop3A_215 : i32 to index
        %parallel_loop3A_217 = arith.index_cast %parallel_loop3A_214 : i32 to index
        %parallel_loop3A_218 = tpu.vector_load %arg8[%parallel_loop3A_216, %parallel_loop3A_217] {strides = array<i32>} : memref<8x1024xf32, #tpu.memory_space<vmem>>, vector<16xf32>,
        tpu.vector_store %arg8[%parallel_loop3A_216, %parallel_loop3A_217], %parallel_loop3A_212 {strides = array<i32>} : memref<8x1024xf32, #tpu.memory_space<vmem>>, vector<16xf32>,
        %parallel_loop3A_219 = tpu.vector_load_idx %arg7[%broadcast_in_dim3A_5, %parallel_loop3A_211] : memref<8x4096xf32, #tpu.memory_space<vmem>>[vector<16xi32>, vector<16xi32>], vector<16xf32>,
        %parallel_loop3A_220 = arith.constant 16 : i32
        %parallel_loop3A_221 = arith.muli %parallel_loop3A_205, %parallel_loop3A_220 : i32
        %parallel_loop3A_222 = arith.constant 1 : i32
        %parallel_loop3A_223 = arith.index_cast %parallel_loop3A_222 : i32 to index
        %parallel_loop3A_224 = arith.index_cast %parallel_loop3A_221 : i32 to index
        %parallel_loop3A_225 = tpu.vector_load %arg8[%parallel_loop3A_223, %parallel_loop3A_224] {strides = array<i32>} : memref<8x1024xf32, #tpu.memory_space<vmem>>, vector<16xf32>,
        tpu.vector_store %arg8[%parallel_loop3A_223, %parallel_loop3A_224], %parallel_loop3A_219 {strides = array<i32>} : memref<8x1024xf32, #tpu.memory_space<vmem>>, vector<16xf32>,
        %parallel_loop3A_226 = tpu.vector_load_idx %arg7[%broadcast_in_dim3A_7, %parallel_loop3A_211] : memref<8x4096xf32, #tpu.memory_space<vmem>>[vector<16xi32>, vector<16xi32>], vector<16xf32>,
        %parallel_loop3A_227 = arith.constant 16 : i32
        %parallel_loop3A_228 = arith.muli %parallel_loop3A_205, %parallel_loop3A_227 : i32
        %parallel_loop3A_229 = arith.constant 2 : i32
        %parallel_loop3A_230 = arith.index_cast %parallel_loop3A_229 : i32 to index
        %parallel_loop3A_231 = arith.index_cast %parallel_loop3A_228 : i32 to index
        %parallel_loop3A_232 = tpu.vector_load %arg8[%parallel_loop3A_230, %parallel_loop3A_231] {strides = array<i32>} : memref<8x1024xf32, #tpu.memory_space<vmem>>, vector<16xf32>,
        tpu.vector_store %arg8[%parallel_loop3A_230, %parallel_loop3A_231], %parallel_loop3A_226 {strides = array<i32>} : memref<8x1024xf32, #tpu.memory_space<vmem>>, vector<16xf32>,
        %parallel_loop3A_233 = tpu.vector_load_idx %arg7[%broadcast_in_dim3A_9, %parallel_loop3A_211] : memref<8x4096xf32, #tpu.memory_space<vmem>>[vector<16xi32>, vector<16xi32>], vector<16xf32>,
        %parallel_loop3A_234 = arith.constant 16 : i32
        %parallel_loop3A_235 = arith.muli %parallel_loop3A_205, %parallel_loop3A_234 : i32
        %parallel_loop3A_236 = arith.constant 3 : i32
        %parallel_loop3A_237 = arith.index_cast %parallel_loop3A_236 : i32 to index
        %parallel_loop3A_238 = arith.index_cast %parallel_loop3A_235 : i32 to index
        %parallel_loop3A_239 = tpu.vector_load %arg8[%parallel_loop3A_237, %parallel_loop3A_238] {strides = array<i32>} : memref<8x1024xf32, #tpu.memory_space<vmem>>, vector<16xf32>,
        tpu.vector_store %arg8[%parallel_loop3A_237, %parallel_loop3A_238], %parallel_loop3A_233 {strides = array<i32>} : memref<8x1024xf32, #tpu.memory_space<vmem>>, vector<16xf32>,
        %parallel_loop3A_240 = tpu.vector_load_idx %arg7[%broadcast_in_dim3A_11, %parallel_loop3A_211] : memref<8x4096xf32, #tpu.memory_space<vmem>>[vector<16xi32>, vector<16xi32>], vector<16xf32>,
        %parallel_loop3A_241 = arith.constant 16 : i32
        %parallel_loop3A_242 = arith.muli %parallel_loop3A_205, %parallel_loop3A_241 : i32
        %parallel_loop3A_243 = arith.constant 4 : i32
        %parallel_loop3A_244 = arith.index_cast %parallel_loop3A_243 : i32 to index
        %parallel_loop3A_245 = arith.index_cast %parallel_loop3A_242 : i32 to index
        %parallel_loop3A_246 = tpu.vector_load %arg8[%parallel_loop3A_244, %parallel_loop3A_245] {strides = array<i32>} : memref<8x1024xf32, #tpu.memory_space<vmem>>, vector<16xf32>,
        tpu.vector_store %arg8[%parallel_loop3A_244, %parallel_loop3A_245], %parallel_loop3A_240 {strides = array<i32>} : memref<8x1024xf32, #tpu.memory_space<vmem>>, vector<16xf32>,
        %parallel_loop3A_247 = tpu.vector_load_idx %arg7[%broadcast_in_dim3A_13, %parallel_loop3A_211] : memref<8x4096xf32, #tpu.memory_space<vmem>>[vector<16xi32>, vector<16xi32>], vector<16xf32>,
        %parallel_loop3A_248 = arith.constant 16 : i32
        %parallel_loop3A_249 = arith.muli %parallel_loop3A_205, %parallel_loop3A_248 : i32
        %parallel_loop3A_250 = arith.constant 5 : i32
        %parallel_loop3A_251 = arith.index_cast %parallel_loop3A_250 : i32 to index
        %parallel_loop3A_252 = arith.index_cast %parallel_loop3A_249 : i32 to index
        %parallel_loop3A_253 = tpu.vector_load %arg8[%parallel_loop3A_251, %parallel_loop3A_252] {strides = array<i32>} : memref<8x1024xf32, #tpu.memory_space<vmem>>, vector<16xf32>,
        tpu.vector_store %arg8[%parallel_loop3A_251, %parallel_loop3A_252], %parallel_loop3A_247 {strides = array<i32>} : memref<8x1024xf32, #tpu.memory_space<vmem>>, vector<16xf32>,
        %parallel_loop3A_254 = tpu.vector_load_idx %arg7[%broadcast_in_dim3A_15, %parallel_loop3A_211] : memref<8x4096xf32, #tpu.memory_space<vmem>>[vector<16xi32>, vector<16xi32>], vector<16xf32>,
        %parallel_loop3A_255 = arith.constant 16 : i32
        %parallel_loop3A_256 = arith.muli %parallel_loop3A_205, %parallel_loop3A_255 : i32
        %parallel_loop3A_257 = arith.constant 6 : i32
        %parallel_loop3A_258 = arith.index_cast %parallel_loop3A_257 : i32 to index
        %parallel_loop3A_259 = arith.index_cast %parallel_loop3A_256 : i32 to index
        %parallel_loop3A_260 = tpu.vector_load %arg8[%parallel_loop3A_258, %parallel_loop3A_259] {strides = array<i32>} : memref<8x1024xf32, #tpu.memory_space<vmem>>, vector<16xf32>,
        tpu.vector_store %arg8[%parallel_loop3A_258, %parallel_loop3A_259], %parallel_loop3A_254 {strides = array<i32>} : memref<8x1024xf32, #tpu.memory_space<vmem>>, vector<16xf32>,
        %parallel_loop3A_261 = tpu.vector_load_idx %arg7[%broadcast_in_dim3A_17, %parallel_loop3A_211] : memref<8x4096xf32, #tpu.memory_space<vmem>>[vector<16xi32>, vector<16xi32>], vector<16xf32>,
        %parallel_loop3A_262 = arith.constant 16 : i32
        %parallel_loop3A_263 = arith.muli %parallel_loop3A_205, %parallel_loop3A_262 : i32
        %parallel_loop3A_264 = arith.constant 7 : i32
        %parallel_loop3A_265 = arith.index_cast %parallel_loop3A_264 : i32 to index
        %parallel_loop3A_266 = arith.index_cast %parallel_loop3A_263 : i32 to index
        %parallel_loop3A_267 = tpu.vector_load %arg8[%parallel_loop3A_265, %parallel_loop3A_266] {strides = array<i32>} : memref<8x1024xf32, #tpu.memory_space<vmem>>, vector<16xf32>,
        tpu.vector_store %arg8[%parallel_loop3A_265, %parallel_loop3A_266], %parallel_loop3A_261 {strides = array<i32>} : memref<8x1024xf32, #tpu.memory_space<vmem>>, vector<16xf32>,
      } {sc.loop_unroll_factor = 4 : i64, sc.parallel_access}
      %add3A_148 = arith.constant 1 : i32
      %add3A_149 = arith.addi %add3A_132, %add3A_148 : i32
      %lt3A_150 = arith.constant 32 : i32
      %lt3A_151 = arith.cmpi slt, %add3A_149, %lt3A_150 : i32
      %convert_element_type3A_152 = arith.extui %lt3A_151 : i1 to i32
      %cond3A_153 = arith.constant 0 : i32
      %cond3A_154 = arith.cmpi ne, %convert_element_type3A_152, %cond3A_153 : i32
      scf.if %cond3A_154 {
        %add3A_205 = arith.constant 1 : i32
        %add3A_206 = arith.addi %add3A_132, %add3A_205 : i32
        %mul3A_207 = arith.constant 8 : i32
        %mul3A_208 = arith.muli %add3A_206, %mul3A_207 : i32
        %add3A_209 = arith.addi %mul3A_2, %mul3A_208 : i32
        %dma_start3A_210 = arith.constant 0 : i32
        %dma_start3A_211 = tpu.memref_slice %arg2[%add3A_209, %dma_start3A_210] : memref<8192x4096xf32, #tpu.memory_space<hbm>> -> memref<8x4096xf32, #tpu.memory_space<hbm>>
        %dma_start3A_212 = arith.constant 0 : i32
        %dma_start3A_213 = tpu.memref_slice %arg2[%add3A_209, %dma_start3A_212] : memref<8192x4096xf32, #tpu.memory_space<hbm>> -> memref<8x4096xf32, #tpu.memory_space<hbm>>
        tpu.enqueue_dma source(%dma_start3A_213 : memref<8x4096xf32, #tpu.memory_space<hbm>>) target(%arg6 : memref<8x4096xf32, #tpu.memory_space<vmem>>) target_semaphore(%arg12 : memref<!tpu.dma_semaphore, #tpu.memory_space<semaphore_mem>>)
      } else {
      }
      %ge3A_155 = arith.constant 1 : i32
      %ge3A_156 = arith.cmpi sge, %add3A_132, %ge3A_155 : i32
      %convert_element_type3A_157 = arith.extui %ge3A_156 : i1 to i32
      %cond3A_158 = arith.constant 0 : i32
      %cond3A_159 = arith.cmpi ne, %convert_element_type3A_157, %cond3A_158 : i32
      scf.if %cond3A_159 {
        %sub3A = arith.constant 1 : i32
        %sub3A_205 = arith.subi %add3A_132, %sub3A : i32
        %mul3A_206 = arith.constant 8 : i32
        %mul3A_207 = arith.muli %sub3A_205, %mul3A_206 : i32
        %add3A_208 = arith.addi %mul3A_2, %mul3A_207 : i32
        %dma_start3A_209 = arith.constant 3072 : i32
        %dma_start3A_210 = tpu.memref_slice %arg4[%add3A_208, %dma_start3A_209] : memref<8192x4096xf32, #tpu.memory_space<hbm>> -> memref<8x1024xf32, #tpu.memory_space<hbm>>
        %dma_start3A_211 = arith.constant 3072 : i32
        %dma_start3A_212 = tpu.memref_slice %arg4[%add3A_208, %dma_start3A_211] : memref<8192x4096xf32, #tpu.memory_space<hbm>> -> memref<8x1024xf32, #tpu.memory_space<hbm>>
        tpu.enqueue_dma source(%arg11 : memref<8x1024xf32, #tpu.memory_space<vmem>>) target(%dma_start3A_212 : memref<8x1024xf32, #tpu.memory_space<hbm>>) target_semaphore(%arg17 : memref<!tpu.dma_semaphore, #tpu.memory_space<semaphore_mem>>)
      } else {
      }
      %ge3A_160 = arith.constant 1 : i32
      %ge3A_161 = arith.cmpi sge, %add3A_132, %ge3A_160 : i32
      %convert_element_type3A_162 = arith.extui %ge3A_161 : i1 to i32
      %cond3A_163 = arith.constant 0 : i32
      %cond3A_164 = arith.cmpi ne, %convert_element_type3A_162, %cond3A_163 : i32
      scf.if %cond3A_164 {
        %sub3A = arith.constant 1 : i32
        %sub3A_205 = arith.subi %add3A_132, %sub3A : i32
        %mul3A_206 = arith.constant 8 : i32
        %mul3A_207 = arith.muli %sub3A_205, %mul3A_206 : i32
        %add3A_208 = arith.addi %mul3A_2, %mul3A_207 : i32
        %dma_wait3A_209 = arith.constant 1024 : i32
        %dma_wait3A_210 = tpu.memref_slice %arg4[%add3A_208, %dma_wait3A_209] : memref<8192x4096xf32, #tpu.memory_space<hbm>> -> memref<8x1024xf32, #tpu.memory_space<hbm>>
        %dma_wait3A_211 = arith.constant 1024 : i32
        %dma_wait3A_212 = tpu.memref_slice %arg4[%add3A_208, %dma_wait3A_211] : memref<8192x4096xf32, #tpu.memory_space<hbm>> -> memref<8x1024xf32, #tpu.memory_space<hbm>>
        tpu.wait_dma2 semaphore(%arg15 : memref<!tpu.dma_semaphore, #tpu.memory_space<semaphore_mem>>) src(%arg9 : memref<8x1024xf32, #tpu.memory_space<vmem>>) dst(%dma_wait3A_212 : memref<8x1024xf32, #tpu.memory_space<hbm>>)
      } else {
      }
      %parallel_loop3A_165 = arith.constant 0 : i32
      %parallel_loop3A_166 = arith.constant 64 : i32
      %parallel_loop3A_167 = arith.constant 1 : i32
      scf.for %parallel_loop3A_205 = %parallel_loop3A_165 to %parallel_loop3A_166 step %parallel_loop3A_167  : i32 {
        %parallel_loop3A_206 = arith.constant 64 : i32
        %parallel_loop3A_207 = arith.addi %parallel_loop3A_206, %parallel_loop3A_205 : i32
        %parallel_loop3A_208 = arith.constant 16 : i32
        %parallel_loop3A_209 = arith.muli %parallel_loop3A_207, %parallel_loop3A_208 : i32
        %parallel_loop3A_210 = arith.index_cast %parallel_loop3A_209 : i32 to index
        %parallel_loop3A_211 = tpu.vector_load %arg5[%parallel_loop3A_210] {strides = array<i32>} : memref<4096xi32, #tpu.memory_space<vmem>>, vector<16xi32>,
        %parallel_loop3A_212 = tpu.vector_load_idx %arg7[%broadcast_in_dim3A_3, %parallel_loop3A_211] : memref<8x4096xf32, #tpu.memory_space<vmem>>[vector<16xi32>, vector<16xi32>], vector<16xf32>,
        %parallel_loop3A_213 = arith.constant 16 : i32
        %parallel_loop3A_214 = arith.muli %parallel_loop3A_205, %parallel_loop3A_213 : i32
        %parallel_loop3A_215 = arith.constant 0 : i32
        %parallel_loop3A_216 = arith.index_cast %parallel_loop3A_215 : i32 to index
        %parallel_loop3A_217 = arith.index_cast %parallel_loop3A_214 : i32 to index
        %parallel_loop3A_218 = tpu.vector_load %arg9[%parallel_loop3A_216, %parallel_loop3A_217] {strides = array<i32>} : memref<8x1024xf32, #tpu.memory_space<vmem>>, vector<16xf32>,
        tpu.vector_store %arg9[%parallel_loop3A_216, %parallel_loop3A_217], %parallel_loop3A_212 {strides = array<i32>} : memref<8x1024xf32, #tpu.memory_space<vmem>>, vector<16xf32>,
        %parallel_loop3A_219 = tpu.vector_load_idx %arg7[%broadcast_in_dim3A_5, %parallel_loop3A_211] : memref<8x4096xf32, #tpu.memory_space<vmem>>[vector<16xi32>, vector<16xi32>], vector<16xf32>,
        %parallel_loop3A_220 = arith.constant 16 : i32
        %parallel_loop3A_221 = arith.muli %parallel_loop3A_205, %parallel_loop3A_220 : i32
        %parallel_loop3A_222 = arith.constant 1 : i32
        %parallel_loop3A_223 = arith.index_cast %parallel_loop3A_222 : i32 to index
        %parallel_loop3A_224 = arith.index_cast %parallel_loop3A_221 : i32 to index
        %parallel_loop3A_225 = tpu.vector_load %arg9[%parallel_loop3A_223, %parallel_loop3A_224] {strides = array<i32>} : memref<8x1024xf32, #tpu.memory_space<vmem>>, vector<16xf32>,
        tpu.vector_store %arg9[%parallel_loop3A_223, %parallel_loop3A_224], %parallel_loop3A_219 {strides = array<i32>} : memref<8x1024xf32, #tpu.memory_space<vmem>>, vector<16xf32>,
        %parallel_loop3A_226 = tpu.vector_load_idx %arg7[%broadcast_in_dim3A_7, %parallel_loop3A_211] : memref<8x4096xf32, #tpu.memory_space<vmem>>[vector<16xi32>, vector<16xi32>], vector<16xf32>,
        %parallel_loop3A_227 = arith.constant 16 : i32
        %parallel_loop3A_228 = arith.muli %parallel_loop3A_205, %parallel_loop3A_227 : i32
        %parallel_loop3A_229 = arith.constant 2 : i32
        %parallel_loop3A_230 = arith.index_cast %parallel_loop3A_229 : i32 to index
        %parallel_loop3A_231 = arith.index_cast %parallel_loop3A_228 : i32 to index
        %parallel_loop3A_232 = tpu.vector_load %arg9[%parallel_loop3A_230, %parallel_loop3A_231] {strides = array<i32>} : memref<8x1024xf32, #tpu.memory_space<vmem>>, vector<16xf32>,
        tpu.vector_store %arg9[%parallel_loop3A_230, %parallel_loop3A_231], %parallel_loop3A_226 {strides = array<i32>} : memref<8x1024xf32, #tpu.memory_space<vmem>>, vector<16xf32>,
        %parallel_loop3A_233 = tpu.vector_load_idx %arg7[%broadcast_in_dim3A_9, %parallel_loop3A_211] : memref<8x4096xf32, #tpu.memory_space<vmem>>[vector<16xi32>, vector<16xi32>], vector<16xf32>,
        %parallel_loop3A_234 = arith.constant 16 : i32
        %parallel_loop3A_235 = arith.muli %parallel_loop3A_205, %parallel_loop3A_234 : i32
        %parallel_loop3A_236 = arith.constant 3 : i32
        %parallel_loop3A_237 = arith.index_cast %parallel_loop3A_236 : i32 to index
        %parallel_loop3A_238 = arith.index_cast %parallel_loop3A_235 : i32 to index
        %parallel_loop3A_239 = tpu.vector_load %arg9[%parallel_loop3A_237, %parallel_loop3A_238] {strides = array<i32>} : memref<8x1024xf32, #tpu.memory_space<vmem>>, vector<16xf32>,
        tpu.vector_store %arg9[%parallel_loop3A_237, %parallel_loop3A_238], %parallel_loop3A_233 {strides = array<i32>} : memref<8x1024xf32, #tpu.memory_space<vmem>>, vector<16xf32>,
        %parallel_loop3A_240 = tpu.vector_load_idx %arg7[%broadcast_in_dim3A_11, %parallel_loop3A_211] : memref<8x4096xf32, #tpu.memory_space<vmem>>[vector<16xi32>, vector<16xi32>], vector<16xf32>,
        %parallel_loop3A_241 = arith.constant 16 : i32
        %parallel_loop3A_242 = arith.muli %parallel_loop3A_205, %parallel_loop3A_241 : i32
        %parallel_loop3A_243 = arith.constant 4 : i32
        %parallel_loop3A_244 = arith.index_cast %parallel_loop3A_243 : i32 to index
        %parallel_loop3A_245 = arith.index_cast %parallel_loop3A_242 : i32 to index
        %parallel_loop3A_246 = tpu.vector_load %arg9[%parallel_loop3A_244, %parallel_loop3A_245] {strides = array<i32>} : memref<8x1024xf32, #tpu.memory_space<vmem>>, vector<16xf32>,
        tpu.vector_store %arg9[%parallel_loop3A_244, %parallel_loop3A_245], %parallel_loop3A_240 {strides = array<i32>} : memref<8x1024xf32, #tpu.memory_space<vmem>>, vector<16xf32>,
        %parallel_loop3A_247 = tpu.vector_load_idx %arg7[%broadcast_in_dim3A_13, %parallel_loop3A_211] : memref<8x4096xf32, #tpu.memory_space<vmem>>[vector<16xi32>, vector<16xi32>], vector<16xf32>,
        %parallel_loop3A_248 = arith.constant 16 : i32
        %parallel_loop3A_249 = arith.muli %parallel_loop3A_205, %parallel_loop3A_248 : i32
        %parallel_loop3A_250 = arith.constant 5 : i32
        %parallel_loop3A_251 = arith.index_cast %parallel_loop3A_250 : i32 to index
        %parallel_loop3A_252 = arith.index_cast %parallel_loop3A_249 : i32 to index
        %parallel_loop3A_253 = tpu.vector_load %arg9[%parallel_loop3A_251, %parallel_loop3A_252] {strides = array<i32>} : memref<8x1024xf32, #tpu.memory_space<vmem>>, vector<16xf32>,
        tpu.vector_store %arg9[%parallel_loop3A_251, %parallel_loop3A_252], %parallel_loop3A_247 {strides = array<i32>} : memref<8x1024xf32, #tpu.memory_space<vmem>>, vector<16xf32>,
        %parallel_loop3A_254 = tpu.vector_load_idx %arg7[%broadcast_in_dim3A_15, %parallel_loop3A_211] : memref<8x4096xf32, #tpu.memory_space<vmem>>[vector<16xi32>, vector<16xi32>], vector<16xf32>,
        %parallel_loop3A_255 = arith.constant 16 : i32
        %parallel_loop3A_256 = arith.muli %parallel_loop3A_205, %parallel_loop3A_255 : i32
        %parallel_loop3A_257 = arith.constant 6 : i32
        %parallel_loop3A_258 = arith.index_cast %parallel_loop3A_257 : i32 to index
        %parallel_loop3A_259 = arith.index_cast %parallel_loop3A_256 : i32 to index
        %parallel_loop3A_260 = tpu.vector_load %arg9[%parallel_loop3A_258, %parallel_loop3A_259] {strides = array<i32>} : memref<8x1024xf32, #tpu.memory_space<vmem>>, vector<16xf32>,
        tpu.vector_store %arg9[%parallel_loop3A_258, %parallel_loop3A_259], %parallel_loop3A_254 {strides = array<i32>} : memref<8x1024xf32, #tpu.memory_space<vmem>>, vector<16xf32>,
        %parallel_loop3A_261 = tpu.vector_load_idx %arg7[%broadcast_in_dim3A_17, %parallel_loop3A_211] : memref<8x4096xf32, #tpu.memory_space<vmem>>[vector<16xi32>, vector<16xi32>], vector<16xf32>,
        %parallel_loop3A_262 = arith.constant 16 : i32
        %parallel_loop3A_263 = arith.muli %parallel_loop3A_205, %parallel_loop3A_262 : i32
        %parallel_loop3A_264 = arith.constant 7 : i32
        %parallel_loop3A_265 = arith.index_cast %parallel_loop3A_264 : i32 to index
        %parallel_loop3A_266 = arith.index_cast %parallel_loop3A_263 : i32 to index
        %parallel_loop3A_267 = tpu.vector_load %arg9[%parallel_loop3A_265, %parallel_loop3A_266] {strides = array<i32>} : memref<8x1024xf32, #tpu.memory_space<vmem>>, vector<16xf32>,
        tpu.vector_store %arg9[%parallel_loop3A_265, %parallel_loop3A_266], %parallel_loop3A_261 {strides = array<i32>} : memref<8x1024xf32, #tpu.memory_space<vmem>>, vector<16xf32>,
      } {sc.loop_unroll_factor = 4 : i64, sc.parallel_access}
      %mul3A_168 = arith.constant 8 : i32
      %mul3A_169 = arith.muli %add3A_132, %mul3A_168 : i32
      %add3A_170 = arith.addi %mul3A_2, %mul3A_169 : i32
      %dma_start3A_171 = arith.constant 0 : i32
      %dma_start3A_172 = tpu.memref_slice %arg4[%add3A_170, %dma_start3A_171] : memref<8192x4096xf32, #tpu.memory_space<hbm>> -> memref<8x1024xf32, #tpu.memory_space<hbm>>
      %dma_start3A_173 = arith.constant 0 : i32
      %dma_start3A_174 = tpu.memref_slice %arg4[%add3A_170, %dma_start3A_173] : memref<8192x4096xf32, #tpu.memory_space<hbm>> -> memref<8x1024xf32, #tpu.memory_space<hbm>>
      tpu.enqueue_dma source(%arg8 : memref<8x1024xf32, #tpu.memory_space<vmem>>) target(%dma_start3A_174 : memref<8x1024xf32, #tpu.memory_space<hbm>>) target_semaphore(%arg14 : memref<!tpu.dma_semaphore, #tpu.memory_space<semaphore_mem>>)
      %ge3A_175 = arith.constant 1 : i32
      %ge3A_176 = arith.cmpi sge, %add3A_132, %ge3A_175 : i32
      %convert_element_type3A_177 = arith.extui %ge3A_176 : i1 to i32
      %cond3A_178 = arith.constant 0 : i32
      %cond3A_179 = arith.cmpi ne, %convert_element_type3A_177, %cond3A_178 : i32
      scf.if %cond3A_179 {
        %sub3A = arith.constant 1 : i32
        %sub3A_205 = arith.subi %add3A_132, %sub3A : i32
        %mul3A_206 = arith.constant 8 : i32
        %mul3A_207 = arith.muli %sub3A_205, %mul3A_206 : i32
        %add3A_208 = arith.addi %mul3A_2, %mul3A_207 : i32
        %dma_wait3A_209 = arith.constant 2048 : i32
        %dma_wait3A_210 = tpu.memref_slice %arg4[%add3A_208, %dma_wait3A_209] : memref<8192x4096xf32, #tpu.memory_space<hbm>> -> memref<8x1024xf32, #tpu.memory_space<hbm>>
        %dma_wait3A_211 = arith.constant 2048 : i32
        %dma_wait3A_212 = tpu.memref_slice %arg4[%add3A_208, %dma_wait3A_211] : memref<8192x4096xf32, #tpu.memory_space<hbm>> -> memref<8x1024xf32, #tpu.memory_space<hbm>>
        tpu.wait_dma2 semaphore(%arg16 : memref<!tpu.dma_semaphore, #tpu.memory_space<semaphore_mem>>) src(%arg10 : memref<8x1024xf32, #tpu.memory_space<vmem>>) dst(%dma_wait3A_212 : memref<8x1024xf32, #tpu.memory_space<hbm>>)
      } else {
      }
      %parallel_loop3A_180 = arith.constant 0 : i32
      %parallel_loop3A_181 = arith.constant 64 : i32
      %parallel_loop3A_182 = arith.constant 1 : i32
      scf.for %parallel_loop3A_205 = %parallel_loop3A_180 to %parallel_loop3A_181 step %parallel_loop3A_182  : i32 {
        %parallel_loop3A_206 = arith.constant 128 : i32
        %parallel_loop3A_207 = arith.addi %parallel_loop3A_206, %parallel_loop3A_205 : i32
        %parallel_loop3A_208 = arith.constant 16 : i32
        %parallel_loop3A_209 = arith.muli %parallel_loop3A_207, %parallel_loop3A_208 : i32
        %parallel_loop3A_210 = arith.index_cast %parallel_loop3A_209 : i32 to index
        %parallel_loop3A_211 = tpu.vector_load %arg5[%parallel_loop3A_210] {strides = array<i32>} : memref<4096xi32, #tpu.memory_space<vmem>>, vector<16xi32>,
        %parallel_loop3A_212 = tpu.vector_load_idx %arg7[%broadcast_in_dim3A_3, %parallel_loop3A_211] : memref<8x4096xf32, #tpu.memory_space<vmem>>[vector<16xi32>, vector<16xi32>], vector<16xf32>,
        %parallel_loop3A_213 = arith.constant 16 : i32
        %parallel_loop3A_214 = arith.muli %parallel_loop3A_205, %parallel_loop3A_213 : i32
        %parallel_loop3A_215 = arith.constant 0 : i32
        %parallel_loop3A_216 = arith.index_cast %parallel_loop3A_215 : i32 to index
        %parallel_loop3A_217 = arith.index_cast %parallel_loop3A_214 : i32 to index
        %parallel_loop3A_218 = tpu.vector_load %arg10[%parallel_loop3A_216, %parallel_loop3A_217] {strides = array<i32>} : memref<8x1024xf32, #tpu.memory_space<vmem>>, vector<16xf32>,
        tpu.vector_store %arg10[%parallel_loop3A_216, %parallel_loop3A_217], %parallel_loop3A_212 {strides = array<i32>} : memref<8x1024xf32, #tpu.memory_space<vmem>>, vector<16xf32>,
        %parallel_loop3A_219 = tpu.vector_load_idx %arg7[%broadcast_in_dim3A_5, %parallel_loop3A_211] : memref<8x4096xf32, #tpu.memory_space<vmem>>[vector<16xi32>, vector<16xi32>], vector<16xf32>,
        %parallel_loop3A_220 = arith.constant 16 : i32
        %parallel_loop3A_221 = arith.muli %parallel_loop3A_205, %parallel_loop3A_220 : i32
        %parallel_loop3A_222 = arith.constant 1 : i32
        %parallel_loop3A_223 = arith.index_cast %parallel_loop3A_222 : i32 to index
        %parallel_loop3A_224 = arith.index_cast %parallel_loop3A_221 : i32 to index
        %parallel_loop3A_225 = tpu.vector_load %arg10[%parallel_loop3A_223, %parallel_loop3A_224] {strides = array<i32>} : memref<8x1024xf32, #tpu.memory_space<vmem>>, vector<16xf32>,
        tpu.vector_store %arg10[%parallel_loop3A_223, %parallel_loop3A_224], %parallel_loop3A_219 {strides = array<i32>} : memref<8x1024xf32, #tpu.memory_space<vmem>>, vector<16xf32>,
        %parallel_loop3A_226 = tpu.vector_load_idx %arg7[%broadcast_in_dim3A_7, %parallel_loop3A_211] : memref<8x4096xf32, #tpu.memory_space<vmem>>[vector<16xi32>, vector<16xi32>], vector<16xf32>,
        %parallel_loop3A_227 = arith.constant 16 : i32
        %parallel_loop3A_228 = arith.muli %parallel_loop3A_205, %parallel_loop3A_227 : i32
        %parallel_loop3A_229 = arith.constant 2 : i32
        %parallel_loop3A_230 = arith.index_cast %parallel_loop3A_229 : i32 to index
        %parallel_loop3A_231 = arith.index_cast %parallel_loop3A_228 : i32 to index
        %parallel_loop3A_232 = tpu.vector_load %arg10[%parallel_loop3A_230, %parallel_loop3A_231] {strides = array<i32>} : memref<8x1024xf32, #tpu.memory_space<vmem>>, vector<16xf32>,
        tpu.vector_store %arg10[%parallel_loop3A_230, %parallel_loop3A_231], %parallel_loop3A_226 {strides = array<i32>} : memref<8x1024xf32, #tpu.memory_space<vmem>>, vector<16xf32>,
        %parallel_loop3A_233 = tpu.vector_load_idx %arg7[%broadcast_in_dim3A_9, %parallel_loop3A_211] : memref<8x4096xf32, #tpu.memory_space<vmem>>[vector<16xi32>, vector<16xi32>], vector<16xf32>,
        %parallel_loop3A_234 = arith.constant 16 : i32
        %parallel_loop3A_235 = arith.muli %parallel_loop3A_205, %parallel_loop3A_234 : i32
        %parallel_loop3A_236 = arith.constant 3 : i32
        %parallel_loop3A_237 = arith.index_cast %parallel_loop3A_236 : i32 to index
        %parallel_loop3A_238 = arith.index_cast %parallel_loop3A_235 : i32 to index
        %parallel_loop3A_239 = tpu.vector_load %arg10[%parallel_loop3A_237, %parallel_loop3A_238] {strides = array<i32>} : memref<8x1024xf32, #tpu.memory_space<vmem>>, vector<16xf32>,
        tpu.vector_store %arg10[%parallel_loop3A_237, %parallel_loop3A_238], %parallel_loop3A_233 {strides = array<i32>} : memref<8x1024xf32, #tpu.memory_space<vmem>>, vector<16xf32>,
        %parallel_loop3A_240 = tpu.vector_load_idx %arg7[%broadcast_in_dim3A_11, %parallel_loop3A_211] : memref<8x4096xf32, #tpu.memory_space<vmem>>[vector<16xi32>, vector<16xi32>], vector<16xf32>,
        %parallel_loop3A_241 = arith.constant 16 : i32
        %parallel_loop3A_242 = arith.muli %parallel_loop3A_205, %parallel_loop3A_241 : i32
        %parallel_loop3A_243 = arith.constant 4 : i32
        %parallel_loop3A_244 = arith.index_cast %parallel_loop3A_243 : i32 to index
        %parallel_loop3A_245 = arith.index_cast %parallel_loop3A_242 : i32 to index
        %parallel_loop3A_246 = tpu.vector_load %arg10[%parallel_loop3A_244, %parallel_loop3A_245] {strides = array<i32>} : memref<8x1024xf32, #tpu.memory_space<vmem>>, vector<16xf32>,
        tpu.vector_store %arg10[%parallel_loop3A_244, %parallel_loop3A_245], %parallel_loop3A_240 {strides = array<i32>} : memref<8x1024xf32, #tpu.memory_space<vmem>>, vector<16xf32>,
        %parallel_loop3A_247 = tpu.vector_load_idx %arg7[%broadcast_in_dim3A_13, %parallel_loop3A_211] : memref<8x4096xf32, #tpu.memory_space<vmem>>[vector<16xi32>, vector<16xi32>], vector<16xf32>,
        %parallel_loop3A_248 = arith.constant 16 : i32
        %parallel_loop3A_249 = arith.muli %parallel_loop3A_205, %parallel_loop3A_248 : i32
        %parallel_loop3A_250 = arith.constant 5 : i32
        %parallel_loop3A_251 = arith.index_cast %parallel_loop3A_250 : i32 to index
        %parallel_loop3A_252 = arith.index_cast %parallel_loop3A_249 : i32 to index
        %parallel_loop3A_253 = tpu.vector_load %arg10[%parallel_loop3A_251, %parallel_loop3A_252] {strides = array<i32>} : memref<8x1024xf32, #tpu.memory_space<vmem>>, vector<16xf32>,
        tpu.vector_store %arg10[%parallel_loop3A_251, %parallel_loop3A_252], %parallel_loop3A_247 {strides = array<i32>} : memref<8x1024xf32, #tpu.memory_space<vmem>>, vector<16xf32>,
        %parallel_loop3A_254 = tpu.vector_load_idx %arg7[%broadcast_in_dim3A_15, %parallel_loop3A_211] : memref<8x4096xf32, #tpu.memory_space<vmem>>[vector<16xi32>, vector<16xi32>], vector<16xf32>,
        %parallel_loop3A_255 = arith.constant 16 : i32
        %parallel_loop3A_256 = arith.muli %parallel_loop3A_205, %parallel_loop3A_255 : i32
        %parallel_loop3A_257 = arith.constant 6 : i32
        %parallel_loop3A_258 = arith.index_cast %parallel_loop3A_257 : i32 to index
        %parallel_loop3A_259 = arith.index_cast %parallel_loop3A_256 : i32 to index
        %parallel_loop3A_260 = tpu.vector_load %arg10[%parallel_loop3A_258, %parallel_loop3A_259] {strides = array<i32>} : memref<8x1024xf32, #tpu.memory_space<vmem>>, vector<16xf32>,
        tpu.vector_store %arg10[%parallel_loop3A_258, %parallel_loop3A_259], %parallel_loop3A_254 {strides = array<i32>} : memref<8x1024xf32, #tpu.memory_space<vmem>>, vector<16xf32>,
        %parallel_loop3A_261 = tpu.vector_load_idx %arg7[%broadcast_in_dim3A_17, %parallel_loop3A_211] : memref<8x4096xf32, #tpu.memory_space<vmem>>[vector<16xi32>, vector<16xi32>], vector<16xf32>,
        %parallel_loop3A_262 = arith.constant 16 : i32
        %parallel_loop3A_263 = arith.muli %parallel_loop3A_205, %parallel_loop3A_262 : i32
        %parallel_loop3A_264 = arith.constant 7 : i32
        %parallel_loop3A_265 = arith.index_cast %parallel_loop3A_264 : i32 to index
        %parallel_loop3A_266 = arith.index_cast %parallel_loop3A_263 : i32 to index
        %parallel_loop3A_267 = tpu.vector_load %arg10[%parallel_loop3A_265, %parallel_loop3A_266] {strides = array<i32>} : memref<8x1024xf32, #tpu.memory_space<vmem>>, vector<16xf32>,
        tpu.vector_store %arg10[%parallel_loop3A_265, %parallel_loop3A_266], %parallel_loop3A_261 {strides = array<i32>} : memref<8x1024xf32, #tpu.memory_space<vmem>>, vector<16xf32>,
      } {sc.loop_unroll_factor = 4 : i64, sc.parallel_access}
      %mul3A_183 = arith.constant 8 : i32
      %mul3A_184 = arith.muli %add3A_132, %mul3A_183 : i32
      %add3A_185 = arith.addi %mul3A_2, %mul3A_184 : i32
      %dma_start3A_186 = arith.constant 1024 : i32
      %dma_start3A_187 = tpu.memref_slice %arg4[%add3A_185, %dma_start3A_186] : memref<8192x4096xf32, #tpu.memory_space<hbm>> -> memref<8x1024xf32, #tpu.memory_space<hbm>>
      %dma_start3A_188 = arith.constant 1024 : i32
      %dma_start3A_189 = tpu.memref_slice %arg4[%add3A_185, %dma_start3A_188] : memref<8192x4096xf32, #tpu.memory_space<hbm>> -> memref<8x1024xf32, #tpu.memory_space<hbm>>
      tpu.enqueue_dma source(%arg9 : memref<8x1024xf32, #tpu.memory_space<vmem>>) target(%dma_start3A_189 : memref<8x1024xf32, #tpu.memory_space<hbm>>) target_semaphore(%arg15 : memref<!tpu.dma_semaphore, #tpu.memory_space<semaphore_mem>>)
      %ge3A_190 = arith.constant 1 : i32
      %ge3A_191 = arith.cmpi sge, %add3A_132, %ge3A_190 : i32
      %convert_element_type3A_192 = arith.extui %ge3A_191 : i1 to i32
      %cond3A_193 = arith.constant 0 : i32
      %cond3A_194 = arith.cmpi ne, %convert_element_type3A_192, %cond3A_193 : i32
      scf.if %cond3A_194 {
        %sub3A = arith.constant 1 : i32
        %sub3A_205 = arith.subi %add3A_132, %sub3A : i32
        %mul3A_206 = arith.constant 8 : i32
        %mul3A_207 = arith.muli %sub3A_205, %mul3A_206 : i32
        %add3A_208 = arith.addi %mul3A_2, %mul3A_207 : i32
        %dma_wait3A_209 = arith.constant 3072 : i32
        %dma_wait3A_210 = tpu.memref_slice %arg4[%add3A_208, %dma_wait3A_209] : memref<8192x4096xf32, #tpu.memory_space<hbm>> -> memref<8x1024xf32, #tpu.memory_space<hbm>>
        %dma_wait3A_211 = arith.constant 3072 : i32
        %dma_wait3A_212 = tpu.memref_slice %arg4[%add3A_208, %dma_wait3A_211] : memref<8192x4096xf32, #tpu.memory_space<hbm>> -> memref<8x1024xf32, #tpu.memory_space<hbm>>
        tpu.wait_dma2 semaphore(%arg17 : memref<!tpu.dma_semaphore, #tpu.memory_space<semaphore_mem>>) src(%arg11 : memref<8x1024xf32, #tpu.memory_space<vmem>>) dst(%dma_wait3A_212 : memref<8x1024xf32, #tpu.memory_space<hbm>>)
      } else {
      }
      %parallel_loop3A_195 = arith.constant 0 : i32
      %parallel_loop3A_196 = arith.constant 64 : i32
      %parallel_loop3A_197 = arith.constant 1 : i32
      scf.for %parallel_loop3A_205 = %parallel_loop3A_195 to %parallel_loop3A_196 step %parallel_loop3A_197  : i32 {
        %parallel_loop3A_206 = arith.constant 192 : i32
        %parallel_loop3A_207 = arith.addi %parallel_loop3A_206, %parallel_loop3A_205 : i32
        %parallel_loop3A_208 = arith.constant 16 : i32
        %parallel_loop3A_209 = arith.muli %parallel_loop3A_207, %parallel_loop3A_208 : i32
        %parallel_loop3A_210 = arith.index_cast %parallel_loop3A_209 : i32 to index
        %parallel_loop3A_211 = tpu.vector_load %arg5[%parallel_loop3A_210] {strides = array<i32>} : memref<4096xi32, #tpu.memory_space<vmem>>, vector<16xi32>,
        %parallel_loop3A_212 = tpu.vector_load_idx %arg7[%broadcast_in_dim3A_3, %parallel_loop3A_211] : memref<8x4096xf32, #tpu.memory_space<vmem>>[vector<16xi32>, vector<16xi32>], vector<16xf32>,
        %parallel_loop3A_213 = arith.constant 16 : i32
        %parallel_loop3A_214 = arith.muli %parallel_loop3A_205, %parallel_loop3A_213 : i32
        %parallel_loop3A_215 = arith.constant 0 : i32
        %parallel_loop3A_216 = arith.index_cast %parallel_loop3A_215 : i32 to index
        %parallel_loop3A_217 = arith.index_cast %parallel_loop3A_214 : i32 to index
        %parallel_loop3A_218 = tpu.vector_load %arg11[%parallel_loop3A_216, %parallel_loop3A_217] {strides = array<i32>} : memref<8x1024xf32, #tpu.memory_space<vmem>>, vector<16xf32>,
        tpu.vector_store %arg11[%parallel_loop3A_216, %parallel_loop3A_217], %parallel_loop3A_212 {strides = array<i32>} : memref<8x1024xf32, #tpu.memory_space<vmem>>, vector<16xf32>,
        %parallel_loop3A_219 = tpu.vector_load_idx %arg7[%broadcast_in_dim3A_5, %parallel_loop3A_211] : memref<8x4096xf32, #tpu.memory_space<vmem>>[vector<16xi32>, vector<16xi32>], vector<16xf32>,
        %parallel_loop3A_220 = arith.constant 16 : i32
        %parallel_loop3A_221 = arith.muli %parallel_loop3A_205, %parallel_loop3A_220 : i32
        %parallel_loop3A_222 = arith.constant 1 : i32
        %parallel_loop3A_223 = arith.index_cast %parallel_loop3A_222 : i32 to index
        %parallel_loop3A_224 = arith.index_cast %parallel_loop3A_221 : i32 to index
        %parallel_loop3A_225 = tpu.vector_load %arg11[%parallel_loop3A_223, %parallel_loop3A_224] {strides = array<i32>} : memref<8x1024xf32, #tpu.memory_space<vmem>>, vector<16xf32>,
        tpu.vector_store %arg11[%parallel_loop3A_223, %parallel_loop3A_224], %parallel_loop3A_219 {strides = array<i32>} : memref<8x1024xf32, #tpu.memory_space<vmem>>, vector<16xf32>,
        %parallel_loop3A_226 = tpu.vector_load_idx %arg7[%broadcast_in_dim3A_7, %parallel_loop3A_211] : memref<8x4096xf32, #tpu.memory_space<vmem>>[vector<16xi32>, vector<16xi32>], vector<16xf32>,
        %parallel_loop3A_227 = arith.constant 16 : i32
        %parallel_loop3A_228 = arith.muli %parallel_loop3A_205, %parallel_loop3A_227 : i32
        %parallel_loop3A_229 = arith.constant 2 : i32
        %parallel_loop3A_230 = arith.index_cast %parallel_loop3A_229 : i32 to index
        %parallel_loop3A_231 = arith.index_cast %parallel_loop3A_228 : i32 to index
        %parallel_loop3A_232 = tpu.vector_load %arg11[%parallel_loop3A_230, %parallel_loop3A_231] {strides = array<i32>} : memref<8x1024xf32, #tpu.memory_space<vmem>>, vector<16xf32>,
        tpu.vector_store %arg11[%parallel_loop3A_230, %parallel_loop3A_231], %parallel_loop3A_226 {strides = array<i32>} : memref<8x1024xf32, #tpu.memory_space<vmem>>, vector<16xf32>,
        %parallel_loop3A_233 = tpu.vector_load_idx %arg7[%broadcast_in_dim3A_9, %parallel_loop3A_211] : memref<8x4096xf32, #tpu.memory_space<vmem>>[vector<16xi32>, vector<16xi32>], vector<16xf32>,
        %parallel_loop3A_234 = arith.constant 16 : i32
        %parallel_loop3A_235 = arith.muli %parallel_loop3A_205, %parallel_loop3A_234 : i32
        %parallel_loop3A_236 = arith.constant 3 : i32
        %parallel_loop3A_237 = arith.index_cast %parallel_loop3A_236 : i32 to index
        %parallel_loop3A_238 = arith.index_cast %parallel_loop3A_235 : i32 to index
        %parallel_loop3A_239 = tpu.vector_load %arg11[%parallel_loop3A_237, %parallel_loop3A_238] {strides = array<i32>} : memref<8x1024xf32, #tpu.memory_space<vmem>>, vector<16xf32>,
        tpu.vector_store %arg11[%parallel_loop3A_237, %parallel_loop3A_238], %parallel_loop3A_233 {strides = array<i32>} : memref<8x1024xf32, #tpu.memory_space<vmem>>, vector<16xf32>,
        %parallel_loop3A_240 = tpu.vector_load_idx %arg7[%broadcast_in_dim3A_11, %parallel_loop3A_211] : memref<8x4096xf32, #tpu.memory_space<vmem>>[vector<16xi32>, vector<16xi32>], vector<16xf32>,
        %parallel_loop3A_241 = arith.constant 16 : i32
        %parallel_loop3A_242 = arith.muli %parallel_loop3A_205, %parallel_loop3A_241 : i32
        %parallel_loop3A_243 = arith.constant 4 : i32
        %parallel_loop3A_244 = arith.index_cast %parallel_loop3A_243 : i32 to index
        %parallel_loop3A_245 = arith.index_cast %parallel_loop3A_242 : i32 to index
        %parallel_loop3A_246 = tpu.vector_load %arg11[%parallel_loop3A_244, %parallel_loop3A_245] {strides = array<i32>} : memref<8x1024xf32, #tpu.memory_space<vmem>>, vector<16xf32>,
        tpu.vector_store %arg11[%parallel_loop3A_244, %parallel_loop3A_245], %parallel_loop3A_240 {strides = array<i32>} : memref<8x1024xf32, #tpu.memory_space<vmem>>, vector<16xf32>,
        %parallel_loop3A_247 = tpu.vector_load_idx %arg7[%broadcast_in_dim3A_13, %parallel_loop3A_211] : memref<8x4096xf32, #tpu.memory_space<vmem>>[vector<16xi32>, vector<16xi32>], vector<16xf32>,
        %parallel_loop3A_248 = arith.constant 16 : i32
        %parallel_loop3A_249 = arith.muli %parallel_loop3A_205, %parallel_loop3A_248 : i32
        %parallel_loop3A_250 = arith.constant 5 : i32
        %parallel_loop3A_251 = arith.index_cast %parallel_loop3A_250 : i32 to index
        %parallel_loop3A_252 = arith.index_cast %parallel_loop3A_249 : i32 to index
        %parallel_loop3A_253 = tpu.vector_load %arg11[%parallel_loop3A_251, %parallel_loop3A_252] {strides = array<i32>} : memref<8x1024xf32, #tpu.memory_space<vmem>>, vector<16xf32>,
        tpu.vector_store %arg11[%parallel_loop3A_251, %parallel_loop3A_252], %parallel_loop3A_247 {strides = array<i32>} : memref<8x1024xf32, #tpu.memory_space<vmem>>, vector<16xf32>,
        %parallel_loop3A_254 = tpu.vector_load_idx %arg7[%broadcast_in_dim3A_15, %parallel_loop3A_211] : memref<8x4096xf32, #tpu.memory_space<vmem>>[vector<16xi32>, vector<16xi32>], vector<16xf32>,
        %parallel_loop3A_255 = arith.constant 16 : i32
        %parallel_loop3A_256 = arith.muli %parallel_loop3A_205, %parallel_loop3A_255 : i32
        %parallel_loop3A_257 = arith.constant 6 : i32
        %parallel_loop3A_258 = arith.index_cast %parallel_loop3A_257 : i32 to index
        %parallel_loop3A_259 = arith.index_cast %parallel_loop3A_256 : i32 to index
        %parallel_loop3A_260 = tpu.vector_load %arg11[%parallel_loop3A_258, %parallel_loop3A_259] {strides = array<i32>} : memref<8x1024xf32, #tpu.memory_space<vmem>>, vector<16xf32>,
        tpu.vector_store %arg11[%parallel_loop3A_258, %parallel_loop3A_259], %parallel_loop3A_254 {strides = array<i32>} : memref<8x1024xf32, #tpu.memory_space<vmem>>, vector<16xf32>,
        %parallel_loop3A_261 = tpu.vector_load_idx %arg7[%broadcast_in_dim3A_17, %parallel_loop3A_211] : memref<8x4096xf32, #tpu.memory_space<vmem>>[vector<16xi32>, vector<16xi32>], vector<16xf32>,
        %parallel_loop3A_262 = arith.constant 16 : i32
        %parallel_loop3A_263 = arith.muli %parallel_loop3A_205, %parallel_loop3A_262 : i32
        %parallel_loop3A_264 = arith.constant 7 : i32
        %parallel_loop3A_265 = arith.index_cast %parallel_loop3A_264 : i32 to index
        %parallel_loop3A_266 = arith.index_cast %parallel_loop3A_263 : i32 to index
        %parallel_loop3A_267 = tpu.vector_load %arg11[%parallel_loop3A_265, %parallel_loop3A_266] {strides = array<i32>} : memref<8x1024xf32, #tpu.memory_space<vmem>>, vector<16xf32>,
        tpu.vector_store %arg11[%parallel_loop3A_265, %parallel_loop3A_266], %parallel_loop3A_261 {strides = array<i32>} : memref<8x1024xf32, #tpu.memory_space<vmem>>, vector<16xf32>,
      } {sc.loop_unroll_factor = 4 : i64, sc.parallel_access}
      %mul3A_198 = arith.constant 8 : i32
      %mul3A_199 = arith.muli %add3A_132, %mul3A_198 : i32
      %add3A_200 = arith.addi %mul3A_2, %mul3A_199 : i32
      %dma_start3A_201 = arith.constant 2048 : i32
      %dma_start3A_202 = tpu.memref_slice %arg4[%add3A_200, %dma_start3A_201] : memref<8192x4096xf32, #tpu.memory_space<hbm>> -> memref<8x1024xf32, #tpu.memory_space<hbm>>
      %dma_start3A_203 = arith.constant 2048 : i32
      %dma_start3A_204 = tpu.memref_slice %arg4[%add3A_200, %dma_start3A_203] : memref<8192x4096xf32, #tpu.memory_space<hbm>> -> memref<8x1024xf32, #tpu.memory_space<hbm>>
      tpu.enqueue_dma source(%arg10 : memref<8x1024xf32, #tpu.memory_space<vmem>>) target(%dma_start3A_204 : memref<8x1024xf32, #tpu.memory_space<hbm>>) target_semaphore(%arg16 : memref<!tpu.dma_semaphore, #tpu.memory_space<semaphore_mem>>)
    }
    %scan3A_27 = arith.constant 16 : i32
    %add3A_28 = arith.constant 248 : i32
    %add3A_29 = arith.addi %mul3A_2, %add3A_28 : i32
    %dma_wait3A = arith.constant 0 : i32
    %dma_wait3A_30 = tpu.memref_slice %arg4[%add3A_29, %dma_wait3A] : memref<8192x4096xf32, #tpu.memory_space<hbm>> -> memref<8x1024xf32, #tpu.memory_space<hbm>>
    %dma_wait3A_31 = arith.constant 0 : i32
    %dma_wait3A_32 = tpu.memref_slice %arg4[%add3A_29, %dma_wait3A_31] : memref<8192x4096xf32, #tpu.memory_space<hbm>> -> memref<8x1024xf32, #tpu.memory_space<hbm>>
    tpu.wait_dma2 semaphore(%arg14 : memref<!tpu.dma_semaphore, #tpu.memory_space<semaphore_mem>>) src(%arg8 : memref<8x1024xf32, #tpu.memory_space<vmem>>) dst(%dma_wait3A_32 : memref<8x1024xf32, #tpu.memory_space<hbm>>)
    %add3A_33 = arith.constant 248 : i32
    %add3A_34 = arith.addi %mul3A_2, %add3A_33 : i32
    %dma_wait3A_35 = arith.constant 1024 : i32
    %dma_wait3A_36 = tpu.memref_slice %arg4[%add3A_34, %dma_wait3A_35] : memref<8192x4096xf32, #tpu.memory_space<hbm>> -> memref<8x1024xf32, #tpu.memory_space<hbm>>
    %dma_wait3A_37 = arith.constant 1024 : i32
    %dma_wait3A_38 = tpu.memref_slice %arg4[%add3A_34, %dma_wait3A_37] : memref<8192x4096xf32, #tpu.memory_space<hbm>> -> memref<8x1024xf32, #tpu.memory_space<hbm>>
    tpu.wait_dma2 semaphore(%arg15 : memref<!tpu.dma_semaphore, #tpu.memory_space<semaphore_mem>>) src(%arg9 : memref<8x1024xf32, #tpu.memory_space<vmem>>) dst(%dma_wait3A_38 : memref<8x1024xf32, #tpu.memory_space<hbm>>)
    %add3A_39 = arith.constant 248 : i32
    %add3A_40 = arith.addi %mul3A_2, %add3A_39 : i32
    %dma_wait3A_41 = arith.constant 2048 : i32
    %dma_wait3A_42 = tpu.memref_slice %arg4[%add3A_40, %dma_wait3A_41] : memref<8192x4096xf32, #tpu.memory_space<hbm>> -> memref<8x1024xf32, #tpu.memory_space<hbm>>
    %dma_wait3A_43 = arith.constant 2048 : i32
    %dma_wait3A_44 = tpu.memref_slice %arg4[%add3A_40, %dma_wait3A_43] : memref<8192x4096xf32, #tpu.memory_space<hbm>> -> memref<8x1024xf32, #tpu.memory_space<hbm>>
    tpu.wait_dma2 semaphore(%arg16 : memref<!tpu.dma_semaphore, #tpu.memory_space<semaphore_mem>>) src(%arg10 : memref<8x1024xf32, #tpu.memory_space<vmem>>) dst(%dma_wait3A_44 : memref<8x1024xf32, #tpu.memory_space<hbm>>)
    %barrier3A = arith.constant 0 : index
    tpu.barrier barrier_id(%barrier3A)
    %add3A_45 = arith.constant 248 : i32
    %add3A_46 = arith.addi %mul3A_2, %add3A_45 : i32
    %dma_start3A_47 = arith.constant 3072 : i32
    %dma_start3A_48 = tpu.memref_slice %arg4[%add3A_46, %dma_start3A_47] : memref<8192x4096xf32, #tpu.memory_space<hbm>> -> memref<8x1024xf32, #tpu.memory_space<hbm>>
    %dma_start3A_49 = arith.constant 3072 : i32
    %dma_start3A_50 = tpu.memref_slice %arg4[%add3A_46, %dma_start3A_49] : memref<8192x4096xf32, #tpu.memory_space<hbm>> -> memref<8x1024xf32, #tpu.memory_space<hbm>>
    tpu.enqueue_dma source(%arg11 : memref<8x1024xf32, #tpu.memory_space<vmem>>) target(%dma_start3A_50 : memref<8x1024xf32, #tpu.memory_space<hbm>>) target_semaphore(%arg17 : memref<!tpu.dma_semaphore, #tpu.memory_space<semaphore_mem>>)
    %add3A_51 = arith.constant 248 : i32
    %add3A_52 = arith.addi %mul3A_2, %add3A_51 : i32
    %dma_wait3A_53 = arith.constant 3072 : i32
    %dma_wait3A_54 = tpu.memref_slice %arg4[%add3A_52, %dma_wait3A_53] : memref<8192x4096xf32, #tpu.memory_space<hbm>> -> memref<8x1024xf32, #tpu.memory_space<hbm>>
    %dma_wait3A_55 = arith.constant 3072 : i32
    %dma_wait3A_56 = tpu.memref_slice %arg4[%add3A_52, %dma_wait3A_55] : memref<8192x4096xf32, #tpu.memory_space<hbm>> -> memref<8x1024xf32, #tpu.memory_space<hbm>>
    tpu.wait_dma2 semaphore(%arg17 : memref<!tpu.dma_semaphore, #tpu.memory_space<semaphore_mem>>) src(%arg11 : memref<8x1024xf32, #tpu.memory_space<vmem>>) dst(%dma_wait3A_56 : memref<8x1024xf32, #tpu.memory_space<hbm>>)
    return
  }
}

</mosaic_0001>

<sc_bundles>
// kernel: _permute_cols.3.cloned.1.call-start
scs
__scs_entry_jumppad:
0x0: {  	(pc) =	sbr.rel $0x88, $3  }
0x1: {  	(tag) =	ssettag $0x0;
	lr =	simm.s32 $0x1  }
0x2: {  	[smem:$0x3F9F] =	sst lr;
	_ =	strace $0xD0000000  }
0x3: {  	_ = 	snop  }
0x4: {  	_ = 	snop  }
0x5: {  	_ = 	snop  }
0x6: {  	_ = 	snop  }
0x7: {  	_ = 	snop  }
__scs_overlays_trampoline_lowered:
0x8: {  	[smem:$0x3FAE] =	sst s0  }
0x9: {  	[smem:$0x3FAF] =	sst s1  }
0xa: {  	[smem:$0x3FB0] =	sst s2  }
0xb: {  	[smem:$0x3FB1] =	sst s3  }
0xc: {  	[smem:$0x3FB2] =	sst s4  }
0xd: {  	[smem:$0x3FB3] =	sst s5  }
0xe: {  	[smem:$0x3FB4] =	sst s6  }
0xf: {  	[smem:$0x3FB5] =	sst s7  }
0x10: {  	[smem:$0x3FB6] =	sst s8  }
0x11: {  	[smem:$0x3FB7] =	sst s9;
	s0 =	simm.s32 @!p0 $0x0  }
0x12: {  	s1 =	sld [smem:$0x3F9D];
	s0 =	simm.s32 @p0 $0x1  }
0x13: {  	[smem:$0x3FB8] =	sst s0;
	s0 =	simm.s32 @!p1 $0x0  }
0x14: {  	s2 =	sld [smem:$0x3F9C];
	s0 =	simm.s32 @p1 $0x1  }
0x15: {  	[smem:$0x3FB9] =	sst s0;
	s0 =	simm.s32 @!p2 $0x0  }
0x16: {  	s3 =	sld [smem:$0x3FDB];
	s0 =	simm.s32 @p2 $0x1  }
0x17: {  	s4 =	simm.s32 $0x1BF5;
	[smem:$0x3FBB] =	sst s0  }
0x18: {  	s0 =	sld [smem:$0x3F9E];
	_ =	swait.ge [sflag:s4], $0x0  }
0x19: {  	s7 =	sld [smem:$0x3F9F]  }
0x1a: {  	s8 =	sadd.s32 $0xFFFFE003, lr  }
0x1b: {  	s9 =	sadd.s32 $0xFFFFFEF7, lr;
	s5 =	simm.s32 $0xFFFFFFFF;
	p2 =	slt.u32 s8, $0xFFFFF086  }
0x1c: {  	p1 =	slt.u32 s9, $0xF7A;
	s5 =	simm.s32 @!p2 $0x0  }
0x1d: {  	s5 =	simm.s32 @p1 $0x1;
	p0 =	seq.s32 s7, s2  }
0x1e: {  	s7 =	smul.u32 @!p0 $0xF7A, s2;
	p2 =	seq.s32 @!p0 s5, $0x0  }
0x1f: {  	s9 =	smul.u32 $0xF7A, s1;
	s8 =	simm.s32 @!p0 $0x1BF5;
	p2 =	por !p2, p0  }
0x20: {  	[sflag:s8] =	ssyncset.s32 @!p0 $0xFFFFF086;
	s6 =	sadd.s32 @!p0 s3, s7;
	s7 =	simm.s32 @!p0 $0x108  }
0x21: {  	s3 =	sadd.s32 s3, s9;
	s6 =	sadd.s32 @!p0 $0x88, s6;
	s7 =	simm.s32 @p2 $0x1082  }
0x22: {  	[simem:s7], [sflag:s8] =	dma.local @!p0 [hbm:s6], $0xF7A  }
0x23: {  	s9 =	sor.u32 $0xD0000000, s2;
	s6 =	simm.s32 $0x108;
	_ =	swait.ge @!p0 [sflag:s8], $0x0  }
0x24: {  	s3 =	sadd.s32 $0x88, s3;
	s6 =	simm.s32 @!p1 $0x1082;
	[sflag:s4] =	ssyncset.s32 $0xFFFFF086  }
0x25: {  	[simem:s6], [sflag:s4] =	dma.local [hbm:s3], $0xF7A  }
0x26: {  	[smem:$0x3F9F] =	sst s1;
	(tag) =	ssettag s2;
	_ =	strace s9  }
0x27: {  	s1 =	sld [smem:$0x3FAF]  }
0x28: {  	s2 =	sld [smem:$0x3FB0]  }
0x29: {  	s4 =	sld [smem:$0x3FB2]  }
0x2a: {  	p0 =	seq.s32 s5, $0x0;
	s5 =	sld [smem:$0x3FB3]  }
0x2b: {  	s6 =	sld [smem:$0x3FB4]  }
0x2c: {  	s7 =	sld [smem:$0x3FB5]  }
0x2d: {  	s3 =	simm.s32 $0x108;
	s8 =	sld [smem:$0x3FB6]  }
0x2e: {  	s3 =	simm.s32 @!p0 $0x1082;
	s9 =	sld [smem:$0x3FB7]  }
0x2f: {  	lr =	sadd.s32 s0, s3;
	s0 =	sld [smem:$0x3FAE]  }
0x30: {  	s3 =	sld [smem:$0x3FB1]  }
0x31: {  	[smem:$0x3FBA] =	sst s10  }
0x32: {  	s10 =	sld [smem:$0x3FB8];
	_ =	sdelay $0x3  }
0x33: {  	p0 =	seq.s32 s10, $0x1;
	s10 =	sld [smem:$0x3FBA];
	_ =	sdelay $0x3  }
0x34: {  	[smem:$0x3FBA] =	sst s10  }
0x35: {  	s10 =	sld [smem:$0x3FB9];
	_ =	sdelay $0x3  }
0x36: {  	p1 =	seq.s32 s10, $0x1;
	s10 =	sld [smem:$0x3FBA];
	_ =	sdelay $0x3  }
0x37: {  	[smem:$0x3FBA] =	sst s10  }
0x38: {  	s10 =	sld [smem:$0x3FBB]  }
0x39: {  	_ = 	snop;
	(pc) =	sbr.ind lr, $3  }
0x3a: {  	_ = 	snop  }
0x3b: {  	_ = 	snop  }
0x3c: {  	p2 =	seq.s32 s10, $0x1;
	s10 =	sld [smem:$0x3FBA]  }
0x3d: {  	_ =	shalt  }
0x3e: {  	_ =	shalt  }
0x3f: {  	_ =	shalt  }
0x40: {  	_ =	shalt  }
0x41: {  	_ =	shalt  }
0x42: {  	_ =	shalt  }
0x43: {  	_ =	shalt  }
0x44: {  	_ =	shalt  }
0x45: {  	_ =	shalt  }
0x46: {  	_ =	shalt  }
0x47: {  	_ =	shalt  }
0x48: {  	_ =	shalt  }
0x49: {  	_ =	shalt  }
0x4a: {  	_ =	shalt  }
0x4b: {  	_ =	shalt  }
0x4c: {  	_ =	shalt  }
0x4d: {  	_ =	shalt  }
0x4e: {  	_ =	shalt  }
0x4f: {  	_ =	shalt  }
0x50: {  	_ =	shalt  }
0x51: {  	_ =	shalt  }
0x52: {  	_ =	shalt  }
0x53: {  	_ =	shalt  }
0x54: {  	_ =	shalt  }
0x55: {  	_ =	shalt  }
0x56: {  	_ =	shalt  }
0x57: {  	_ =	shalt  }
0x58: {  	_ =	shalt  }
0x59: {  	_ =	shalt  }
0x5a: {  	_ =	shalt  }
0x5b: {  	_ =	shalt  }
0x5c: {  	_ =	shalt  }
0x5d: {  	_ =	shalt  }
0x5e: {  	_ =	shalt  }
0x5f: {  	_ =	shalt  }
0x60: {  	_ =	shalt  }
0x61: {  	_ =	shalt  }
0x62: {  	_ =	shalt  }
0x63: {  	_ =	shalt  }
0x64: {  	_ =	shalt  }
0x65: {  	_ =	shalt  }
0x66: {  	_ =	shalt  }
0x67: {  	_ =	shalt  }
0x68: {  	_ =	shalt  }
0x69: {  	_ =	shalt  }
0x6a: {  	_ =	shalt  }
0x6b: {  	_ =	shalt  }
0x6c: {  	_ =	shalt  }
0x6d: {  	_ =	shalt  }
0x6e: {  	_ =	shalt  }
0x6f: {  	_ =	shalt  }
0x70: {  	_ =	shalt  }
0x71: {  	_ =	shalt  }
0x72: {  	_ =	shalt  }
0x73: {  	_ =	shalt  }
0x74: {  	_ =	shalt  }
0x75: {  	_ =	shalt  }
0x76: {  	_ =	shalt  }
0x77: {  	_ =	shalt  }
0x78: {  	_ =	shalt  }
0x79: {  	_ =	shalt  }
0x7a: {  	_ =	shalt  }
0x7b: {  	_ =	shalt  }
0x7c: {  	_ =	shalt  }
0x7d: {  	_ =	shalt  }
0x7e: {  	_ =	shalt  }
0x7f: {  	_ =	shalt  }
0x80: {  	_ =	shalt  }
0x81: {  	_ =	shalt  }
0x82: {  	_ =	shalt  }
0x83: {  	_ =	shalt  }
0x84: {  	_ =	shalt  }
0x85: {  	_ =	shalt  }
0x86: {  	_ =	shalt  }
0x87: {  	_ =	shalt  }
.Lfunc_end0:
.L_simem_size_0:
called_computation_lowered:
.L_overlay_start_0:
0x88: {  	s2 =	sld [smem:$0x3FD9]  }
0x89: {  	s3 =	sld [smem:$0x3FFE];
	_ =	sdelay $0x1  }
0x8a: {  	s1 =	srdreg.scid  }
0x8b: {  	s0 =	sand.u32 $0x1, s1  }
0x8c: {  	s18 =	sshll.u32 s0, $0xA;
	s2 =	sadd.s32 s3, s2  }
0x8d: {  	s2 =	sadd.s32 s2, s18  }
0x8e: {  	[smem:$0x3FC6] =	sst s2  }
0x8f: {  	_ = 	snop  }
0x90: {  	s2 =	sld [smem:$0x3FC9]  }
0x91: {  	s19 =	sld [smem:$0x3FC8]  }
0x92: {  	s4 =	sld [smem:$0x3FD0];
	(tm) =	ssettm $0x1  }
0x93: {  	s5 =	sld [smem:$0x3FFB];
	_ =	sdelay $0x3  }
0x94: {  	_ =	strace s5  }
0x95: {  	s5 =	sld [smem:$0x3FFC];
	_ =	sdelay $0x3  }
0x96: {  	_ =	strace s5  }
0x97: {  	s5 =	sld [smem:$0x3FFD];
	_ =	sdelay $0x3  }
0x98: {  	_ =	strace s5  }
0x99: {  	_ =	strace $0x8FFFFFFF  }
0x9a: {  	s20 =	sld [smem:$0x3FDB];
	_ =	sdelay $0x1  }
0x9b: {  	s6 =	simm.s32 $_scs_section_size  }
0x9c: {  	s7 =	simm.s32 $_size__tile_overlayer_lowered;
	s8 =	simm.s32 $_tile_overlayer_lowered  }
0x9d: {  	s23 =	simm.s32 $0x1BFF;
	s22 =	sshll.u32 s8, $0x1;
	s5 =	sadd.s32 s6, s20  }
0x9e: {  	s9 =	simm.s32 $0x0;
	s21 =	sshll.u32 s7, $0x1;
	s7 =	sadd.s32 s22, s5  }
0x9f: {  	[timem:s9], [sflag:s23] =	dma.local [hbm:s7], s21  }
0xa0: {  	_ =	swait.ge [sflag:s23], s21  }
0xa1: {  	s6 =	ssub.s32 $0x0, s21;
	[sflag:s23] =	ssyncset.done $0x0  }
0xa2: {  	[sflag:s23] =	ssyncadd.s32 s6;
	_ =	sdelay $0x1  }
0xa3: {  	s24 =	simm.s32 $0x1B8B  }
0xa4: {  	_ =	swait.ge [sflag:s24], $0x1  }
0xa5: {  	[sflag:s24] =	ssyncset.done $0x0  }
0xa6: {  	s25 =	simm.s32 $0x1B8E;
	[sflag:s24] =	ssyncadd.s32 $0xFFFFFFFF  }
0xa7: {  	s26 =	simm.s32 $execute0_lowered;
	[smem:$0x3FD2] =	sst s25  }
0xa8: {  	s6 =	sshll.u32 s26, $0x1;
	_ =	strace $0x80000046;
	[dreg:$0x1] =	wrdreg $0xFFFFFFFF  }
0xa9: {  	s28 =	simm.s32 $_size_execute0_lowered;
	s5 =	sadd.s32 s5, s6;
	[dreg:$0x0] =	wrdreg $0x0  }
0xaa: {  	s6 =	sshll.u32 s28, $0x1;
	[dreg:$0x2] =	wrdreg s5  }
0xab: {  	[dreg:$0x3] =	wrdreg s6  }
0xac: {  	[dreg:$0x4] =	wrdreg $0xC0  }
0xad: {  	_ =	task [dreg:s9], $0x5FFFF  }
0xae: {  	[dreg:$0x1] =	wrdreg $0xFFFFFFFF  }
0xaf: {  	[dreg:$0x0] =	wrdreg $0x60  }
0xb0: {  	[dreg:$0x2] =	wrdreg s2  }
0xb1: {  	[dreg:$0x3] =	wrdreg s19  }
0xb2: {  	[dreg:$0x4] =	wrdreg s4  }
0xb3: {  	[dreg:$0x5] =	wrdreg $0x9  }
0xb4: {  	_ =	task.clear_ibuf [dreg:s9], $0x6FFFF;
	_ =	strace $0x90000046  }
0xb5: {  	s29 =	simm.s32 $0x9;
	_ =	strace $0x80000048  }
0xb6: {  	_ =	swait.ge [sflag:s29], $0x1  }
0xb7: {  	[sflag:s29] =	ssyncadd.s32 $0xFFFFFFFF  }
0xb8: {  	_ =	strace $0x90000048  }
0xb9: {  	_ =	sfence  }
0xba: {  	s30 =	sld [smem:$0x0];
	_ =	sdelay $0x2  }
0xbb: {  	s31 =	sshll.u32 s1, $0xD;
	s1 =	sshrl.u32 s1, $0x2  }
0xbc: {  	s3 =	sand.u32 $0x4000, s31;
	s1 =	sadd.s32 s1, s30  }
0xbd: {  	s0 =	sor.u32 s3, s0;
	s1 =	sshll.u32 s1, $0x11  }
0xbe: {  	s0 =	sor.u32 s1, s0  }
0xbf: {  	s0 =	sadd.s32 $0x8F2B, s0  }
0xc0: {  	[sflag:s0] =	ssyncadd.remote.s32 $0x1  }
0xc1: {  	_ =	sfence.sel $0xFFFF  }
0xc2: {  	[dreg:$0x0] =	wrdreg $0xFFFFFFFF;
	(pc) =	sbr.abs _section_cstart, $3  }
0xc3: {  	[dreg:$0x1] =	wrdreg $0xFFFFFFFF  }
0xc4: {  	_ =	task.clear_ibuf [dreg:s9], $0x2FFFF;
	_ =	strace $0x9FFFFFFF  }
0xc5: {  	(tm) =	ssettm $0x7FFFFFFF  }
tec
execute0_lowered:
.L_overlay_start_1:
0x0: {  	(tag) =	ssettag $0x1  }
0x1: {  	s3 =	rddreg [dreg:$0x0];
	s0 =	srdreg.scid  }
0x2: {  	s4 =	rddreg [dreg:$0x2];
	s1 =	stileid.u32;
	s5 =	simm.s32 $0x0  }
0x3: {  	s0 =	sand.u32 $0x1, s0;
	s1 =	sshll.u32 s1, $0x9;
	[smem:$0x7FF] =	sst s5  }
0x4: {  	s28 =	sadd.s32 $0xC00, s4;
	s29 =	sadd.s32 $0x400, s4;
	s2 =	sshll.u32 s0, $0x8  }
0x5: {  	_ =	strace $0x80000047;
	[dreg:$0x8] =	wrdreg s29;
	s1 =	sor.u32 s2, s1  }
0x6: {  	[dreg:$0x7] =	wrdreg s28;
	s6 =	sshll.u32 s1, $0x9;
	s1 =	sshrl.u32 s1, $0x3  }
0x7: {  	s17 =	simm.s32 $0x1000;
	s0 =	ssub.s32 $0x2, s0;
	[dreg:$0x6] =	wrdreg s1  }
0x8: {  	s25 =	sshrl.u32 s0, $0x1;
	s26 =	sadd.s32 s3, s6;
	[dreg:$0x4] =	wrdreg s6  }
0x9: {  	s0 =	ssub.s32 s0, s25;
	s1 =	sor.u32 $0x2, s1;
	[dreg:$0x5] =	wrdreg s26  }
0xa: {  	s30 =	sadd.s32 s6, s4;
	s0 =	smax.u32 s0, $0x1;
	[dreg:$0x9] =	wrdreg s1  }
0xb: {  	s31 =	sadd.s32 s28, s6;
	s1 =	sadd.s32 $0x1FC00, s30;
	[dreg:$0xb] =	wrdreg s0  }
0xc: {  	s19 =	simm.s32 $0x9000;
	s0 =	sadd.s32 $0xFFFFF000, s31;
	[dreg:$0xa] =	wrdreg s1  }
0xd: {  	s11 =	sadd.s32 $0x800, s4;
	s2 =	simm.s32 $0x0;
	[dreg:$0xc] =	wrdreg s0  }
.LBB2_1:
0xe: {  	[dreg:$0xd] =	wrdreg s2  }
0xf: {  	s0 =	rddreg [dreg:$0x1];
	s29 =	simm.s32 $0x7  }
0x10: {  	[tilespmem:s5], [sflag:$0x7] =	stream.linear.gather [hbm4b:s0+s5], $0x1000, $0x38;
	[tilespmem:$0x19000] =	vst v63  }
0x11: {  	_ =	swait.ge [sflag:s29], $0x1000  }
0x12: {  	[sflag:s29] =	ssyncset.done $0x0  }
0x13: {  	s31 =	simm.s32 $0x0;
	s30 =	rddreg [dreg:$0x5];
	[sflag:s29] =	ssyncadd.s32 $0xFFFFF000  }
0x14: {  	[tilespmem:s17], [sflag:$0x1] =	stream.linear.gather [hbm4b:s30+s5], $0x8000, $0x38;
	[tilespmem:$0x19000] =	vst v63  }
.LBB2_2:
0x15: {  	s0 =	simm.s32 $0x1  }
0x16: {  	_ =	swait.ge [sflag:s0], $0x8000  }
0x17: {  	p0 =	seq.s32 s31, $0x0;
	[sflag:s0] =	ssyncset.done $0x0  }
0x18: {  	s2 =	simm.s32 $0x0;
	[sflag:s0] =	ssyncadd.s32 $0xFFFF8000;
	s0 =	simm.s32 @!p0 $0x3  }
0x19: {  	s1 =	sand.u32 $0x40, s2;
	_ =	swait.ge @!p0 [sflag:s0], $0x2000  }
0x1a: {  	s3 =	sand.u32 $0x380, s2;
	s4 =	sor.u32 $0x30, s1;
	[sflag:s0] =	ssyncset.done @!p0 $0x0  }
0x1b: {  	s20 =	sor.u32 s4, s3;
	[sflag:s0] =	ssyncadd.s32 @!p0 $0xFFFFE000  }
0x1c: {  	v0 =	vld [tilespmem:s20+$0x0]  }
0x1d: {  	s21 =	sor.u32 $0x10, s1;
	v1 =	vld [tilespmem:s2+$0x0]  }
0x1e: {  	s6 =	sor.u32 $0x20, s1;
	s7 =	sor.u32 s21, s3  }
0x1f: {  	s3 =	sor.u32 s6, s3;
	v2 =	vld [tilespmem:s7+$0x0]  }
0x20: {  	v3 =	vld [tilespmem:s3+$0x0]  }
0x21: {  	v4 =	vshll.u32 v0, $0x3  }
0x22: {  	v5 =	vshll.u32 v1, $0x3;
	v0 =	vand.u32 $0x7F, v0;
	v4 =	vand.u32 $0xFFFFFC00, v4  }
0x23: {  	v1 =	vand.u32 $0x7F, v1;
	v6 =	vand.u32 $0xFFFFFC00, v5;
	v5 =	vor.u32 v0, v4  }
0x24: {  	v0 =	vor.u32 v1, v6;
	v1 =	vshll.u32 v2, $0x3  }
0x25: {  	v4 =	vshll.u32 v3, $0x3;
	v2 =	vand.u32 $0x7F, v2;
	v1 =	vand.u32 $0xFFFFFC00, v1  }
0x26: {  	v6 =	vand.u32 $0xFFFFFC00, v4;
	v4 =	vor.u32 v2, v1;
	v1 =	vand.u32 $0x7F, v3  }
0x27: {  	v3 =	vor.u32 v1, v6  }
0x28: {  	v1 =	vld.idx.msk [tilespmem:v5+s17+$0x0], $0xffff  }
0x29: {  	v6 =	vor.u32 $0x80, v5;
	v2 =	vld.idx.msk [tilespmem:v0+s17+$0x0], $0xffff  }
0x2a: {  	s22 =	sand.u32 $0x1C00, s2;
	v7 =	vor.u32 $0x80, v0  }
0x2b: {  	s3 =	sadd.s32 $0x11000, s22;
	v8 =	vld.idx.msk [tilespmem:v4+s17+$0x0], $0xffff  }
0x2c: {  	s9 =	sor.u32 s4, s3;
	v9 =	vor.u32 $0x80, v4;
	v10 =	vld.idx.msk [tilespmem:v3+s17+$0x0], $0xffff  }
0x2d: {  	s8 =	sor.u32 s1, s3;
	v11 =	vor.u32 $0x80, v3;
	[tilespmem:s9+$0x0] =	vst v1  }
0x2e: {  	[tilespmem:s8+$0x0] =	vst v2;
	v1 =	vld.idx.msk [tilespmem:v6+s17+$0x0], $0xffff  }
0x2f: {  	s10 =	sor.u32 s21, s3;
	v2 =	vld.idx.msk [tilespmem:v7+s17+$0x0], $0xffff;
	v6 =	vor.u32 $0x100, v5  }
0x30: {  	s23 =	sor.u32 s6, s3;
	v7 =	vor.u32 $0x100, v0;
	[tilespmem:s10+$0x0] =	vst v8  }
0x31: {  	v8 =	vld.idx.msk [tilespmem:v9+s17+$0x0], $0xffff;
	[tilespmem:s23+$0x0] =	vst v10  }
0x32: {  	v9 =	vor.u32 $0x100, v4;
	v10 =	vld.idx.msk [tilespmem:v11+s17+$0x0], $0xffff  }
0x33: {  	v11 =	vor.u32 $0x100, v3;
	[tilespmem:s9+$0x80] =	vst v1  }
0x34: {  	[tilespmem:s8+$0x80] =	vst v2;
	v1 =	vld.idx.msk [tilespmem:v6+s17+$0x0], $0xffff  }
0x35: {  	v2 =	vld.idx.msk [tilespmem:v7+s17+$0x0], $0xffff;
	v6 =	vor.u32 $0x180, v5  }
0x36: {  	v7 =	vor.u32 $0x180, v0;
	[tilespmem:s10+$0x80] =	vst v8  }
0x37: {  	v8 =	vld.idx.msk [tilespmem:v9+s17+$0x0], $0xffff;
	[tilespmem:s23+$0x80] =	vst v10  }
0x38: {  	s0 =	simm.s32 $0x40;
	v9 =	vor.u32 $0x180, v4;
	v10 =	vld.idx.msk [tilespmem:v11+s17+$0x0], $0xffff  }
0x39: {  	s24 =	sand.u32 $0x40, s0;
	v11 =	vld [tilespmem:s0+$0x0];
	[tilespmem:s9+$0x100] =	vst v1  }
0x3a: {  	s12 =	sand.u32 $0x380, s0;
	s25 =	sor.u32 $0x30, s24;
	[tilespmem:s8+$0x100] =	vst v2;
	v1 =	vld.idx.msk [tilespmem:v6+s17+$0x0], $0xffff  }
0x3b: {  	s26 =	sor.u32 s25, s12;
	v2 =	vor.u32 $0x180, v3;
	v6 =	vld.idx.msk [tilespmem:v7+s17+$0x0], $0xffff  }
0x3c: {  	s28 =	sor.u32 $0x10, s24;
	v7 =	vor.u32 $0x200, v5;
	[tilespmem:s10+$0x100] =	vst v8;
	v8 =	vld [tilespmem:s26+$0x0]  }
0x3d: {  	s29 =	sor.u32 $0x20, s24;
	s13 =	sor.u32 s28, s12;
	v9 =	vld.idx.msk [tilespmem:v9+s17+$0x0], $0xffff  }
0x3e: {  	s12 =	sor.u32 s29, s12;
	v13 =	vld [tilespmem:s13+$0x0];
	v12 =	vor.u32 $0x200, v4;
	v14 =	vshll.u32 v11, $0x3  }
0x3f: {  	v15 =	vld [tilespmem:s12+$0x0];
	[tilespmem:s23+$0x100] =	vst v10;
	v10 =	vor.u32 $0x200, v0;
	v11 =	vand.u32 $0x7F, v11;
	v14 =	vand.u32 $0xFFFFFC00, v14  }
0x40: {  	p1 =	por $0x0, $0x0;
	v16 =	vld.idx.msk [tilespmem:v2+s17+$0x0], $0xffff;
	[tilespmem:s9+$0x180] =	vst v1;
	v1 =	vor.u32 v11, v14;
	s9 =	simm.s32 $0x1  }
0x41: {  	v11 =	vor.u32 $0x200, v3;
	v7 =	vld.idx.msk [tilespmem:v7+s17+$0x0], $0xffff;
	v2 =	vshll.u32 v8, $0x3;
	s9 =	simm.s32 @!p1 $0x0  }
0x42: {  	v8 =	vand.u32 $0x7F, v8;
	[tilespmem:s10+$0x180] =	vst v9;
	v2 =	vand.u32 $0xFFFFFC00, v2;
	s9 =	sshll.u32 s9, $0x6;
	v9 =	vor.u32 $0x280, v5  }
0x43: {  	v14 =	vor.u32 $0x280, v4;
	[tilespmem:s8+$0x180] =	vst v6;
	v6 =	vld.idx.msk [tilespmem:v12+s17+$0x0], $0xffff;
	v12 =	vshll.u32 v13, $0x3;
	v2 =	vor.u32 v8, v2;
	s9 =	sadd.s32 $0x0, s9  }
0x44: {  	v8 =	vld.idx.msk [tilespmem:v10+s17+$0x0], $0xffff;
	v10 =	vshll.u32 v15, $0x3;
	v13 =	vand.u32 $0x7F, v13;
	v12 =	vand.u32 $0xFFFFFC00, v12;
	s8 =	sadd.s32 $0x30, s9  }
0x45: {  	v10 =	vand.u32 $0xFFFFFC00, v10;
	[tilespmem:s23+$0x180] =	vst v16;
	v17 =	vld.idx.msk [tilespmem:v1+s17+$0x0], $0xffff;
	v21 =	vor.u32 v13, v12;
	v12 =	vand.u32 $0x7F, v15;
	s14 =	sor.u32 $0x200, s8  }
0x46: {  	s15 =	sadd.s32 $0x10, s9;
	v11 =	vld.idx.msk [tilespmem:v11+s17+$0x0], $0xffff;
	v10 =	vor.u32 v12, v10;
	[tilespmem:s14+$0x11000] =	vst v7  }
0x47: {  	s16 =	sor.u32 $0x200, s15;
	v7 =	vor.u32 $0x280, v0;
	v9 =	vld.idx.msk [tilespmem:v9+s17+$0x0], $0xffff  }
0x48: {  	s7 =	simm.s32 $0x200;
	s18 =	sor.u32 $0x200, s9;
	v12 =	vor.u32 $0x280, v3;
	v13 =	vld.idx.msk [tilespmem:v2+s17+$0x0], $0xffff;
	[tilespmem:s16+$0x11000] =	vst v6  }
0x49: {  	s20 =	sand.u32 $0x1C00, s7;
	s13 =	sadd.s32 $0x20, s9;
	[tilespmem:s18+$0x11000] =	vst v8;
	v8 =	vor.u32 $0x80, v1;
	v6 =	vld.idx.msk [tilespmem:v14+s17+$0x0], $0xffff  }
0x4a: {  	s10 =	sadd.s32 $0x11000, s20;
	s14 =	sor.u32 $0x200, s13;
	v14 =	vor.u32 $0x300, v5;
	v15 =	vld.idx.msk [tilespmem:v21+s17+$0x0], $0xffff  }
0x4b: {  	v16 =	vor.u32 $0x80, v2;
	s16 =	sor.u32 s24, s10;
	[tilespmem:s14+$0x11000] =	vst v11;
	v18 =	vld.idx.msk [tilespmem:v10+s17+$0x0], $0xffff  }
0x4c: {  	s21 =	sor.u32 $0x280, s8;
	v19 =	vor.u32 $0x80, v21;
	[tilespmem:s16+$0x0] =	vst v17;
	v22 =	vld.idx.msk [tilespmem:v7+s17+$0x0], $0xffff  }
0x4d: {  	s6 =	sor.u32 s25, s10;
	v7 =	vor.u32 $0x80, v10;
	v11 =	vld.idx.msk [tilespmem:v12+s17+$0x0], $0xffff;
	[tilespmem:s21+$0x11000] =	vst v9  }
0x4e: {  	s22 =	sor.u32 $0x280, s15;
	v9 =	vor.u32 $0x300, v4;
	[tilespmem:s6+$0x0] =	vst v13;
	v8 =	vld.idx.msk [tilespmem:v8+s17+$0x0], $0xffff  }
0x4f: {  	s25 =	sor.u32 s28, s10;
	v13 =	vor.u32 $0x300, v3;
	v12 =	vld.idx.msk [tilespmem:v14+s17+$0x0], $0xffff;
	[tilespmem:s22+$0x11000] =	vst v6  }
0x50: {  	s4 =	sor.u32 s29, s10;
	v5 =	vor.u32 $0x380, v5;
	v16 =	vld.idx.msk [tilespmem:v16+s17+$0x0], $0xffff;
	[tilespmem:s25+$0x0] =	vst v15  }
0x51: {  	s23 =	sor.u32 $0x280, s13;
	v17 =	vor.u32 $0x100, v2;
	v15 =	vld.idx.msk [tilespmem:v19+s17+$0x0], $0xffff;
	[tilespmem:s4+$0x0] =	vst v18  }
0x52: {  	s26 =	sor.u32 $0x280, s9;
	v19 =	vor.u32 $0x100, v1;
	[tilespmem:s23+$0x11000] =	vst v11;
	v7 =	vld.idx.msk [tilespmem:v7+s17+$0x0], $0xffff  }
0x53: {  	s24 =	sor.u32 $0x300, s8;
	v6 =	vor.u32 $0x100, v21;
	[tilespmem:s26+$0x11000] =	vst v22;
	v23 =	vld.idx.msk [tilespmem:v9+s17+$0x0], $0xffff  }
0x54: {  	v20 =	vor.u32 $0x100, v10;
	v14 =	vld.idx.msk [tilespmem:v13+s17+$0x0], $0xffff;
	[tilespmem:s24+$0x11000] =	vst v12  }
0x55: {  	[tilespmem:s6+$0x80] =	vst v16;
	v16 =	vor.u32 $0x300, v0;
	v24 =	vld.idx.msk [tilespmem:v5+s17+$0x0], $0xffff  }
0x56: {  	v25 =	vor.u32 $0x380, v4;
	[tilespmem:s16+$0x80] =	vst v8;
	v18 =	vld.idx.msk [tilespmem:v17+s17+$0x0], $0xffff  }
0x57: {  	s2 =	sor.u32 s2, s2;
	v4 =	vor.u32 $0x380, v21;
	v17 =	vld.idx.msk [tilespmem:v19+s17+$0x0], $0xffff;
	[tilespmem:s25+$0x80] =	vst v15  }
0x58: {  	s1 =	sshll.u32 s31, $0x1;
	s3 =	sor.u32 $0x380, s2;
	s2 =	simm.s32 $0x4;
	v11 =	vor.u32 $0x200, v21;
	v22 =	vor.u32 $0x180, v2;
	v13 =	vor.u32 $0x180, v21;
	v19 =	vld.idx.msk [tilespmem:v6+s17+$0x0], $0xffff;
	[tilespmem:s4+$0x80] =	vst v7  }
0x59: {  	s29 =	sor.u32 s7, s0;
	s9 =	sor.u32 $0x300, s9;
	s28 =	sor.u32 $0x300, s15;
	v8 =	vor.u32 $0x280, v21;
	v6 =	vor.u32 $0x300, v21;
	v21 =	vor.u32 $0x180, v1;
	v20 =	vld.idx.msk [tilespmem:v20+s17+$0x0], $0xffff  }
0x5a: {  	s30 =	sor.u32 $0x300, s13;
	s12 =	sor.u32 $0x380, s15;
	s15 =	sor.u32 $0x380, s8;
	v3 =	vor.u32 $0x380, v3;
	v9 =	vor.u32 $0x200, v10;
	v12 =	vor.u32 $0x180, v10;
	[tilespmem:s28+$0x11000] =	vst v23;
	v15 =	vld.idx.msk [tilespmem:v16+s17+$0x0], $0xffff  }
0x5b: {  	s8 =	simm.s32 $0x80;
	s14 =	sor.u32 $0x380, s13;
	s13 =	sor.u32 $0x380, s29;
	v5 =	vor.u32 $0x300, v10;
	v7 =	vor.u32 $0x280, v10;
	v10 =	vor.u32 $0x380, v10;
	v16 =	vld.idx.msk [tilespmem:v25+s17+$0x0], $0xffff;
	[tilespmem:s15+$0x11000] =	vst v24  }
.LBB2_3:
0x5c: {  	v23 =	vld [tilespmem:s8+$0x0];
	[tilespmem:s6+$0x100] =	vst v18;
	s0 =	sadd.s32 $0x40, s0  }
0x5d: {  	s2 =	sadd.s32 $0x4, s2;
	s15 =	sand.u32 $0x40, s0;
	[tilespmem:s16+$0x100] =	vst v17;
	v17 =	vld.idx.msk [tilespmem:v22+s17+$0x0], $0xffff  }
0x5e: {  	s10 =	sand.u32 $0x380, s0;
	p2 =	slt.u32 s2, $0x3C;
	s18 =	sor.u32 $0x30, s15;
	v18 =	vld.idx.msk [tilespmem:v21+s17+$0x0], $0xffff;
	[tilespmem:s25+$0x100] =	vst v19  }
0x5f: {  	s21 =	sor.u32 $0x10, s15;
	s20 =	sor.u32 $0x20, s15;
	v19 =	vor.u32 $0x200, v2;
	s22 =	sor.u32 s18, s10;
	v13 =	vld.idx.msk [tilespmem:v13+s17+$0x0], $0xffff;
	[tilespmem:s4+$0x100] =	vst v20  }
0x60: {  	v21 =	vor.u32 $0x200, v1;
	s23 =	sor.u32 s21, s10;
	s10 =	sor.u32 s20, s10;
	v20 =	vld [tilespmem:s22+$0x0];
	[tilespmem:s30+$0x11000] =	vst v14  }
0x61: {  	v14 =	vld [tilespmem:s23+$0x0];
	[tilespmem:s9+$0x11000] =	vst v15  }
0x62: {  	v15 =	vshll.u32 v23, $0x3;
	v22 =	vld [tilespmem:s10+$0x0];
	[tilespmem:s12+$0x11000] =	vst v16  }
0x63: {  	v16 =	vand.u32 $0x7F, v23;
	v15 =	vand.u32 $0xFFFFFC00, v15;
	v12 =	vld.idx.msk [tilespmem:v12+s17+$0x0], $0xffff;
	[tilespmem:s6+$0x180] =	vst v17;
	v17 =	vor.u32 $0x380, v0;
	v0 =	vmovc v1  }
0x64: {  	p1 =	por !p1, !p1;
	v1 =	vor.u32 v16, v15;
	s6 =	simm.s32 $0x1;
	[tilespmem:s16+$0x180] =	vst v18;
	v15 =	vld.idx.msk [tilespmem:v19+s17+$0x0], $0xffff  }
0x65: {  	s6 =	simm.s32 @!p1 $0x0;
	v16 =	vshll.u32 v20, $0x3;
	v18 =	vld.idx.msk [tilespmem:v21+s17+$0x0], $0xffff;
	[tilespmem:s25+$0x180] =	vst v13  }
0x66: {  	v13 =	vand.u32 $0x7F, v20;
	s6 =	sshll.u32 s6, $0x6;
	v16 =	vand.u32 $0xFFFFFC00, v16;
	v19 =	vld.idx.msk [tilespmem:v11+s17+$0x0], $0xffff;
	v11 =	vor.u32 $0x280, v2  }
0x67: {  	v20 =	vshll.u32 v14, $0x3;
	s6 =	sadd.s32 s6, s7;
	v21 =	vshll.u32 v22, $0x3;
	v16 =	vor.u32 v13, v16;
	v23 =	vld.idx.msk [tilespmem:v3+s17+$0x0], $0xffff;
	v3 =	vmovc v10  }
0x68: {  	v10 =	vand.u32 $0x7F, v14;
	v13 =	vand.u32 $0xFFFFFC00, v20;
	s10 =	sadd.s32 $0x10, s6;
	s16 =	sadd.s32 $0x20, s6;
	s22 =	sadd.s32 $0x30, s6;
	v14 =	vand.u32 $0xFFFFFC00, v21;
	v17 =	vld.idx.msk [tilespmem:v17+s17+$0x0], $0xffff  }
0x69: {  	v10 =	vor.u32 v10, v13;
	v13 =	vand.u32 $0x7F, v22;
	v21 =	vor.u32 $0x280, v0;
	s12 =	sor.u32 $0x200, s10;
	s9 =	sor.u32 $0x200, s22;
	v20 =	vld.idx.msk [tilespmem:v1+s17+$0x0], $0xffff;
	[tilespmem:s4+$0x180] =	vst v12;
	s4 =	sor.u32 $0x200, s16  }
0x6a: {  	s23 =	sor.u32 $0x200, s6;
	s28 =	sor.u32 $0x280, s10;
	s26 =	sor.u32 $0x280, s16;
	v22 =	vor.u32 $0x80, v10;
	v24 =	vor.u32 $0x100, v10;
	v14 =	vor.u32 v13, v14;
	v25 =	vld.idx.msk [tilespmem:v9+s17+$0x0], $0xffff;
	[tilespmem:s9+$0x11000] =	vst v15  }
0x6b: {  	s24 =	sor.u32 $0x280, s6;
	s30 =	sor.u32 $0x300, s16;
	v13 =	vor.u32 $0x180, v10;
	v15 =	vor.u32 $0x80, v14;
	v26 =	vor.u32 $0x100, v14;
	[tilespmem:s23+$0x11000] =	vst v18;
	s23 =	sor.u32 $0x300, s10;
	v18 =	vld.idx.msk [tilespmem:v11+s17+$0x0], $0xffff  }
0x6c: {  	v12 =	vor.u32 $0x180, v14;
	v9 =	vor.u32 $0x200, v14;
	s9 =	sor.u32 $0x300, s6;
	s6 =	sor.u32 $0x380, s16;
	v11 =	vor.u32 $0x200, v10;
	v27 =	vld.idx.msk [tilespmem:v16+s17+$0x0], $0xffff;
	[tilespmem:s12+$0x11000] =	vst v19;
	s12 =	sor.u32 $0x380, s10  }
0x6d: {  	v29 =	vor.u32 $0x300, v2;
	v19 =	vor.u32 $0x280, v14;
	v28 =	vld.idx.msk [tilespmem:v8+s17+$0x0], $0xffff;
	v8 =	vor.u32 $0x280, v10;
	[tilespmem:s14+$0x11000] =	vst v23;
	s14 =	smov.u32 s6  }
0x6e: {  	s7 =	sadd.s32 $0x200, s7;
	v32 =	vor.u32 $0x80, v16;
	v30 =	vor.u32 $0x300, v10;
	v31 =	vor.u32 $0x300, v14;
	v23 =	vld.idx.msk [tilespmem:v10+s17+$0x0], $0xffff;
	[tilespmem:s3+$0x11000] =	vst v17;
	s3 =	smov.u32 s13  }
0x6f: {  	v33 =	vor.u32 $0x380, v10;
	s10 =	sor.u32 s7, s0;
	s6 =	sand.u32 $0x1C00, s7;
	v17 =	vor.u32 $0x80, v1;
	v10 =	vor.u32 $0x380, v14;
	v34 =	vld.idx.msk [tilespmem:v14+s17+$0x0], $0xffff  }
0x70: {  	s29 =	sadd.s32 $0x11000, s6;
	s13 =	sor.u32 $0x380, s10;
	v35 =	vld.idx.msk [tilespmem:v21+s17+$0x0], $0xffff;
	[tilespmem:s4+$0x11000] =	vst v25;
	s4 =	sor.u32 $0x280, s22  }
0x71: {  	s16 =	sor.u32 s15, s29;
	s25 =	sor.u32 s21, s29;
	s6 =	sor.u32 s18, s29;
	v14 =	vld.idx.msk [tilespmem:v7+s17+$0x0], $0xffff;
	[tilespmem:s4+$0x11000] =	vst v18;
	v7 =	vmov v19  }
0x72: {  	s4 =	sor.u32 s20, s29;
	[tilespmem:s6+$0x0] =	vst v27;
	v18 =	vld.idx.msk [tilespmem:v29+s17+$0x0], $0xffff  }
0x73: {  	[tilespmem:s16+$0x0] =	vst v20;
	v19 =	vld.idx.msk [tilespmem:v32+s17+$0x0], $0xffff  }
0x74: {  	v20 =	vor.u32 $0x380, v2;
	v2 =	vmov v16;
	v17 =	vld.idx.msk [tilespmem:v17+s17+$0x0], $0xffff;
	[tilespmem:s25+$0x0] =	vst v23  }
0x75: {  	v21 =	vor.u32 $0x100, v2;
	v16 =	vld.idx.msk [tilespmem:v22+s17+$0x0], $0xffff;
	[tilespmem:s4+$0x0] =	vst v34  }
0x76: {  	v22 =	vor.u32 $0x100, v1;
	v15 =	vld.idx.msk [tilespmem:v15+s17+$0x0], $0xffff;
	[tilespmem:s28+$0x11000] =	vst v28  }
0x77: {  	s10 =	sor.u32 $0x300, s22;
	v23 =	vld.idx.msk [tilespmem:v6+s17+$0x0], $0xffff;
	[tilespmem:s26+$0x11000] =	vst v14;
	v6 =	vmov v30  }
0x78: {  	v14 =	vld.idx.msk [tilespmem:v5+s17+$0x0], $0xffff;
	[tilespmem:s10+$0x11000] =	vst v18;
	v5 =	vmov v31  }
0x79: {  	v25 =	vor.u32 $0x300, v0;
	[tilespmem:s6+$0x80] =	vst v19;
	v27 =	vld.idx.msk [tilespmem:v20+s17+$0x0], $0xffff  }
0x7a: {  	[tilespmem:s16+$0x80] =	vst v17;
	v18 =	vld.idx.msk [tilespmem:v21+s17+$0x0], $0xffff  }
.Ltmp0:
0x7b: {  	v17 =	vld.idx.msk [tilespmem:v22+s17+$0x0], $0xffff;
	[tilespmem:s25+$0x80] =	vst v16;
	(pc) =	sbr.rel @p2 .LBB2_3-.Ltmp0, $4  }
0x7c: {  	v22 =	vor.u32 $0x180, v2;
	v19 =	vld.idx.msk [tilespmem:v24+s17+$0x0], $0xffff;
	[tilespmem:s4+$0x80] =	vst v15  }
0x7d: {  	v21 =	vor.u32 $0x180, v1;
	v20 =	vld.idx.msk [tilespmem:v26+s17+$0x0], $0xffff;
	[tilespmem:s24+$0x11000] =	vst v35  }
0x7e: {  	s10 =	sor.u32 $0x380, s22;
	v15 =	vld.idx.msk [tilespmem:v25+s17+$0x0], $0xffff;
	[tilespmem:s23+$0x11000] =	vst v23  }
0x7f: {  	s8 =	sadd.s32 $0x40, s8;
	v16 =	vld.idx.msk [tilespmem:v4+s17+$0x0], $0xffff;
	[tilespmem:s10+$0x11000] =	vst v27;
	v4 =	vmov v33  }
0x80: {  	_ =	sdelay $0x2  }
0x81: {  	[tilespmem:s6+$0x100] =	vst v18  }
0x82: {  	v18 =	vld.idx.msk [tilespmem:v22+s17+$0x0], $0xffff  }
0x83: {  	[tilespmem:s25+$0x100] =	vst v19;
	v19 =	vor.u32 $0x200, v2  }
0x84: {  	v13 =	vld.idx.msk [tilespmem:v13+s17+$0x0], $0xffff  }
0x85: {  	[tilespmem:s16+$0x100] =	vst v17  }
0x86: {  	v17 =	vld.idx.msk [tilespmem:v21+s17+$0x0], $0xffff;
	[tilespmem:s4+$0x100] =	vst v20  }
0x87: {  	v61 =	vor.u32 $0x200, v1;
	p1 =	por !p1, !p1;
	s0 =	simm.s32 $0x1;
	v12 =	vld.idx.msk [tilespmem:v12+s17+$0x0], $0xffff;
	[tilespmem:s6+$0x180] =	vst v18  }
0x88: {  	s0 =	simm.s32 @!p1 $0x0;
	v18 =	vld.idx.msk [tilespmem:v19+s17+$0x0], $0xffff  }
0x89: {  	s0 =	sshll.u32 s0, $0x6;
	[tilespmem:s25+$0x180] =	vst v13;
	v13 =	vor.u32 $0x280, v2  }
0x8a: {  	s0 =	sadd.s32 s0, s7;
	v11 =	vld.idx.msk [tilespmem:v11+s17+$0x0], $0xffff  }
0x8b: {  	s2 =	sadd.s32 $0x30, s0;
	[tilespmem:s16+$0x180] =	vst v17  }
0x8c: {  	s18 =	sor.u32 $0x200, s2;
	[tilespmem:s4+$0x180] =	vst v12;
	v12 =	vld.idx.msk [tilespmem:v61+s17+$0x0], $0xffff  }
0x8d: {  	s16 =	sadd.s32 $0x10, s0;
	v17 =	vor.u32 $0x280, v1;
	v9 =	vld.idx.msk [tilespmem:v9+s17+$0x0], $0xffff;
	[tilespmem:s18+$0x11000] =	vst v18  }
0x8e: {  	s8 =	sor.u32 $0x200, s16;
	v13 =	vld.idx.msk [tilespmem:v13+s17+$0x0], $0xffff  }
0x8f: {  	[tilespmem:s8+$0x11000] =	vst v11;
	v11 =	vor.u32 $0x300, v2  }
0x90: {  	[tilespmem:s30+$0x11000] =	vst v14;
	s7 =	sadd.s32 $0x20, s0;
	s21 =	sor.u32 $0x200, s0  }
0x91: {  	v0 =	vor.u32 $0x380, v0;
	s20 =	sor.u32 $0x200, s7;
	[tilespmem:s21+$0x11000] =	vst v12;
	v8 =	vld.idx.msk [tilespmem:v8+s17+$0x0], $0xffff  }
0x92: {  	s22 =	sor.u32 $0x280, s2;
	[tilespmem:s20+$0x11000] =	vst v9;
	v9 =	vld.idx.msk [tilespmem:v17+s17+$0x0], $0xffff  }
0x93: {  	v12 =	vor.u32 $0x300, v1;
	v7 =	vld.idx.msk [tilespmem:v7+s17+$0x0], $0xffff;
	[tilespmem:s22+$0x11000] =	vst v13  }
0x94: {  	[tilespmem:s9+$0x11000] =	vst v15;
	v11 =	vld.idx.msk [tilespmem:v11+s17+$0x0], $0xffff  }
0x95: {  	v3 =	vld.idx.msk [tilespmem:v3+s17+$0x0], $0xffff;
	[tilespmem:s12+$0x11000] =	vst v16;
	s23 =	sor.u32 $0x280, s16;
	v2 =	vor.u32 $0x380, v2  }
0x96: {  	v0 =	vld.idx.msk [tilespmem:v0+s17+$0x0], $0xffff;
	s25 =	sor.u32 $0x280, s0;
	[tilespmem:s23+$0x11000] =	vst v8  }
0x97: {  	s24 =	sor.u32 $0x280, s7;
	[tilespmem:s25+$0x11000] =	vst v9;
	v6 =	vld.idx.msk [tilespmem:v6+s17+$0x0], $0xffff  }
0x98: {  	s26 =	sor.u32 $0x300, s2;
	[tilespmem:s24+$0x11000] =	vst v7;
	v7 =	vld.idx.msk [tilespmem:v12+s17+$0x0], $0xffff  }
0x99: {  	v1 =	vor.u32 $0x380, v1;
	v5 =	vld.idx.msk [tilespmem:v5+s17+$0x0], $0xffff;
	[tilespmem:s26+$0x11000] =	vst v11  }
0x9a: {  	[tilespmem:s14+$0x11000] =	vst v3;
	v2 =	vld.idx.msk [tilespmem:v2+s17+$0x0], $0xffff  }
0x9b: {  	s28 =	sor.u32 $0x300, s16;
	[tilespmem:s3+$0x11000] =	vst v0  }
0x9c: {  	s0 =	sor.u32 $0x300, s0;
	[tilespmem:s28+$0x11000] =	vst v6  }
0x9d: {  	s29 =	sor.u32 $0x300, s7;
	[tilespmem:s0+$0x11000] =	vst v7;
	v4 =	vld.idx.msk [tilespmem:v4+s17+$0x0], $0xffff  }
0x9e: {  	s9 =	sor.u32 $0x380, s2;
	[tilespmem:s29+$0x11000] =	vst v5;
	v1 =	vld.idx.msk [tilespmem:v1+s17+$0x0], $0xffff  }
0x9f: {  	v5 =	vld.idx.msk [tilespmem:v10+s17+$0x0], $0xffff;
	[tilespmem:s9+$0x11000] =	vst v2  }
0xa0: {  	s0 =	rddreg [dreg:$0x6]  }
0xa1: {  	s10 =	sor.u32 $0x380, s16;
	s0 =	sor.u32 s1, s0  }
0xa2: {  	[tilespmem:s10+$0x11000] =	vst v4;
	s0 =	sshll.u32 s0, $0xC  }
0xa3: {  	s12 =	sor.u32 $0x380, s7;
	[tilespmem:s13+$0x11000] =	vst v1;
	s13 =	rddreg [dreg:$0x0];
	s0 =	sor.u32 $0x1000, s0  }
0xa4: {  	[tilespmem:s12+$0x11000] =	vst v5;
	s2 =	sadd.s32 s13, s0  }
0xa5: {  	[tilespmem:s19], [sflag:$0x2] =	stream.linear.gather [hbm4b:s2+s5], $0x8000, $0x38;
	[tilespmem:$0x19000] =	vst v63  }
0xa6: {  	s3 =	rddreg [dreg:$0xc];
	s2 =	sshll.u32 @!p0 s31, $0xD  }
0xa7: {  	s4 =	simm.s32 @!p0 $0x17000;
	s2 =	sadd.s32 @!p0 s3, s2;
	s3 =	simm.s32 @!p0 $0x0  }
0xa8: {  	[hbm4b:s2+s3] =	stream.linear.scatter @!p0 [tilespmem:s4], [sflag:$0x6], $0x2000, $0x38;
	[tilespmem:$0x19000] =	vst v63  }
0xa9: {  	s2 =	simm.s32 @!p0 $0x4  }
0xaa: {  	_ =	swait.ge @!p0 [sflag:s2], $0x2000  }
0xab: {  	s7 =	simm.s32 $0x0;
	[sflag:s2] =	ssyncset.done @!p0 $0x0  }
0xac: {  	s14 =	sand.u32 $0x3C0, s7;
	[sflag:s2] =	ssyncadd.s32 @!p0 $0xFFFFE000  }
0xad: {  	v0 =	vld [tilespmem:s14+$0x400];
	_ =	sdelay $0x4  }
0xae: {  	s15 =	simm.s32 $0x430;
	v1 =	vshll.u32 v0, $0x3  }
0xaf: {  	v2 =	vld [tilespmem:s15+$0xFFFFFFE0];
	v0 =	vand.u32 $0x7F, v0;
	v1 =	vand.u32 $0xFFFFFC00, v1  }
0xb0: {  	v8 =	vor.u32 v0, v1  }
0xb1: {  	v0 =	vld [tilespmem:s15+$0xFFFFFFF0]  }
0xb2: {  	v3 =	vld [tilespmem:s15+$0x0];
	_ =	sdelay $0x1  }
0xb3: {  	v1 =	vshll.u32 v2, $0x3  }
0xb4: {  	v2 =	vand.u32 $0x7F, v2;
	v1 =	vand.u32 $0xFFFFFC00, v1;
	v4 =	vld.idx.msk [tilespmem:v8+s17+$0x0], $0xffff  }
0xb5: {  	v5 =	vor.u32 $0x80, v8;
	v2 =	vor.u32 v2, v1;
	v1 =	vshll.u32 v0, $0x3  }
0xb6: {  	v6 =	vshll.u32 v3, $0x3;
	v0 =	vand.u32 $0x7F, v0;
	v1 =	vand.u32 $0xFFFFFC00, v1  }
0xb7: {  	s16 =	sand.u32 $0x40, s7;
	s18 =	sand.u32 $0x1C00, s7;
	v1 =	vor.u32 v0, v1;
	v0 =	vand.u32 $0x7F, v3;
	v3 =	vand.u32 $0xFFFFFC00, v6  }
0xb8: {  	s2 =	sor.u32 s16, s18;
	v0 =	vor.u32 v0, v3  }
0xb9: {  	[tilespmem:s2+$0x13000] =	vst v4  }
0xba: {  	v3 =	vld.idx.msk [tilespmem:v5+s17+$0x0], $0xffff  }
0xbb: {  	v4 =	vor.u32 $0x100, v8;
	v5 =	vld.idx.msk [tilespmem:v2+s17+$0x0], $0xffff  }
0xbc: {  	v7 =	vor.u32 $0x80, v2;
	v6 =	vld.idx.msk [tilespmem:v1+s17+$0x0], $0xffff  }
0xbd: {  	v10 =	vor.u32 $0x80, v1;
	v9 =	vld.idx.msk [tilespmem:v0+s17+$0x0], $0xffff  }
0xbe: {  	v11 =	vor.u32 $0x80, v0;
	s2 =	sadd.s32 $0x13000, s2  }
0xbf: {  	[tilespmem:s2+$0x80] =	vst v3  }
0xc0: {  	[tilespmem:s2+$0x10] =	vst v5;
	v3 =	vld.idx.msk [tilespmem:v4+s17+$0x0], $0xffff  }
0xc1: {  	v5 =	vor.u32 $0x180, v8;
	v7 =	vld.idx.msk [tilespmem:v7+s17+$0x0], $0xffff;
	[tilespmem:s2+$0x20] =	vst v6  }
0xc2: {  	v6 =	vld.idx.msk [tilespmem:v10+s17+$0x0], $0xffff;
	[tilespmem:s2+$0x30] =	vst v9;
	v9 =	vor.u32 $0x100, v2  }
0xc3: {  	s20 =	simm.s32 $0x470;
	v10 =	vld.idx.msk [tilespmem:v11+s17+$0x0], $0xffff  }
0xc4: {  	v12 =	vld [tilespmem:s20+$0xFFFFFFF0];
	v11 =	vor.u32 $0x100, v1  }
0xc5: {  	v4 =	vld [tilespmem:s20+$0xFFFFFFE0];
	[tilespmem:s2+$0x100] =	vst v3;
	v3 =	vor.u32 $0x100, v0  }
0xc6: {  	s3 =	simm.s32 $0x40;
	[tilespmem:s2+$0x90] =	vst v7;
	v5 =	vld.idx.msk [tilespmem:v5+s17+$0x0], $0xffff  }
0xc7: {  	s21 =	sand.u32 $0x3C0, s3;
	v7 =	vor.u32 $0x200, v8;
	v9 =	vld.idx.msk [tilespmem:v9+s17+$0x0], $0xffff;
	[tilespmem:s2+$0xA0] =	vst v6  }
0xc8: {  	v13 =	vld [tilespmem:s21+$0x400];
	[tilespmem:s2+$0xB0] =	vst v10;
	v10 =	vor.u32 $0x180, v2  }
0xc9: {  	v6 =	vld.idx.msk [tilespmem:v11+s17+$0x0], $0xffff  }
0xca: {  	v11 =	vor.u32 $0x180, v1;
	v14 =	vld.idx.msk [tilespmem:v3+s17+$0x0], $0xffff;
	v3 =	vshll.u32 v4, $0x3  }
0xcb: {  	v15 =	vld [tilespmem:s20+$0x0];
	v4 =	vand.u32 $0x7F, v4;
	[tilespmem:s2+$0x180] =	vst v5;
	v5 =	vor.u32 $0x180, v0;
	v3 =	vand.u32 $0xFFFFFC00, v3  }
0xcc: {  	p1 =	por $0x0, $0x0;
	s4 =	simm.s32 $0x1;
	[tilespmem:s2+$0x110] =	vst v9;
	v16 =	vld.idx.msk [tilespmem:v7+s17+$0x0], $0xffff;
	v4 =	vor.u32 v4, v3  }
0xcd: {  	s4 =	simm.s32 @!p1 $0x0;
	v9 =	vor.u32 $0x280, v8;
	v7 =	vshll.u32 v13, $0x3;
	v10 =	vld.idx.msk [tilespmem:v10+s17+$0x0], $0xffff  }
0xce: {  	s4 =	sshll.u32 s4, $0x6;
	v3 =	vand.u32 $0x7F, v13;
	[tilespmem:s2+$0x120] =	vst v6;
	v13 =	vor.u32 $0x200, v2;
	v7 =	vand.u32 $0xFFFFFC00, v7  }
0xcf: {  	s15 =	sadd.s32 $0x0, s4;
	v11 =	vld.idx.msk [tilespmem:v11+s17+$0x0], $0xffff;
	v3 =	vor.u32 v3, v7;
	[tilespmem:s2+$0x130] =	vst v14  }
0xd0: {  	s4 =	sor.u32 $0x200, s15;
	v6 =	vshll.u32 v12, $0x3;
	v14 =	vld.idx.msk [tilespmem:v5+s17+$0x0], $0xffff;
	v5 =	vand.u32 $0x7F, v12;
	v12 =	vor.u32 $0x200, v1  }
0xd1: {  	v17 =	vshll.u32 v15, $0x3;
	v6 =	vand.u32 $0xFFFFFC00, v6;
	v7 =	vld.idx.msk [tilespmem:v4+s17+$0x0], $0xffff;
	[tilespmem:s4+$0x13000] =	vst v16;
	v16 =	vor.u32 $0x200, v0  }
0xd2: {  	v6 =	vor.u32 v5, v6;
	v5 =	vand.u32 $0x7F, v15;
	v15 =	vand.u32 $0xFFFFFC00, v17;
	[tilespmem:s2+$0x190] =	vst v10;
	v9 =	vld.idx.msk [tilespmem:v9+s17+$0x0], $0xffff  }
0xd3: {  	v5 =	vor.u32 v5, v15;
	v17 =	vld.idx.msk [tilespmem:v13+s17+$0x0], $0xffff  }
0xd4: {  	[tilespmem:s2+$0x1A0] =	vst v11;
	v15 =	vor.u32 $0x300, v8;
	v10 =	vld.idx.msk [tilespmem:v3+s17+$0x0], $0xffff  }
0xd5: {  	v18 =	vor.u32 $0x80, v3;
	v19 =	vld.idx.msk [tilespmem:v12+s17+$0x0], $0xffff;
	[tilespmem:s2+$0x1B0] =	vst v14  }
0xd6: {  	s6 =	simm.s32 $0x4B0;
	s13 =	simm.s32 $0x200;
	v14 =	vor.u32 $0x280, v2;
	v16 =	vld.idx.msk [tilespmem:v16+s17+$0x0], $0xffff  }
0xd7: {  	s23 =	sand.u32 $0x1C00, s13;
	s22 =	sand.u32 $0x40, s3;
	s24 =	sor.u32 $0x280, s15;
	v62 =	vor.u32 $0x280, v1;
	v11 =	vld.idx.msk [tilespmem:v6+s17+$0x0], $0xffff  }
0xd8: {  	s10 =	sor.u32 s22, s23;
	s25 =	sadd.s32 $0x10, s15;
	s26 =	sadd.s32 $0x20, s15;
	v63 =	vor.u32 $0x280, v0;
	v12 =	vld.idx.msk [tilespmem:v5+s17+$0x0], $0xffff;
	[tilespmem:s24+$0x13000] =	vst v9  }
0xd9: {  	s18 =	sadd.s32 $0x30, s15;
	s28 =	sor.u32 $0x200, s25;
	s29 =	sor.u32 $0x200, s26;
	[tilespmem:s10+$0x13000] =	vst v10;
	v13 =	vld.idx.msk [tilespmem:v15+s17+$0x0], $0xffff  }
0xda: {  	s21 =	sor.u32 $0x280, s25;
	s22 =	sor.u32 $0x200, s18;
	s12 =	sor.u32 $0x300, s25;
	[tilespmem:s28+$0x13000] =	vst v17;
	v15 =	vld.idx.msk [tilespmem:v18+s17+$0x0], $0xffff  }
0xdb: {  	s8 =	sor.u32 $0x300, s26;
	s9 =	sor.u32 $0x280, s18;
	s30 =	sor.u32 $0x380, s25;
	v10 =	vld.idx.msk [tilespmem:v14+s17+$0x0], $0xffff;
	[tilespmem:s29+$0x13000] =	vst v19;
	v14 =	vor.u32 $0x380, v8  }
0xdc: {  	s14 =	sor.u32 $0x380, s26;
	s25 =	sor.u32 $0x300, s18;
	s16 =	sor.u32 $0x380, s18;
	v9 =	vld.idx.msk [tilespmem:v62+s17+$0x0], $0xffff;
	[tilespmem:s22+$0x13000] =	vst v16;
	v16 =	vor.u32 $0x100, v3  }
0xdd: {  	s20 =	sor.u32 $0x280, s26;
	s4 =	simm.s32 $0x4;
	s2 =	simm.s32 $0x0;
	v17 =	vor.u32 $0x80, v4;
	v8 =	vld.idx.msk [tilespmem:v63+s17+$0x0], $0xffff  }
.LBB2_5:
0xde: {  	v18 =	vld [tilespmem:s6+$0xFFFFFFE0];
	v19 =	vor.u32 $0x80, v6;
	s15 =	sor.u32 $0x300, s15  }
0xdf: {  	s22 =	sadd.s32 $0x13000, s10;
	v21 =	vor.u32 $0x80, v5;
	v20 =	vld [tilespmem:s6+$0xFFFFFFF0];
	[tilespmem:s15+$0x13000] =	vst v13  }
0xe0: {  	[tilespmem:s22+$0x80] =	vst v15;
	v13 =	vld.idx.msk [tilespmem:v14+s17+$0x0], $0xffff;
	v14 =	vor.u32 $0x300, v2  }
0xe1: {  	v15 =	vld.idx.msk [tilespmem:v16+s17+$0x0], $0xffff;
	[tilespmem:s22+$0x10] =	vst v7;
	v7 =	vor.u32 $0x300, v1  }
0xe2: {  	v16 =	vld.idx.msk [tilespmem:v17+s17+$0x0], $0xffff;
	[tilespmem:s22+$0x20] =	vst v11  }
0xe3: {  	v11 =	vor.u32 $0x180, v3;
	v17 =	vld.idx.msk [tilespmem:v19+s17+$0x0], $0xffff;
	[tilespmem:s22+$0x30] =	vst v12  }
0xe4: {  	s10 =	sor.u32 s2, s7;
	s7 =	smov.u32 s3;
	s2 =	smov.u32 s13;
	v12 =	vor.u32 $0x100, v4;
	v19 =	vld.idx.msk [tilespmem:v21+s17+$0x0], $0xffff;
	[tilespmem:s21+$0x13000] =	vst v10  }
0xe5: {  	s10 =	sor.u32 $0x380, s10;
	v10 =	vor.u32 $0x100, v6;
	v14 =	vld.idx.msk [tilespmem:v14+s17+$0x0], $0xffff;
	[tilespmem:s20+$0x13000] =	vst v9  }
0xe6: {  	[tilespmem:s10+$0x13000] =	vst v13;
	v7 =	vld.idx.msk [tilespmem:v7+s17+$0x0], $0xffff  }
0xe7: {  	v13 =	vor.u32 $0x100, v5;
	v9 =	vld [tilespmem:s6+$0x0];
	[tilespmem:s22+$0x100] =	vst v15  }
0xe8: {  	v15 =	vor.u32 $0x300, v0;
	v11 =	vld.idx.msk [tilespmem:v11+s17+$0x0], $0xffff;
	[tilespmem:s22+$0x90] =	vst v16  }
0xe9: {  	s3 =	sadd.s32 $0x40, s3;
	v16 =	vor.u32 $0x380, v2;
	v2 =	vmov v4;
	v12 =	vld.idx.msk [tilespmem:v12+s17+$0x0], $0xffff;
	[tilespmem:s22+$0xA0] =	vst v17  }
0xea: {  	s4 =	sadd.s32 $0x4, s4;
	s10 =	sand.u32 $0x3C0, s3;
	v4 =	vor.u32 $0x200, v3;
	v10 =	vld.idx.msk [tilespmem:v10+s17+$0x0], $0xffff;
	[tilespmem:s22+$0xB0] =	vst v19  }
0xeb: {  	p2 =	slt.u32 s4, $0x3C;
	v19 =	vor.u32 $0x180, v2;
	v17 =	vld [tilespmem:s10+$0x400];
	[tilespmem:s9+$0x13000] =	vst v8  }
0xec: {  	v8 =	vor.u32 $0x180, v6;
	v13 =	vld.idx.msk [tilespmem:v13+s17+$0x0], $0xffff;
	[tilespmem:s12+$0x13000] =	vst v14  }
0xed: {  	[tilespmem:s8+$0x13000] =	vst v7;
	v7 =	vor.u32 $0x380, v1;
	v14 =	vld.idx.msk [tilespmem:v15+s17+$0x0], $0xffff;
	v1 =	vmov v6  }
0xee: {  	v6 =	vshll.u32 v18, $0x3;
	[tilespmem:s22+$0x180] =	vst v11;
	v11 =	vor.u32 $0x180, v5;
	v15 =	vld.idx.msk [tilespmem:v16+s17+$0x0], $0xffff  }
0xef: {  	v16 =	vand.u32 $0x7F, v18;
	v6 =	vand.u32 $0xFFFFFC00, v6;
	v18 =	vld.idx.msk [tilespmem:v4+s17+$0x0], $0xffff;
	[tilespmem:s22+$0x110] =	vst v12;
	v12 =	vor.u32 $0x380, v0;
	v0 =	vmovc v5  }
0xf0: {  	p1 =	por !p1, !p1;
	s8 =	simm.s32 $0x1;
	v4 =	vor.u32 v16, v6;
	v5 =	vshll.u32 v17, $0x3;
	v16 =	vld.idx.msk [tilespmem:v19+s17+$0x0], $0xffff;
	[tilespmem:s22+$0x120] =	vst v10  }
0xf1: {  	s8 =	simm.s32 @!p1 $0x0;
	v6 =	vand.u32 $0x7F, v17;
	v10 =	vor.u32 $0x280, v3;
	v5 =	vand.u32 $0xFFFFFC00, v5;
	v8 =	vld.idx.msk [tilespmem:v8+s17+$0x0], $0xffff  }
0xf2: {  	s8 =	sshll.u32 s8, $0x6;
	v17 =	vor.u32 v6, v5;
	[tilespmem:s22+$0x130] =	vst v13;
	v13 =	vld.idx.msk [tilespmem:v7+s17+$0x0], $0xffff  }
0xf3: {  	s15 =	sadd.s32 s8, s13;
	v19 =	vor.u32 $0x200, v2;
	v11 =	vld.idx.msk [tilespmem:v11+s17+$0x0], $0xffff;
	[tilespmem:s25+$0x13000] =	vst v14  }
0xf4: {  	s8 =	sor.u32 $0x200, s15;
	s10 =	sadd.s32 $0x10, s15;
	s18 =	sadd.s32 $0x20, s15;
	v5 =	vand.u32 $0x7F, v20;
	v6 =	vshll.u32 v20, $0x3;
	v14 =	vor.u32 $0x200, v1;
	[tilespmem:s30+$0x13000] =	vst v15;
	v12 =	vld.idx.msk [tilespmem:v12+s17+$0x0], $0xffff  }
0xf5: {  	s26 =	sadd.s32 $0x30, s15;
	s23 =	sor.u32 $0x200, s10;
	s24 =	sor.u32 $0x200, s18;
	v6 =	vand.u32 $0xFFFFFC00, v6;
	v15 =	vshll.u32 v9, $0x3;
	v7 =	vld.idx.msk [tilespmem:v4+s17+$0x0], $0xffff;
	[tilespmem:s8+$0x13000] =	vst v18;
	v18 =	vor.u32 $0x200, v0  }
0xf6: {  	s21 =	sor.u32 $0x280, s10;
	s20 =	sor.u32 $0x280, s18;
	s28 =	sor.u32 $0x200, s26;
	v6 =	vor.u32 v5, v6;
	v5 =	vand.u32 $0x7F, v9;
	v9 =	vand.u32 $0xFFFFFC00, v15;
	v10 =	vld.idx.msk [tilespmem:v10+s17+$0x0], $0xffff;
	[tilespmem:s22+$0x190] =	vst v16  }
0xf7: {  	s12 =	sor.u32 $0x300, s10;
	s9 =	sor.u32 $0x280, s26;
	s8 =	sor.u32 $0x300, s18;
	v5 =	vor.u32 v5, v9;
	v15 =	vld.idx.msk [tilespmem:v17+s17+$0x0], $0xffff;
	[tilespmem:s22+$0x1A0] =	vst v8  }
0xf8: {  	s25 =	sor.u32 $0x300, s26;
	s30 =	sor.u32 $0x380, s10;
	v8 =	vor.u32 $0x300, v3;
	v9 =	vld.idx.msk [tilespmem:v19+s17+$0x0], $0xffff;
	[tilespmem:s14+$0x13000] =	vst v13;
	s14 =	sor.u32 $0x380, s18  }
0xf9: {  	s10 =	sor.u32 $0x380, s26;
	v16 =	vor.u32 $0x80, v17;
	v19 =	vld.idx.msk [tilespmem:v14+s17+$0x0], $0xffff;
	[tilespmem:s22+$0x1B0] =	vst v11  }
0xfa: {  	s13 =	sadd.s32 $0x200, s13;
	v20 =	vor.u32 $0x280, v2;
	v18 =	vld.idx.msk [tilespmem:v18+s17+$0x0], $0xffff;
	[tilespmem:s16+$0x13000] =	vst v12;
	s16 =	smov.u32 s10  }
0xfb: {  	v21 =	vor.u32 $0x280, v1;
	s18 =	sand.u32 $0x1C00, s13;
	s22 =	sor.u32 $0x280, s15;
	s10 =	sand.u32 $0x40, s3;
	v11 =	vld.idx.msk [tilespmem:v6+s17+$0x0], $0xffff  }
0xfc: {  	v22 =	vor.u32 $0x280, v0;
	s10 =	sor.u32 s10, s18;
	v12 =	vld.idx.msk [tilespmem:v5+s17+$0x0], $0xffff;
	[tilespmem:s22+$0x13000] =	vst v10  }
.Ltmp1:
0xfd: {  	[tilespmem:s10+$0x13000] =	vst v15;
	v13 =	vld.idx.msk [tilespmem:v8+s17+$0x0], $0xffff;
	(pc) =	sbr.rel @p2 .LBB2_5-.Ltmp1, $4  }
0xfe: {  	v15 =	vld.idx.msk [tilespmem:v16+s17+$0x0], $0xffff;
	[tilespmem:s23+$0x13000] =	vst v9  }
0xff: {  	v14 =	vor.u32 $0x380, v3;
	v3 =	vmov v17;
	v10 =	vld.idx.msk [tilespmem:v20+s17+$0x0], $0xffff;
	[tilespmem:s24+$0x13000] =	vst v19  }
0x100: {  	v16 =	vor.u32 $0x100, v3;
	v9 =	vld.idx.msk [tilespmem:v21+s17+$0x0], $0xffff;
	[tilespmem:s28+$0x13000] =	vst v18  }
0x101: {  	s6 =	sadd.s32 $0x40, s6;
	v17 =	vor.u32 $0x80, v4;
	v8 =	vld.idx.msk [tilespmem:v22+s17+$0x0], $0xffff  }
0x102: {  	v18 =	vor.u32 $0x80, v6;
	_ =	sdelay $0x1  }
0x103: {  	v19 =	vor.u32 $0x80, v5;
	s4 =	sadd.s32 $0x13000, s10  }
0x104: {  	[tilespmem:s4+$0x10] =	vst v7  }
0x105: {  	[tilespmem:s4+$0x20] =	vst v11;
	v7 =	vld.idx.msk [tilespmem:v17+s17+$0x0], $0xffff  }
0x106: {  	[tilespmem:s4+$0x30] =	vst v12;
	v12 =	vor.u32 $0x100, v4;
	v11 =	vld.idx.msk [tilespmem:v18+s17+$0x0], $0xffff  }
0x107: {  	v18 =	vor.u32 $0x100, v6  }
0x108: {  	v17 =	vld.idx.msk [tilespmem:v19+s17+$0x0], $0xffff  }
0x109: {  	[tilespmem:s4+$0x80] =	vst v15;
	v19 =	vor.u32 $0x100, v5  }
0x10a: {  	v15 =	vld.idx.msk [tilespmem:v16+s17+$0x0], $0xffff;
	[tilespmem:s4+$0x90] =	vst v7  }
0x10b: {  	v7 =	vor.u32 $0x180, v3;
	v12 =	vld.idx.msk [tilespmem:v12+s17+$0x0], $0xffff;
	[tilespmem:s4+$0xA0] =	vst v11  }
0x10c: {  	v16 =	vor.u32 $0x180, v4;
	v11 =	vld.idx.msk [tilespmem:v18+s17+$0x0], $0xffff  }
0x10d: {  	s6 =	sor.u32 $0x300, s15;
	[tilespmem:s4+$0xB0] =	vst v17;
	v17 =	vor.u32 $0x180, v6  }
0x10e: {  	[tilespmem:s6+$0x13000] =	vst v13;
	v18 =	vld.idx.msk [tilespmem:v19+s17+$0x0], $0xffff  }
0x10f: {  	v13 =	vor.u32 $0x180, v5;
	[tilespmem:s4+$0x100] =	vst v15  }
0x110: {  	v7 =	vld.idx.msk [tilespmem:v7+s17+$0x0], $0xffff;
	[tilespmem:s4+$0x110] =	vst v12  }
0x111: {  	v12 =	vor.u32 $0x200, v3;
	v15 =	vld.idx.msk [tilespmem:v16+s17+$0x0], $0xffff;
	[tilespmem:s4+$0x120] =	vst v11  }
0x112: {  	[tilespmem:s21+$0x13000] =	vst v10;
	v16 =	vor.u32 $0x200, v4;
	v11 =	vld.idx.msk [tilespmem:v17+s17+$0x0], $0xffff  }
0x113: {  	[tilespmem:s4+$0x130] =	vst v18;
	v17 =	vor.u32 $0x300, v2  }
0x114: {  	[tilespmem:s20+$0x13000] =	vst v9;
	v10 =	vld.idx.msk [tilespmem:v13+s17+$0x0], $0xffff;
	v13 =	vor.u32 $0x200, v6  }
0x115: {  	v14 =	vld.idx.msk [tilespmem:v14+s17+$0x0], $0xffff;
	v9 =	vor.u32 $0x200, v5;
	[tilespmem:s4+$0x180] =	vst v7  }
0x116: {  	p1 =	por !p1, !p1;
	s6 =	simm.s32 $0x1;
	v7 =	vor.u32 $0x300, v1;
	v12 =	vld.idx.msk [tilespmem:v12+s17+$0x0], $0xffff;
	[tilespmem:s4+$0x190] =	vst v15  }
0x117: {  	s6 =	simm.s32 @!p1 $0x0;
	[tilespmem:s4+$0x1A0] =	vst v11;
	v11 =	vld.idx.msk [tilespmem:v16+s17+$0x0], $0xffff  }
0x118: {  	s2 =	sor.u32 s2, s7;
	s6 =	sshll.u32 s6, $0x6;
	[tilespmem:s9+$0x13000] =	vst v8;
	v15 =	vor.u32 $0x280, v3;
	v16 =	vld.idx.msk [tilespmem:v17+s17+$0x0], $0xffff  }
0x119: {  	s2 =	sor.u32 $0x380, s2;
	s29 =	sadd.s32 s6, s13;
	[tilespmem:s4+$0x1B0] =	vst v10;
	v10 =	vor.u32 $0x280, v4;
	v13 =	vld.idx.msk [tilespmem:v13+s17+$0x0], $0xffff  }
0x11a: {  	s6 =	sor.u32 $0x200, s29;
	[tilespmem:s2+$0x13000] =	vst v14;
	v14 =	vor.u32 $0x280, v6;
	s2 =	sadd.s32 $0x10, s29;
	v9 =	vld.idx.msk [tilespmem:v9+s17+$0x0], $0xffff  }
0x11b: {  	s10 =	sor.u32 $0x200, s2;
	v7 =	vld.idx.msk [tilespmem:v7+s17+$0x0], $0xffff;
	v17 =	vor.u32 $0x300, v0;
	[tilespmem:s6+$0x13000] =	vst v12  }
0x11c: {  	s7 =	sadd.s32 $0x20, s29;
	v2 =	vor.u32 $0x380, v2;
	[tilespmem:s10+$0x13000] =	vst v11  }
0x11d: {  	v8 =	vor.u32 $0x280, v5;
	s18 =	sadd.s32 $0x30, s29;
	s15 =	sor.u32 $0x200, s7;
	v12 =	vld.idx.msk [tilespmem:v15+s17+$0x0], $0xffff;
	[tilespmem:s12+$0x13000] =	vst v16  }
0x11e: {  	s20 =	sor.u32 $0x200, s18;
	v11 =	vor.u32 $0x300, v3;
	v10 =	vld.idx.msk [tilespmem:v10+s17+$0x0], $0xffff;
	[tilespmem:s15+$0x13000] =	vst v13  }
0x11f: {  	[tilespmem:s20+$0x13000] =	vst v9;
	v9 =	vor.u32 $0x300, v4;
	v13 =	vld.idx.msk [tilespmem:v14+s17+$0x0], $0xffff  }
0x120: {  	[tilespmem:s8+$0x13000] =	vst v7;
	v7 =	vld.idx.msk [tilespmem:v17+s17+$0x0], $0xffff;
	v14 =	vor.u32 $0x300, v6  }
0x121: {  	s21 =	sor.u32 $0x280, s29;
	v1 =	vor.u32 $0x380, v1;
	v2 =	vld.idx.msk [tilespmem:v2+s17+$0x0], $0xffff  }
0x122: {  	s22 =	sor.u32 $0x280, s2;
	v0 =	vor.u32 $0x380, v0;
	v8 =	vld.idx.msk [tilespmem:v8+s17+$0x0], $0xffff;
	[tilespmem:s21+$0x13000] =	vst v12  }
0x123: {  	s23 =	sor.u32 $0x280, s7;
	v15 =	vor.u32 $0x300, v5;
	v11 =	vld.idx.msk [tilespmem:v11+s17+$0x0], $0xffff;
	[tilespmem:s22+$0x13000] =	vst v10  }
0x124: {  	v3 =	vor.u32 $0x380, v3;
	v9 =	vld.idx.msk [tilespmem:v9+s17+$0x0], $0xffff;
	[tilespmem:s23+$0x13000] =	vst v13  }
0x125: {  	v4 =	vor.u32 $0x380, v4;
	[tilespmem:s25+$0x13000] =	vst v7;
	v10 =	vld.idx.msk [tilespmem:v14+s17+$0x0], $0xffff  }
0x126: {  	s24 =	sor.u32 $0x280, s18;
	v1 =	vld.idx.msk [tilespmem:v1+s17+$0x0], $0xffff;
	v6 =	vor.u32 $0x380, v6;
	[tilespmem:s30+$0x13000] =	vst v2  }
0x127: {  	s4 =	sor.u32 $0x300, s29;
	v0 =	vld.idx.msk [tilespmem:v0+s17+$0x0], $0xffff;
	[tilespmem:s24+$0x13000] =	vst v8  }
0x128: {  	s26 =	sor.u32 $0x300, s2;
	v7 =	vld.idx.msk [tilespmem:v15+s17+$0x0], $0xffff;
	[tilespmem:s4+$0x13000] =	vst v11  }
0x129: {  	s28 =	sor.u32 $0x300, s7;
	v2 =	vor.u32 $0x380, v5;
	v3 =	vld.idx.msk [tilespmem:v3+s17+$0x0], $0xffff;
	[tilespmem:s26+$0x13000] =	vst v9  }
0x12a: {  	[tilespmem:s28+$0x13000] =	vst v10;
	v4 =	vld.idx.msk [tilespmem:v4+s17+$0x0], $0xffff  }
0x12b: {  	[tilespmem:s14+$0x13000] =	vst v1;
	v5 =	vld.idx.msk [tilespmem:v6+s17+$0x0], $0xffff  }
0x12c: {  	s3 =	sor.u32 s13, s3;
	s29 =	sor.u32 $0x300, s18;
	[tilespmem:s16+$0x13000] =	vst v0  }
0x12d: {  	s3 =	sor.u32 $0x380, s3;
	[tilespmem:s29+$0x13000] =	vst v7  }
0x12e: {  	s2 =	sor.u32 $0x380, s2;
	v1 =	vld.idx.msk [tilespmem:v2+s17+$0x0], $0xffff;
	[tilespmem:s3+$0x13000] =	vst v3  }
0x12f: {  	s8 =	sor.u32 $0x380, s7;
	[tilespmem:s2+$0x13000] =	vst v4  }
0x130: {  	[tilespmem:s8+$0x13000] =	vst v5  }
0x131: {  	s9 =	sshll.u32 s31, $0xD;
	s3 =	rddreg [dreg:$0x4]  }
0x132: {  	s10 =	sor.u32 $0x380, s18;
	s12 =	rddreg [dreg:$0x2];
	s3 =	sadd.s32 s3, s9  }
0x133: {  	s13 =	simm.s32 $0x11000;
	[tilespmem:s10+$0x13000] =	vst v1;
	s2 =	sadd.s32 s12, s3  }
0x134: {  	[hbm4b:s2+s5] =	stream.linear.scatter [tilespmem:s13], [sflag:$0x3], $0x2000, $0x38;
	[tilespmem:$0x19000] =	vst v63  }
0x135: {  	s2 =	simm.s32 @!p0 $0x5  }
0x136: {  	_ =	swait.ge @!p0 [sflag:s2], $0x2000  }
0x137: {  	s13 =	simm.s32 $0x0;
	[sflag:s2] =	ssyncset.done @!p0 $0x0  }
0x138: {  	s14 =	sand.u32 $0x3C0, s13;
	[sflag:s2] =	ssyncadd.s32 @!p0 $0xFFFFE000  }
0x139: {  	v0 =	vld [tilespmem:s14+$0x800];
	_ =	sdelay $0x4  }
0x13a: {  	s15 =	simm.s32 $0x830;
	v1 =	vshll.u32 v0, $0x3  }
0x13b: {  	v2 =	vld [tilespmem:s15+$0xFFFFFFE0];
	v0 =	vand.u32 $0x7F, v0;
	v1 =	vand.u32 $0xFFFFFC00, v1  }
0x13c: {  	v8 =	vor.u32 v0, v1  }
0x13d: {  	v0 =	vld [tilespmem:s15+$0xFFFFFFF0]  }
0x13e: {  	v3 =	vld [tilespmem:s15+$0x0];
	_ =	sdelay $0x1  }
0x13f: {  	v1 =	vshll.u32 v2, $0x3  }
0x140: {  	v2 =	vand.u32 $0x7F, v2;
	v1 =	vand.u32 $0xFFFFFC00, v1;
	v4 =	vld.idx.msk [tilespmem:v8+s17+$0x0], $0xffff  }
0x141: {  	v5 =	vor.u32 $0x80, v8;
	v2 =	vor.u32 v2, v1;
	v1 =	vshll.u32 v0, $0x3  }
0x142: {  	v6 =	vshll.u32 v3, $0x3;
	v0 =	vand.u32 $0x7F, v0;
	v1 =	vand.u32 $0xFFFFFC00, v1  }
0x143: {  	s16 =	sand.u32 $0x40, s13;
	s18 =	sand.u32 $0x1C00, s13;
	v1 =	vor.u32 v0, v1;
	v0 =	vand.u32 $0x7F, v3;
	v3 =	vand.u32 $0xFFFFFC00, v6  }
0x144: {  	s2 =	sor.u32 s16, s18;
	v0 =	vor.u32 v0, v3  }
0x145: {  	[tilespmem:s2+$0x15000] =	vst v4  }
0x146: {  	v3 =	vld.idx.msk [tilespmem:v5+s17+$0x0], $0xffff  }
0x147: {  	v4 =	vor.u32 $0x100, v8;
	v5 =	vld.idx.msk [tilespmem:v2+s17+$0x0], $0xffff  }
0x148: {  	v7 =	vor.u32 $0x80, v2;
	v6 =	vld.idx.msk [tilespmem:v1+s17+$0x0], $0xffff  }
0x149: {  	v10 =	vor.u32 $0x80, v1;
	v9 =	vld.idx.msk [tilespmem:v0+s17+$0x0], $0xffff  }
0x14a: {  	v11 =	vor.u32 $0x80, v0;
	s2 =	sadd.s32 $0x15000, s2  }
0x14b: {  	[tilespmem:s2+$0x80] =	vst v3  }
0x14c: {  	[tilespmem:s2+$0x10] =	vst v5;
	v3 =	vld.idx.msk [tilespmem:v4+s17+$0x0], $0xffff  }
0x14d: {  	v5 =	vor.u32 $0x180, v8;
	v7 =	vld.idx.msk [tilespmem:v7+s17+$0x0], $0xffff;
	[tilespmem:s2+$0x20] =	vst v6  }
0x14e: {  	v6 =	vld.idx.msk [tilespmem:v10+s17+$0x0], $0xffff;
	[tilespmem:s2+$0x30] =	vst v9;
	v9 =	vor.u32 $0x100, v2  }
0x14f: {  	s20 =	simm.s32 $0x870;
	v10 =	vld.idx.msk [tilespmem:v11+s17+$0x0], $0xffff  }
0x150: {  	v12 =	vld [tilespmem:s20+$0xFFFFFFF0];
	v11 =	vor.u32 $0x100, v1  }
0x151: {  	v4 =	vld [tilespmem:s20+$0xFFFFFFE0];
	[tilespmem:s2+$0x100] =	vst v3;
	v3 =	vor.u32 $0x100, v0  }
0x152: {  	s7 =	simm.s32 $0x40;
	[tilespmem:s2+$0x90] =	vst v7;
	v5 =	vld.idx.msk [tilespmem:v5+s17+$0x0], $0xffff  }
0x153: {  	s21 =	sand.u32 $0x3C0, s7;
	v7 =	vor.u32 $0x200, v8;
	v9 =	vld.idx.msk [tilespmem:v9+s17+$0x0], $0xffff;
	[tilespmem:s2+$0xA0] =	vst v6  }
0x154: {  	v13 =	vld [tilespmem:s21+$0x800];
	[tilespmem:s2+$0xB0] =	vst v10;
	v10 =	vor.u32 $0x180, v2  }
0x155: {  	v6 =	vld.idx.msk [tilespmem:v11+s17+$0x0], $0xffff  }
0x156: {  	v11 =	vor.u32 $0x180, v1;
	v14 =	vld.idx.msk [tilespmem:v3+s17+$0x0], $0xffff;
	v3 =	vshll.u32 v4, $0x3  }
0x157: {  	v15 =	vld [tilespmem:s20+$0x0];
	v4 =	vand.u32 $0x7F, v4;
	[tilespmem:s2+$0x180] =	vst v5;
	v5 =	vor.u32 $0x180, v0;
	v3 =	vand.u32 $0xFFFFFC00, v3  }
0x158: {  	p1 =	por $0x0, $0x0;
	s4 =	simm.s32 $0x1;
	[tilespmem:s2+$0x110] =	vst v9;
	v16 =	vld.idx.msk [tilespmem:v7+s17+$0x0], $0xffff;
	v4 =	vor.u32 v4, v3  }
0x159: {  	s4 =	simm.s32 @!p1 $0x0;
	v9 =	vor.u32 $0x280, v8;
	v7 =	vshll.u32 v13, $0x3;
	v10 =	vld.idx.msk [tilespmem:v10+s17+$0x0], $0xffff  }
0x15a: {  	s4 =	sshll.u32 s4, $0x6;
	v3 =	vand.u32 $0x7F, v13;
	[tilespmem:s2+$0x120] =	vst v6;
	v13 =	vor.u32 $0x200, v2;
	v7 =	vand.u32 $0xFFFFFC00, v7  }
0x15b: {  	s20 =	sadd.s32 $0x0, s4;
	v11 =	vld.idx.msk [tilespmem:v11+s17+$0x0], $0xffff;
	v3 =	vor.u32 v3, v7;
	[tilespmem:s2+$0x130] =	vst v14  }
0x15c: {  	s4 =	sor.u32 $0x200, s20;
	v6 =	vshll.u32 v12, $0x3;
	v14 =	vld.idx.msk [tilespmem:v5+s17+$0x0], $0xffff;
	v5 =	vand.u32 $0x7F, v12;
	v12 =	vor.u32 $0x200, v1  }
0x15d: {  	v17 =	vshll.u32 v15, $0x3;
	v6 =	vand.u32 $0xFFFFFC00, v6;
	v7 =	vld.idx.msk [tilespmem:v4+s17+$0x0], $0xffff;
	[tilespmem:s4+$0x15000] =	vst v16;
	v16 =	vor.u32 $0x200, v0  }
0x15e: {  	v6 =	vor.u32 v5, v6;
	v5 =	vand.u32 $0x7F, v15;
	v15 =	vand.u32 $0xFFFFFC00, v17;
	[tilespmem:s2+$0x190] =	vst v10;
	v9 =	vld.idx.msk [tilespmem:v9+s17+$0x0], $0xffff  }
0x15f: {  	v5 =	vor.u32 v5, v15;
	v17 =	vld.idx.msk [tilespmem:v13+s17+$0x0], $0xffff  }
0x160: {  	[tilespmem:s2+$0x1A0] =	vst v11;
	v15 =	vor.u32 $0x300, v8;
	v10 =	vld.idx.msk [tilespmem:v3+s17+$0x0], $0xffff  }
0x161: {  	v18 =	vor.u32 $0x80, v3;
	v19 =	vld.idx.msk [tilespmem:v12+s17+$0x0], $0xffff;
	[tilespmem:s2+$0x1B0] =	vst v14  }
0x162: {  	s6 =	simm.s32 $0x8B0;
	s14 =	simm.s32 $0x200;
	v14 =	vor.u32 $0x280, v2;
	v16 =	vld.idx.msk [tilespmem:v16+s17+$0x0], $0xffff  }
0x163: {  	s22 =	sand.u32 $0x40, s7;
	s23 =	sand.u32 $0x1C00, s14;
	v20 =	vor.u32 $0x280, v1;
	s24 =	sor.u32 $0x280, s20;
	v11 =	vld.idx.msk [tilespmem:v6+s17+$0x0], $0xffff  }
0x164: {  	s8 =	simm.s32 $0x4;
	s10 =	sor.u32 s22, s23;
	v21 =	vor.u32 $0x280, v0;
	s25 =	sadd.s32 $0x10, s20;
	v12 =	vld.idx.msk [tilespmem:v5+s17+$0x0], $0xffff;
	[tilespmem:s24+$0x15000] =	vst v9  }
0x165: {  	s18 =	sadd.s32 $0x20, s20;
	s29 =	sadd.s32 $0x30, s20;
	s26 =	sor.u32 $0x200, s25;
	[tilespmem:s10+$0x15000] =	vst v10;
	v13 =	vld.idx.msk [tilespmem:v15+s17+$0x0], $0xffff  }
0x166: {  	s28 =	sor.u32 $0x200, s18;
	s22 =	sor.u32 $0x280, s25;
	s21 =	sor.u32 $0x280, s18;
	[tilespmem:s26+$0x15000] =	vst v17;
	v15 =	vld.idx.msk [tilespmem:v18+s17+$0x0], $0xffff  }
0x167: {  	s23 =	sor.u32 $0x200, s29;
	s9 =	sor.u32 $0x300, s25;
	s12 =	sor.u32 $0x300, s18;
	v10 =	vld.idx.msk [tilespmem:v14+s17+$0x0], $0xffff;
	[tilespmem:s28+$0x15000] =	vst v19;
	v14 =	vor.u32 $0x380, v8  }
0x168: {  	s15 =	sor.u32 $0x280, s29;
	s25 =	sor.u32 $0x380, s25;
	s16 =	sor.u32 $0x380, s18;
	v9 =	vld.idx.msk [tilespmem:v20+s17+$0x0], $0xffff;
	[tilespmem:s23+$0x15000] =	vst v16;
	v16 =	vor.u32 $0x100, v3  }
0x169: {  	s30 =	sor.u32 $0x380, s29;
	s4 =	simm.s32 $0x0;
	s2 =	sor.u32 $0x300, s29;
	v17 =	vor.u32 $0x80, v4;
	v8 =	vld.idx.msk [tilespmem:v21+s17+$0x0], $0xffff  }
.LBB2_7:
0x16a: {  	v18 =	vld [tilespmem:s6+$0xFFFFFFE0];
	v19 =	vor.u32 $0x80, v6;
	s20 =	sor.u32 $0x300, s20  }
0x16b: {  	s18 =	sadd.s32 $0x15000, s10;
	v21 =	vor.u32 $0x80, v5;
	v20 =	vld [tilespmem:s6+$0xFFFFFFF0];
	[tilespmem:s20+$0x15000] =	vst v13  }
0x16c: {  	[tilespmem:s18+$0x80] =	vst v15;
	v13 =	vld.idx.msk [tilespmem:v14+s17+$0x0], $0xffff;
	v14 =	vor.u32 $0x300, v2  }
0x16d: {  	v15 =	vld.idx.msk [tilespmem:v16+s17+$0x0], $0xffff;
	[tilespmem:s18+$0x10] =	vst v7;
	v7 =	vor.u32 $0x300, v1  }
0x16e: {  	v16 =	vld.idx.msk [tilespmem:v17+s17+$0x0], $0xffff;
	[tilespmem:s18+$0x20] =	vst v11  }
0x16f: {  	v11 =	vor.u32 $0x180, v3;
	v17 =	vld.idx.msk [tilespmem:v19+s17+$0x0], $0xffff;
	[tilespmem:s18+$0x30] =	vst v12  }
0x170: {  	s10 =	sor.u32 s4, s13;
	s13 =	smov.u32 s7;
	s4 =	smov.u32 s14;
	v12 =	vor.u32 $0x100, v4;
	v19 =	vld.idx.msk [tilespmem:v21+s17+$0x0], $0xffff;
	[tilespmem:s22+$0x15000] =	vst v10  }
0x171: {  	s10 =	sor.u32 $0x380, s10;
	v10 =	vor.u32 $0x100, v6;
	v14 =	vld.idx.msk [tilespmem:v14+s17+$0x0], $0xffff;
	[tilespmem:s21+$0x15000] =	vst v9  }
0x172: {  	[tilespmem:s10+$0x15000] =	vst v13;
	v7 =	vld.idx.msk [tilespmem:v7+s17+$0x0], $0xffff  }
0x173: {  	v13 =	vor.u32 $0x100, v5;
	v9 =	vld [tilespmem:s6+$0x0];
	[tilespmem:s18+$0x100] =	vst v15  }
0x174: {  	v15 =	vor.u32 $0x300, v0;
	v11 =	vld.idx.msk [tilespmem:v11+s17+$0x0], $0xffff;
	[tilespmem:s18+$0x90] =	vst v16  }
0x175: {  	s7 =	sadd.s32 $0x40, s7;
	v16 =	vor.u32 $0x380, v2;
	v2 =	vmov v4;
	v12 =	vld.idx.msk [tilespmem:v12+s17+$0x0], $0xffff;
	[tilespmem:s18+$0xA0] =	vst v17  }
0x176: {  	s8 =	sadd.s32 $0x4, s8;
	s10 =	sand.u32 $0x3C0, s7;
	v4 =	vor.u32 $0x200, v3;
	v10 =	vld.idx.msk [tilespmem:v10+s17+$0x0], $0xffff;
	[tilespmem:s18+$0xB0] =	vst v19  }
0x177: {  	p2 =	slt.u32 s8, $0x3C;
	v19 =	vor.u32 $0x180, v2;
	v17 =	vld [tilespmem:s10+$0x800];
	[tilespmem:s15+$0x15000] =	vst v8  }
0x178: {  	v8 =	vor.u32 $0x180, v6;
	v13 =	vld.idx.msk [tilespmem:v13+s17+$0x0], $0xffff;
	[tilespmem:s9+$0x15000] =	vst v14  }
0x179: {  	[tilespmem:s12+$0x15000] =	vst v7;
	v7 =	vor.u32 $0x380, v1;
	v14 =	vld.idx.msk [tilespmem:v15+s17+$0x0], $0xffff;
	v1 =	vmov v6  }
0x17a: {  	v6 =	vshll.u32 v18, $0x3;
	[tilespmem:s18+$0x180] =	vst v11;
	v11 =	vor.u32 $0x180, v5;
	v15 =	vld.idx.msk [tilespmem:v16+s17+$0x0], $0xffff  }
0x17b: {  	v16 =	vand.u32 $0x7F, v18;
	v6 =	vand.u32 $0xFFFFFC00, v6;
	v18 =	vld.idx.msk [tilespmem:v4+s17+$0x0], $0xffff;
	[tilespmem:s18+$0x110] =	vst v12;
	v12 =	vor.u32 $0x380, v0;
	v0 =	vmovc v5  }
0x17c: {  	p1 =	por !p1, !p1;
	s9 =	simm.s32 $0x1;
	v4 =	vor.u32 v16, v6;
	v5 =	vshll.u32 v17, $0x3;
	v16 =	vld.idx.msk [tilespmem:v19+s17+$0x0], $0xffff;
	[tilespmem:s18+$0x120] =	vst v10  }
0x17d: {  	s9 =	simm.s32 @!p1 $0x0;
	v6 =	vand.u32 $0x7F, v17;
	v10 =	vor.u32 $0x280, v3;
	v5 =	vand.u32 $0xFFFFFC00, v5;
	v8 =	vld.idx.msk [tilespmem:v8+s17+$0x0], $0xffff  }
0x17e: {  	s9 =	sshll.u32 s9, $0x6;
	v17 =	vor.u32 v6, v5;
	[tilespmem:s18+$0x130] =	vst v13;
	v13 =	vld.idx.msk [tilespmem:v7+s17+$0x0], $0xffff  }
0x17f: {  	s20 =	sadd.s32 s9, s14;
	v19 =	vor.u32 $0x200, v2;
	v11 =	vld.idx.msk [tilespmem:v11+s17+$0x0], $0xffff;
	[tilespmem:s2+$0x15000] =	vst v14  }
0x180: {  	s10 =	sadd.s32 $0x10, s20;
	s23 =	sadd.s32 $0x20, s20;
	v5 =	vand.u32 $0x7F, v20;
	v6 =	vshll.u32 v20, $0x3;
	s2 =	sor.u32 $0x200, s20;
	v14 =	vor.u32 $0x200, v1;
	[tilespmem:s25+$0x15000] =	vst v15;
	v12 =	vld.idx.msk [tilespmem:v12+s17+$0x0], $0xffff  }
0x181: {  	s28 =	sadd.s32 $0x30, s20;
	s24 =	sor.u32 $0x200, s10;
	s26 =	sor.u32 $0x200, s23;
	v6 =	vand.u32 $0xFFFFFC00, v6;
	v15 =	vshll.u32 v9, $0x3;
	v7 =	vld.idx.msk [tilespmem:v4+s17+$0x0], $0xffff;
	[tilespmem:s2+$0x15000] =	vst v18;
	v18 =	vor.u32 $0x200, v0  }
0x182: {  	s22 =	sor.u32 $0x280, s10;
	s21 =	sor.u32 $0x280, s23;
	s29 =	sor.u32 $0x200, s28;
	v6 =	vor.u32 v5, v6;
	v5 =	vand.u32 $0x7F, v9;
	v9 =	vand.u32 $0xFFFFFC00, v15;
	v10 =	vld.idx.msk [tilespmem:v10+s17+$0x0], $0xffff;
	[tilespmem:s18+$0x190] =	vst v16  }
0x183: {  	s9 =	sor.u32 $0x300, s10;
	s12 =	sor.u32 $0x300, s23;
	s15 =	sor.u32 $0x280, s28;
	v5 =	vor.u32 v5, v9;
	v15 =	vld.idx.msk [tilespmem:v17+s17+$0x0], $0xffff;
	[tilespmem:s18+$0x1A0] =	vst v8  }
0x184: {  	s25 =	sor.u32 $0x380, s10;
	s2 =	sor.u32 $0x300, s28;
	v8 =	vor.u32 $0x300, v3;
	v9 =	vld.idx.msk [tilespmem:v19+s17+$0x0], $0xffff;
	[tilespmem:s16+$0x15000] =	vst v13;
	s16 =	sor.u32 $0x380, s23  }
0x185: {  	s10 =	sor.u32 $0x380, s28;
	v16 =	vor.u32 $0x80, v17;
	v19 =	vld.idx.msk [tilespmem:v14+s17+$0x0], $0xffff;
	[tilespmem:s18+$0x1B0] =	vst v11  }
0x186: {  	s14 =	sadd.s32 $0x200, s14;
	v20 =	vor.u32 $0x280, v2;
	v18 =	vld.idx.msk [tilespmem:v18+s17+$0x0], $0xffff;
	[tilespmem:s30+$0x15000] =	vst v12;
	s30 =	smov.u32 s10  }
0x187: {  	v21 =	vor.u32 $0x280, v1;
	s23 =	sor.u32 $0x280, s20;
	s18 =	sand.u32 $0x1C00, s14;
	s10 =	sand.u32 $0x40, s7;
	v11 =	vld.idx.msk [tilespmem:v6+s17+$0x0], $0xffff  }
0x188: {  	v22 =	vor.u32 $0x280, v0;
	s10 =	sor.u32 s10, s18;
	v12 =	vld.idx.msk [tilespmem:v5+s17+$0x0], $0xffff;
	[tilespmem:s23+$0x15000] =	vst v10  }
.Ltmp2:
0x189: {  	[tilespmem:s10+$0x15000] =	vst v15;
	v13 =	vld.idx.msk [tilespmem:v8+s17+$0x0], $0xffff;
	(pc) =	sbr.rel @p2 .LBB2_7-.Ltmp2, $4  }
0x18a: {  	v15 =	vld.idx.msk [tilespmem:v16+s17+$0x0], $0xffff;
	[tilespmem:s24+$0x15000] =	vst v9  }
0x18b: {  	v14 =	vor.u32 $0x380, v3;
	v3 =	vmov v17;
	v10 =	vld.idx.msk [tilespmem:v20+s17+$0x0], $0xffff;
	[tilespmem:s26+$0x15000] =	vst v19  }
0x18c: {  	v16 =	vor.u32 $0x100, v3;
	v9 =	vld.idx.msk [tilespmem:v21+s17+$0x0], $0xffff;
	[tilespmem:s29+$0x15000] =	vst v18  }
0x18d: {  	s6 =	sadd.s32 $0x40, s6;
	v17 =	vor.u32 $0x80, v4;
	v8 =	vld.idx.msk [tilespmem:v22+s17+$0x0], $0xffff  }
0x18e: {  	v18 =	vor.u32 $0x80, v6  }
0x18f: {  	v19 =	vor.u32 $0x80, v5  }
0x190: {  	s6 =	sadd.s32 $0x15000, s10  }
0x191: {  	[tilespmem:s6+$0x10] =	vst v7  }
0x192: {  	[tilespmem:s6+$0x20] =	vst v11;
	v7 =	vld.idx.msk [tilespmem:v17+s17+$0x0], $0xffff  }
0x193: {  	[tilespmem:s6+$0x30] =	vst v12;
	v12 =	vor.u32 $0x100, v4;
	v11 =	vld.idx.msk [tilespmem:v18+s17+$0x0], $0xffff  }
0x194: {  	v17 =	vld.idx.msk [tilespmem:v19+s17+$0x0], $0xffff;
	v18 =	vor.u32 $0x100, v6  }
0x195: {  	v19 =	vor.u32 $0x100, v5  }
0x196: {  	[tilespmem:s6+$0x80] =	vst v15  }
0x197: {  	v15 =	vld.idx.msk [tilespmem:v16+s17+$0x0], $0xffff;
	[tilespmem:s6+$0x90] =	vst v7  }
0x198: {  	v7 =	vor.u32 $0x180, v3;
	v12 =	vld.idx.msk [tilespmem:v12+s17+$0x0], $0xffff;
	[tilespmem:s6+$0xA0] =	vst v11  }
0x199: {  	v16 =	vor.u32 $0x180, v4;
	[tilespmem:s6+$0xB0] =	vst v17;
	v11 =	vld.idx.msk [tilespmem:v18+s17+$0x0], $0xffff  }
0x19a: {  	s8 =	sor.u32 $0x300, s20;
	v17 =	vor.u32 $0x180, v6;
	v18 =	vld.idx.msk [tilespmem:v19+s17+$0x0], $0xffff  }
0x19b: {  	[tilespmem:s8+$0x15000] =	vst v13;
	v13 =	vor.u32 $0x180, v5  }
0x19c: {  	[tilespmem:s6+$0x100] =	vst v15  }
0x19d: {  	v7 =	vld.idx.msk [tilespmem:v7+s17+$0x0], $0xffff;
	[tilespmem:s6+$0x110] =	vst v12  }
0x19e: {  	v12 =	vor.u32 $0x200, v3;
	v15 =	vld.idx.msk [tilespmem:v16+s17+$0x0], $0xffff;
	[tilespmem:s6+$0x120] =	vst v11  }
0x19f: {  	v16 =	vor.u32 $0x200, v4;
	[tilespmem:s6+$0x130] =	vst v18;
	v11 =	vld.idx.msk [tilespmem:v17+s17+$0x0], $0xffff  }
0x1a0: {  	[tilespmem:s22+$0x15000] =	vst v10;
	v10 =	vld.idx.msk [tilespmem:v13+s17+$0x0], $0xffff;
	v13 =	vor.u32 $0x200, v6  }
0x1a1: {  	v14 =	vld.idx.msk [tilespmem:v14+s17+$0x0], $0xffff;
	[tilespmem:s21+$0x15000] =	vst v9;
	v9 =	vor.u32 $0x200, v5  }
0x1a2: {  	v17 =	vor.u32 $0x300, v2;
	[tilespmem:s6+$0x180] =	vst v7  }
0x1a3: {  	p1 =	por !p1, !p1;
	s8 =	simm.s32 $0x1;
	v7 =	vor.u32 $0x300, v1;
	v12 =	vld.idx.msk [tilespmem:v12+s17+$0x0], $0xffff;
	[tilespmem:s6+$0x190] =	vst v15  }
0x1a4: {  	s4 =	sor.u32 s4, s13;
	s8 =	simm.s32 @!p1 $0x0;
	v15 =	vor.u32 $0x280, v3;
	[tilespmem:s6+$0x1A0] =	vst v11;
	v11 =	vld.idx.msk [tilespmem:v16+s17+$0x0], $0xffff  }
0x1a5: {  	s4 =	sor.u32 $0x380, s4;
	s8 =	sshll.u32 s8, $0x6;
	[tilespmem:s6+$0x1B0] =	vst v10;
	v10 =	vor.u32 $0x280, v4;
	v13 =	vld.idx.msk [tilespmem:v13+s17+$0x0], $0xffff  }
0x1a6: {  	s29 =	sadd.s32 s8, s14;
	[tilespmem:s4+$0x15000] =	vst v14;
	v14 =	vor.u32 $0x280, v6;
	v9 =	vld.idx.msk [tilespmem:v9+s17+$0x0], $0xffff  }
0x1a7: {  	[tilespmem:s15+$0x15000] =	vst v8;
	v8 =	vor.u32 $0x280, v5;
	s8 =	sor.u32 $0x200, s29;
	s4 =	sadd.s32 $0x10, s29;
	v16 =	vld.idx.msk [tilespmem:v17+s17+$0x0], $0xffff  }
0x1a8: {  	s10 =	sadd.s32 $0x20, s29;
	s13 =	sor.u32 $0x200, s4;
	v7 =	vld.idx.msk [tilespmem:v7+s17+$0x0], $0xffff;
	v17 =	vor.u32 $0x300, v0;
	[tilespmem:s8+$0x15000] =	vst v12  }
0x1a9: {  	s18 =	sadd.s32 $0x30, s29;
	s15 =	sor.u32 $0x200, s10;
	v2 =	vor.u32 $0x380, v2;
	v12 =	vld.idx.msk [tilespmem:v15+s17+$0x0], $0xffff;
	[tilespmem:s13+$0x15000] =	vst v11  }
0x1aa: {  	s20 =	sor.u32 $0x200, s18;
	v11 =	vor.u32 $0x300, v3;
	v10 =	vld.idx.msk [tilespmem:v10+s17+$0x0], $0xffff;
	[tilespmem:s15+$0x15000] =	vst v13  }
0x1ab: {  	[tilespmem:s20+$0x15000] =	vst v9;
	v9 =	vor.u32 $0x300, v4;
	v13 =	vld.idx.msk [tilespmem:v14+s17+$0x0], $0xffff  }
0x1ac: {  	[tilespmem:s9+$0x15000] =	vst v16;
	v8 =	vld.idx.msk [tilespmem:v8+s17+$0x0], $0xffff;
	v14 =	vor.u32 $0x300, v6  }
0x1ad: {  	s21 =	sor.u32 $0x280, s29;
	v15 =	vor.u32 $0x300, v5;
	[tilespmem:s12+$0x15000] =	vst v7;
	v7 =	vld.idx.msk [tilespmem:v17+s17+$0x0], $0xffff  }
0x1ae: {  	s22 =	sor.u32 $0x280, s4;
	v1 =	vor.u32 $0x380, v1;
	v2 =	vld.idx.msk [tilespmem:v2+s17+$0x0], $0xffff;
	[tilespmem:s21+$0x15000] =	vst v12  }
0x1af: {  	s23 =	sor.u32 $0x280, s10;
	v0 =	vor.u32 $0x380, v0;
	v11 =	vld.idx.msk [tilespmem:v11+s17+$0x0], $0xffff;
	[tilespmem:s22+$0x15000] =	vst v10  }
0x1b0: {  	s24 =	sor.u32 $0x280, s18;
	v3 =	vor.u32 $0x380, v3;
	v9 =	vld.idx.msk [tilespmem:v9+s17+$0x0], $0xffff;
	[tilespmem:s23+$0x15000] =	vst v13  }
0x1b1: {  	v4 =	vor.u32 $0x380, v4;
	[tilespmem:s24+$0x15000] =	vst v8;
	v10 =	vld.idx.msk [tilespmem:v14+s17+$0x0], $0xffff  }
0x1b2: {  	v6 =	vor.u32 $0x380, v6;
	[tilespmem:s2+$0x15000] =	vst v7;
	v7 =	vld.idx.msk [tilespmem:v15+s17+$0x0], $0xffff  }
0x1b3: {  	s26 =	sor.u32 $0x300, s29;
	v1 =	vld.idx.msk [tilespmem:v1+s17+$0x0], $0xffff;
	[tilespmem:s25+$0x15000] =	vst v2;
	v2 =	vor.u32 $0x380, v5  }
0x1b4: {  	s28 =	sor.u32 $0x300, s4;
	v0 =	vld.idx.msk [tilespmem:v0+s17+$0x0], $0xffff;
	[tilespmem:s26+$0x15000] =	vst v11  }
0x1b5: {  	s29 =	sor.u32 $0x300, s10;
	v3 =	vld.idx.msk [tilespmem:v3+s17+$0x0], $0xffff;
	[tilespmem:s28+$0x15000] =	vst v9  }
0x1b6: {  	s8 =	sor.u32 $0x300, s18;
	[tilespmem:s29+$0x15000] =	vst v10;
	v4 =	vld.idx.msk [tilespmem:v4+s17+$0x0], $0xffff  }
0x1b7: {  	[tilespmem:s8+$0x15000] =	vst v7;
	v5 =	vld.idx.msk [tilespmem:v6+s17+$0x0], $0xffff  }
0x1b8: {  	s9 =	sor.u32 s14, s7;
	[tilespmem:s16+$0x15000] =	vst v1;
	v1 =	vld.idx.msk [tilespmem:v2+s17+$0x0], $0xffff  }
0x1b9: {  	s2 =	sor.u32 $0x380, s9;
	[tilespmem:s30+$0x15000] =	vst v0  }
0x1ba: {  	s4 =	sor.u32 $0x380, s4;
	[tilespmem:s2+$0x15000] =	vst v3  }
0x1bb: {  	s10 =	sor.u32 $0x380, s10;
	[tilespmem:s4+$0x15000] =	vst v4  }
0x1bc: {  	s12 =	sor.u32 $0x380, s18;
	[tilespmem:s10+$0x15000] =	vst v5  }
0x1bd: {  	[tilespmem:s12+$0x15000] =	vst v1  }
0x1be: {  	s2 =	rddreg [dreg:$0x8]  }
0x1bf: {  	s13 =	simm.s32 $0x13000;
	s2 =	sadd.s32 s3, s2  }
0x1c0: {  	[hbm4b:s2+s5] =	stream.linear.scatter [tilespmem:s13], [sflag:$0x4], $0x2000, $0x38;
	[tilespmem:$0x19000] =	vst v63  }
0x1c1: {  	s2 =	simm.s32 @!p0 $0x6  }
0x1c2: {  	_ =	swait.ge @!p0 [sflag:s2], $0x2000  }
0x1c3: {  	s13 =	simm.s32 $0x0;
	[sflag:s2] =	ssyncset.done @!p0 $0x0  }
0x1c4: {  	s14 =	sand.u32 $0x3C0, s13;
	[sflag:s2] =	ssyncadd.s32 @!p0 $0xFFFFE000  }
0x1c5: {  	v0 =	vld [tilespmem:s14+$0xC00];
	_ =	sdelay $0x4  }
0x1c6: {  	s15 =	simm.s32 $0xC30;
	v1 =	vshll.u32 v0, $0x3  }
0x1c7: {  	v2 =	vld [tilespmem:s15+$0xFFFFFFE0];
	v0 =	vand.u32 $0x7F, v0;
	v1 =	vand.u32 $0xFFFFFC00, v1  }
0x1c8: {  	v8 =	vor.u32 v0, v1  }
0x1c9: {  	v0 =	vld [tilespmem:s15+$0xFFFFFFF0]  }
0x1ca: {  	v3 =	vld [tilespmem:s15+$0x0];
	_ =	sdelay $0x1  }
0x1cb: {  	v1 =	vshll.u32 v2, $0x3  }
0x1cc: {  	v2 =	vand.u32 $0x7F, v2;
	v1 =	vand.u32 $0xFFFFFC00, v1;
	v4 =	vld.idx.msk [tilespmem:v8+s17+$0x0], $0xffff  }
0x1cd: {  	v5 =	vor.u32 $0x80, v8;
	v2 =	vor.u32 v2, v1;
	v1 =	vshll.u32 v0, $0x3  }
0x1ce: {  	v6 =	vshll.u32 v3, $0x3;
	v0 =	vand.u32 $0x7F, v0;
	v1 =	vand.u32 $0xFFFFFC00, v1  }
0x1cf: {  	s16 =	sand.u32 $0x40, s13;
	s18 =	sand.u32 $0x1C00, s13;
	v1 =	vor.u32 v0, v1;
	v0 =	vand.u32 $0x7F, v3;
	v3 =	vand.u32 $0xFFFFFC00, v6  }
0x1d0: {  	s2 =	sor.u32 s16, s18;
	v0 =	vor.u32 v0, v3  }
0x1d1: {  	[tilespmem:s2+$0x17000] =	vst v4  }
0x1d2: {  	v3 =	vld.idx.msk [tilespmem:v5+s17+$0x0], $0xffff  }
0x1d3: {  	v4 =	vor.u32 $0x100, v8;
	v5 =	vld.idx.msk [tilespmem:v2+s17+$0x0], $0xffff  }
0x1d4: {  	v7 =	vor.u32 $0x80, v2;
	v6 =	vld.idx.msk [tilespmem:v1+s17+$0x0], $0xffff  }
0x1d5: {  	v10 =	vor.u32 $0x80, v1;
	v9 =	vld.idx.msk [tilespmem:v0+s17+$0x0], $0xffff  }
0x1d6: {  	v11 =	vor.u32 $0x80, v0;
	s2 =	sadd.s32 $0x17000, s2  }
0x1d7: {  	[tilespmem:s2+$0x80] =	vst v3  }
0x1d8: {  	[tilespmem:s2+$0x10] =	vst v5;
	v3 =	vld.idx.msk [tilespmem:v4+s17+$0x0], $0xffff  }
0x1d9: {  	v5 =	vor.u32 $0x180, v8;
	v7 =	vld.idx.msk [tilespmem:v7+s17+$0x0], $0xffff;
	[tilespmem:s2+$0x20] =	vst v6  }
0x1da: {  	v6 =	vld.idx.msk [tilespmem:v10+s17+$0x0], $0xffff;
	[tilespmem:s2+$0x30] =	vst v9;
	v9 =	vor.u32 $0x100, v2  }
0x1db: {  	s20 =	simm.s32 $0xC70;
	v10 =	vld.idx.msk [tilespmem:v11+s17+$0x0], $0xffff  }
0x1dc: {  	v12 =	vld [tilespmem:s20+$0xFFFFFFF0];
	v11 =	vor.u32 $0x100, v1  }
0x1dd: {  	v4 =	vld [tilespmem:s20+$0xFFFFFFE0];
	[tilespmem:s2+$0x100] =	vst v3;
	v3 =	vor.u32 $0x100, v0  }
0x1de: {  	s7 =	simm.s32 $0x40;
	[tilespmem:s2+$0x90] =	vst v7;
	v5 =	vld.idx.msk [tilespmem:v5+s17+$0x0], $0xffff  }
0x1df: {  	s21 =	sand.u32 $0x3C0, s7;
	v7 =	vor.u32 $0x200, v8;
	v9 =	vld.idx.msk [tilespmem:v9+s17+$0x0], $0xffff;
	[tilespmem:s2+$0xA0] =	vst v6  }
0x1e0: {  	v13 =	vld [tilespmem:s21+$0xC00];
	[tilespmem:s2+$0xB0] =	vst v10;
	v10 =	vor.u32 $0x180, v2  }
0x1e1: {  	v6 =	vld.idx.msk [tilespmem:v11+s17+$0x0], $0xffff  }
0x1e2: {  	v11 =	vor.u32 $0x180, v1;
	v14 =	vld.idx.msk [tilespmem:v3+s17+$0x0], $0xffff;
	v3 =	vshll.u32 v4, $0x3  }
0x1e3: {  	v15 =	vld [tilespmem:s20+$0x0];
	v4 =	vand.u32 $0x7F, v4;
	[tilespmem:s2+$0x180] =	vst v5;
	v5 =	vor.u32 $0x180, v0;
	v3 =	vand.u32 $0xFFFFFC00, v3  }
0x1e4: {  	s4 =	simm.s32 $0x1;
	p0 =	por $0x0, $0x0;
	[tilespmem:s2+$0x110] =	vst v9;
	v16 =	vld.idx.msk [tilespmem:v7+s17+$0x0], $0xffff;
	v4 =	vor.u32 v4, v3  }
0x1e5: {  	s4 =	simm.s32 @!p0 $0x0;
	v9 =	vor.u32 $0x280, v8;
	v7 =	vshll.u32 v13, $0x3;
	v10 =	vld.idx.msk [tilespmem:v10+s17+$0x0], $0xffff  }
0x1e6: {  	s4 =	sshll.u32 s4, $0x6;
	v3 =	vand.u32 $0x7F, v13;
	[tilespmem:s2+$0x120] =	vst v6;
	v13 =	vor.u32 $0x200, v2;
	v7 =	vand.u32 $0xFFFFFC00, v7  }
0x1e7: {  	s20 =	sadd.s32 $0x0, s4;
	v11 =	vld.idx.msk [tilespmem:v11+s17+$0x0], $0xffff;
	v3 =	vor.u32 v3, v7;
	[tilespmem:s2+$0x130] =	vst v14  }
0x1e8: {  	s4 =	sor.u32 $0x200, s20;
	v6 =	vshll.u32 v12, $0x3;
	v14 =	vld.idx.msk [tilespmem:v5+s17+$0x0], $0xffff;
	v5 =	vand.u32 $0x7F, v12;
	v12 =	vor.u32 $0x200, v1  }
0x1e9: {  	v17 =	vshll.u32 v15, $0x3;
	v6 =	vand.u32 $0xFFFFFC00, v6;
	v7 =	vld.idx.msk [tilespmem:v4+s17+$0x0], $0xffff;
	[tilespmem:s4+$0x17000] =	vst v16;
	v16 =	vor.u32 $0x200, v0  }
0x1ea: {  	v6 =	vor.u32 v5, v6;
	v5 =	vand.u32 $0x7F, v15;
	v15 =	vand.u32 $0xFFFFFC00, v17;
	[tilespmem:s2+$0x190] =	vst v10;
	v9 =	vld.idx.msk [tilespmem:v9+s17+$0x0], $0xffff  }
0x1eb: {  	v5 =	vor.u32 v5, v15;
	v17 =	vld.idx.msk [tilespmem:v13+s17+$0x0], $0xffff  }
0x1ec: {  	[tilespmem:s2+$0x1A0] =	vst v11;
	v15 =	vor.u32 $0x300, v8;
	v10 =	vld.idx.msk [tilespmem:v3+s17+$0x0], $0xffff  }
0x1ed: {  	v18 =	vor.u32 $0x80, v3;
	v19 =	vld.idx.msk [tilespmem:v12+s17+$0x0], $0xffff;
	[tilespmem:s2+$0x1B0] =	vst v14  }
0x1ee: {  	s6 =	simm.s32 $0xCB0;
	s14 =	simm.s32 $0x200;
	v14 =	vor.u32 $0x280, v2;
	v16 =	vld.idx.msk [tilespmem:v16+s17+$0x0], $0xffff  }
0x1ef: {  	s22 =	sand.u32 $0x40, s7;
	s23 =	sand.u32 $0x1C00, s14;
	v20 =	vor.u32 $0x280, v1;
	s24 =	sor.u32 $0x280, s20;
	v11 =	vld.idx.msk [tilespmem:v6+s17+$0x0], $0xffff  }
0x1f0: {  	s8 =	simm.s32 $0x4;
	s10 =	sor.u32 s22, s23;
	v21 =	vor.u32 $0x280, v0;
	s25 =	sadd.s32 $0x10, s20;
	v12 =	vld.idx.msk [tilespmem:v5+s17+$0x0], $0xffff;
	[tilespmem:s24+$0x17000] =	vst v9  }
0x1f1: {  	s18 =	sadd.s32 $0x20, s20;
	s29 =	sadd.s32 $0x30, s20;
	s26 =	sor.u32 $0x200, s25;
	[tilespmem:s10+$0x17000] =	vst v10;
	v13 =	vld.idx.msk [tilespmem:v15+s17+$0x0], $0xffff  }
0x1f2: {  	s28 =	sor.u32 $0x200, s18;
	s22 =	sor.u32 $0x280, s25;
	s21 =	sor.u32 $0x280, s18;
	[tilespmem:s26+$0x17000] =	vst v17;
	v15 =	vld.idx.msk [tilespmem:v18+s17+$0x0], $0xffff  }
0x1f3: {  	s23 =	sor.u32 $0x200, s29;
	s9 =	sor.u32 $0x300, s25;
	s12 =	sor.u32 $0x300, s18;
	v10 =	vld.idx.msk [tilespmem:v14+s17+$0x0], $0xffff;
	[tilespmem:s28+$0x17000] =	vst v19;
	v14 =	vor.u32 $0x380, v8  }
0x1f4: {  	s15 =	sor.u32 $0x280, s29;
	s25 =	sor.u32 $0x380, s25;
	s16 =	sor.u32 $0x380, s18;
	v9 =	vld.idx.msk [tilespmem:v20+s17+$0x0], $0xffff;
	[tilespmem:s23+$0x17000] =	vst v16;
	v16 =	vor.u32 $0x100, v3  }
0x1f5: {  	s30 =	sor.u32 $0x380, s29;
	s4 =	simm.s32 $0x0;
	s2 =	sor.u32 $0x300, s29;
	v17 =	vor.u32 $0x80, v4;
	v8 =	vld.idx.msk [tilespmem:v21+s17+$0x0], $0xffff  }
.LBB2_9:
0x1f6: {  	v18 =	vld [tilespmem:s6+$0xFFFFFFE0];
	v19 =	vor.u32 $0x80, v6;
	s20 =	sor.u32 $0x300, s20  }
0x1f7: {  	s18 =	sadd.s32 $0x17000, s10;
	v21 =	vor.u32 $0x80, v5;
	v20 =	vld [tilespmem:s6+$0xFFFFFFF0];
	[tilespmem:s20+$0x17000] =	vst v13  }
0x1f8: {  	[tilespmem:s18+$0x80] =	vst v15;
	v13 =	vld.idx.msk [tilespmem:v14+s17+$0x0], $0xffff;
	v14 =	vor.u32 $0x300, v2  }
0x1f9: {  	v15 =	vld.idx.msk [tilespmem:v16+s17+$0x0], $0xffff;
	[tilespmem:s18+$0x10] =	vst v7;
	v7 =	vor.u32 $0x300, v1  }
0x1fa: {  	v16 =	vld.idx.msk [tilespmem:v17+s17+$0x0], $0xffff;
	[tilespmem:s18+$0x20] =	vst v11  }
0x1fb: {  	v11 =	vor.u32 $0x180, v3;
	v17 =	vld.idx.msk [tilespmem:v19+s17+$0x0], $0xffff;
	[tilespmem:s18+$0x30] =	vst v12  }
0x1fc: {  	s10 =	sor.u32 s4, s13;
	s13 =	smov.u32 s7;
	s4 =	smov.u32 s14;
	v12 =	vor.u32 $0x100, v4;
	v19 =	vld.idx.msk [tilespmem:v21+s17+$0x0], $0xffff;
	[tilespmem:s22+$0x17000] =	vst v10  }
0x1fd: {  	s10 =	sor.u32 $0x380, s10;
	v10 =	vor.u32 $0x100, v6;
	v14 =	vld.idx.msk [tilespmem:v14+s17+$0x0], $0xffff;
	[tilespmem:s21+$0x17000] =	vst v9  }
0x1fe: {  	[tilespmem:s10+$0x17000] =	vst v13;
	v7 =	vld.idx.msk [tilespmem:v7+s17+$0x0], $0xffff  }
0x1ff: {  	v13 =	vor.u32 $0x100, v5;
	v9 =	vld [tilespmem:s6+$0x0];
	[tilespmem:s18+$0x100] =	vst v15  }
0x200: {  	v15 =	vor.u32 $0x300, v0;
	v11 =	vld.idx.msk [tilespmem:v11+s17+$0x0], $0xffff;
	[tilespmem:s18+$0x90] =	vst v16  }
0x201: {  	s7 =	sadd.s32 $0x40, s7;
	v16 =	vor.u32 $0x380, v2;
	v2 =	vmov v4;
	v12 =	vld.idx.msk [tilespmem:v12+s17+$0x0], $0xffff;
	[tilespmem:s18+$0xA0] =	vst v17  }
0x202: {  	s8 =	sadd.s32 $0x4, s8;
	s10 =	sand.u32 $0x3C0, s7;
	v4 =	vor.u32 $0x200, v3;
	v10 =	vld.idx.msk [tilespmem:v10+s17+$0x0], $0xffff;
	[tilespmem:s18+$0xB0] =	vst v19  }
0x203: {  	p1 =	slt.u32 s8, $0x3C;
	v19 =	vor.u32 $0x180, v2;
	v17 =	vld [tilespmem:s10+$0xC00];
	[tilespmem:s15+$0x17000] =	vst v8  }
0x204: {  	v8 =	vor.u32 $0x180, v6;
	v13 =	vld.idx.msk [tilespmem:v13+s17+$0x0], $0xffff;
	[tilespmem:s9+$0x17000] =	vst v14  }
0x205: {  	[tilespmem:s12+$0x17000] =	vst v7;
	v7 =	vor.u32 $0x380, v1;
	v14 =	vld.idx.msk [tilespmem:v15+s17+$0x0], $0xffff;
	v1 =	vmov v6  }
0x206: {  	v6 =	vshll.u32 v18, $0x3;
	[tilespmem:s18+$0x180] =	vst v11;
	v11 =	vor.u32 $0x180, v5;
	v15 =	vld.idx.msk [tilespmem:v16+s17+$0x0], $0xffff  }
0x207: {  	v16 =	vand.u32 $0x7F, v18;
	v6 =	vand.u32 $0xFFFFFC00, v6;
	v18 =	vld.idx.msk [tilespmem:v4+s17+$0x0], $0xffff;
	[tilespmem:s18+$0x110] =	vst v12;
	v12 =	vor.u32 $0x380, v0;
	v0 =	vmovc v5  }
0x208: {  	p0 =	por !p0, !p0;
	s9 =	simm.s32 $0x1;
	v4 =	vor.u32 v16, v6;
	v5 =	vshll.u32 v17, $0x3;
	v16 =	vld.idx.msk [tilespmem:v19+s17+$0x0], $0xffff;
	[tilespmem:s18+$0x120] =	vst v10  }
0x209: {  	s9 =	simm.s32 @!p0 $0x0;
	v6 =	vand.u32 $0x7F, v17;
	v10 =	vor.u32 $0x280, v3;
	v5 =	vand.u32 $0xFFFFFC00, v5;
	v8 =	vld.idx.msk [tilespmem:v8+s17+$0x0], $0xffff  }
0x20a: {  	s9 =	sshll.u32 s9, $0x6;
	v17 =	vor.u32 v6, v5;
	[tilespmem:s18+$0x130] =	vst v13;
	v13 =	vld.idx.msk [tilespmem:v7+s17+$0x0], $0xffff  }
0x20b: {  	s20 =	sadd.s32 s9, s14;
	v19 =	vor.u32 $0x200, v2;
	v11 =	vld.idx.msk [tilespmem:v11+s17+$0x0], $0xffff;
	[tilespmem:s2+$0x17000] =	vst v14  }
0x20c: {  	s10 =	sadd.s32 $0x10, s20;
	s23 =	sadd.s32 $0x20, s20;
	v5 =	vand.u32 $0x7F, v20;
	v6 =	vshll.u32 v20, $0x3;
	s2 =	sor.u32 $0x200, s20;
	v14 =	vor.u32 $0x200, v1;
	[tilespmem:s25+$0x17000] =	vst v15;
	v12 =	vld.idx.msk [tilespmem:v12+s17+$0x0], $0xffff  }
0x20d: {  	s28 =	sadd.s32 $0x30, s20;
	s24 =	sor.u32 $0x200, s10;
	s26 =	sor.u32 $0x200, s23;
	v6 =	vand.u32 $0xFFFFFC00, v6;
	v15 =	vshll.u32 v9, $0x3;
	v7 =	vld.idx.msk [tilespmem:v4+s17+$0x0], $0xffff;
	[tilespmem:s2+$0x17000] =	vst v18;
	v18 =	vor.u32 $0x200, v0  }
0x20e: {  	s22 =	sor.u32 $0x280, s10;
	s21 =	sor.u32 $0x280, s23;
	s29 =	sor.u32 $0x200, s28;
	v6 =	vor.u32 v5, v6;
	v5 =	vand.u32 $0x7F, v9;
	v9 =	vand.u32 $0xFFFFFC00, v15;
	v10 =	vld.idx.msk [tilespmem:v10+s17+$0x0], $0xffff;
	[tilespmem:s18+$0x190] =	vst v16  }
0x20f: {  	s9 =	sor.u32 $0x300, s10;
	s12 =	sor.u32 $0x300, s23;
	s15 =	sor.u32 $0x280, s28;
	v5 =	vor.u32 v5, v9;
	v15 =	vld.idx.msk [tilespmem:v17+s17+$0x0], $0xffff;
	[tilespmem:s18+$0x1A0] =	vst v8  }
0x210: {  	s25 =	sor.u32 $0x380, s10;
	s2 =	sor.u32 $0x300, s28;
	v8 =	vor.u32 $0x300, v3;
	v9 =	vld.idx.msk [tilespmem:v19+s17+$0x0], $0xffff;
	[tilespmem:s16+$0x17000] =	vst v13;
	s16 =	sor.u32 $0x380, s23  }
0x211: {  	s10 =	sor.u32 $0x380, s28;
	v16 =	vor.u32 $0x80, v17;
	v19 =	vld.idx.msk [tilespmem:v14+s17+$0x0], $0xffff;
	[tilespmem:s18+$0x1B0] =	vst v11  }
0x212: {  	s14 =	sadd.s32 $0x200, s14;
	v20 =	vor.u32 $0x280, v2;
	v18 =	vld.idx.msk [tilespmem:v18+s17+$0x0], $0xffff;
	[tilespmem:s30+$0x17000] =	vst v12;
	s30 =	smov.u32 s10  }
0x213: {  	v21 =	vor.u32 $0x280, v1;
	s23 =	sor.u32 $0x280, s20;
	s18 =	sand.u32 $0x1C00, s14;
	s10 =	sand.u32 $0x40, s7;
	v11 =	vld.idx.msk [tilespmem:v6+s17+$0x0], $0xffff  }
0x214: {  	v22 =	vor.u32 $0x280, v0;
	s10 =	sor.u32 s10, s18;
	v12 =	vld.idx.msk [tilespmem:v5+s17+$0x0], $0xffff;
	[tilespmem:s23+$0x17000] =	vst v10  }
.Ltmp3:
0x215: {  	[tilespmem:s10+$0x17000] =	vst v15;
	v13 =	vld.idx.msk [tilespmem:v8+s17+$0x0], $0xffff;
	(pc) =	sbr.rel @p1 .LBB2_9-.Ltmp3, $4  }
0x216: {  	v15 =	vld.idx.msk [tilespmem:v16+s17+$0x0], $0xffff;
	[tilespmem:s24+$0x17000] =	vst v9  }
0x217: {  	v14 =	vor.u32 $0x380, v3;
	v3 =	vmov v17;
	v10 =	vld.idx.msk [tilespmem:v20+s17+$0x0], $0xffff;
	[tilespmem:s26+$0x17000] =	vst v19  }
0x218: {  	v16 =	vor.u32 $0x100, v3;
	v9 =	vld.idx.msk [tilespmem:v21+s17+$0x0], $0xffff;
	[tilespmem:s29+$0x17000] =	vst v18  }
0x219: {  	s6 =	sadd.s32 $0x40, s6;
	v17 =	vor.u32 $0x80, v4;
	v8 =	vld.idx.msk [tilespmem:v22+s17+$0x0], $0xffff  }
0x21a: {  	v18 =	vor.u32 $0x80, v6  }
0x21b: {  	v19 =	vor.u32 $0x80, v5  }
0x21c: {  	s6 =	sadd.s32 $0x17000, s10  }
0x21d: {  	[tilespmem:s6+$0x10] =	vst v7  }
0x21e: {  	[tilespmem:s6+$0x20] =	vst v11;
	v7 =	vld.idx.msk [tilespmem:v17+s17+$0x0], $0xffff  }
0x21f: {  	[tilespmem:s6+$0x30] =	vst v12;
	v12 =	vor.u32 $0x100, v4;
	v11 =	vld.idx.msk [tilespmem:v18+s17+$0x0], $0xffff  }
0x220: {  	v17 =	vld.idx.msk [tilespmem:v19+s17+$0x0], $0xffff;
	v18 =	vor.u32 $0x100, v6  }
0x221: {  	v19 =	vor.u32 $0x100, v5  }
0x222: {  	[tilespmem:s6+$0x80] =	vst v15  }
0x223: {  	v15 =	vld.idx.msk [tilespmem:v16+s17+$0x0], $0xffff;
	[tilespmem:s6+$0x90] =	vst v7  }
0x224: {  	v7 =	vor.u32 $0x180, v3;
	v12 =	vld.idx.msk [tilespmem:v12+s17+$0x0], $0xffff;
	[tilespmem:s6+$0xA0] =	vst v11  }
0x225: {  	v16 =	vor.u32 $0x180, v4;
	[tilespmem:s6+$0xB0] =	vst v17;
	v11 =	vld.idx.msk [tilespmem:v18+s17+$0x0], $0xffff  }
0x226: {  	s8 =	sor.u32 $0x300, s20;
	v17 =	vor.u32 $0x180, v6;
	v18 =	vld.idx.msk [tilespmem:v19+s17+$0x0], $0xffff  }
0x227: {  	[tilespmem:s8+$0x17000] =	vst v13;
	v13 =	vor.u32 $0x180, v5  }
0x228: {  	[tilespmem:s6+$0x100] =	vst v15  }
0x229: {  	v7 =	vld.idx.msk [tilespmem:v7+s17+$0x0], $0xffff;
	[tilespmem:s6+$0x110] =	vst v12  }
0x22a: {  	v12 =	vor.u32 $0x200, v3;
	v15 =	vld.idx.msk [tilespmem:v16+s17+$0x0], $0xffff;
	[tilespmem:s6+$0x120] =	vst v11  }
0x22b: {  	v16 =	vor.u32 $0x200, v4;
	[tilespmem:s6+$0x130] =	vst v18;
	v11 =	vld.idx.msk [tilespmem:v17+s17+$0x0], $0xffff  }
0x22c: {  	[tilespmem:s22+$0x17000] =	vst v10;
	v10 =	vld.idx.msk [tilespmem:v13+s17+$0x0], $0xffff;
	v13 =	vor.u32 $0x200, v6  }
0x22d: {  	v14 =	vld.idx.msk [tilespmem:v14+s17+$0x0], $0xffff;
	[tilespmem:s21+$0x17000] =	vst v9;
	v9 =	vor.u32 $0x200, v5  }
0x22e: {  	v17 =	vor.u32 $0x300, v2;
	[tilespmem:s6+$0x180] =	vst v7  }
0x22f: {  	p0 =	por !p0, !p0;
	s8 =	simm.s32 $0x1;
	v7 =	vor.u32 $0x300, v1;
	v12 =	vld.idx.msk [tilespmem:v12+s17+$0x0], $0xffff;
	[tilespmem:s6+$0x190] =	vst v15  }
0x230: {  	s4 =	sor.u32 s4, s13;
	s8 =	simm.s32 @!p0 $0x0;
	v15 =	vor.u32 $0x280, v3;
	[tilespmem:s6+$0x1A0] =	vst v11;
	v11 =	vld.idx.msk [tilespmem:v16+s17+$0x0], $0xffff  }
0x231: {  	s4 =	sor.u32 $0x380, s4;
	s8 =	sshll.u32 s8, $0x6;
	[tilespmem:s6+$0x1B0] =	vst v10;
	v10 =	vor.u32 $0x280, v4;
	v13 =	vld.idx.msk [tilespmem:v13+s17+$0x0], $0xffff  }
0x232: {  	s5 =	sadd.s32 s8, s14;
	[tilespmem:s4+$0x17000] =	vst v14;
	v14 =	vor.u32 $0x280, v6;
	v9 =	vld.idx.msk [tilespmem:v9+s17+$0x0], $0xffff  }
0x233: {  	[tilespmem:s15+$0x17000] =	vst v8;
	v8 =	vor.u32 $0x280, v5;
	s8 =	sor.u32 $0x200, s5;
	s4 =	sadd.s32 $0x10, s5;
	v16 =	vld.idx.msk [tilespmem:v17+s17+$0x0], $0xffff  }
0x234: {  	s10 =	sadd.s32 $0x20, s5;
	s15 =	sor.u32 $0x200, s4;
	v7 =	vld.idx.msk [tilespmem:v7+s17+$0x0], $0xffff;
	v17 =	vor.u32 $0x300, v0;
	[tilespmem:s8+$0x17000] =	vst v12  }
0x235: {  	s20 =	sadd.s32 $0x30, s5;
	s18 =	sor.u32 $0x200, s10;
	v2 =	vor.u32 $0x380, v2;
	v12 =	vld.idx.msk [tilespmem:v15+s17+$0x0], $0xffff;
	[tilespmem:s15+$0x17000] =	vst v11  }
0x236: {  	s21 =	sor.u32 $0x200, s20;
	v11 =	vor.u32 $0x300, v3;
	v10 =	vld.idx.msk [tilespmem:v10+s17+$0x0], $0xffff;
	[tilespmem:s18+$0x17000] =	vst v13  }
0x237: {  	[tilespmem:s21+$0x17000] =	vst v9;
	v9 =	vor.u32 $0x300, v4;
	v13 =	vld.idx.msk [tilespmem:v14+s17+$0x0], $0xffff  }
0x238: {  	[tilespmem:s9+$0x17000] =	vst v16;
	v8 =	vld.idx.msk [tilespmem:v8+s17+$0x0], $0xffff;
	v14 =	vor.u32 $0x300, v6  }
0x239: {  	s22 =	sor.u32 $0x280, s5;
	v15 =	vor.u32 $0x300, v5;
	[tilespmem:s12+$0x17000] =	vst v7;
	v7 =	vld.idx.msk [tilespmem:v17+s17+$0x0], $0xffff  }
0x23a: {  	s23 =	sor.u32 $0x280, s4;
	v1 =	vor.u32 $0x380, v1;
	v2 =	vld.idx.msk [tilespmem:v2+s17+$0x0], $0xffff;
	[tilespmem:s22+$0x17000] =	vst v12  }
0x23b: {  	s24 =	sor.u32 $0x280, s10;
	v0 =	vor.u32 $0x380, v0;
	v11 =	vld.idx.msk [tilespmem:v11+s17+$0x0], $0xffff;
	[tilespmem:s23+$0x17000] =	vst v10  }
0x23c: {  	s26 =	sor.u32 $0x280, s20;
	v3 =	vor.u32 $0x380, v3;
	v9 =	vld.idx.msk [tilespmem:v9+s17+$0x0], $0xffff;
	[tilespmem:s24+$0x17000] =	vst v13  }
0x23d: {  	v4 =	vor.u32 $0x380, v4;
	[tilespmem:s26+$0x17000] =	vst v8;
	v10 =	vld.idx.msk [tilespmem:v14+s17+$0x0], $0xffff  }
0x23e: {  	v6 =	vor.u32 $0x380, v6;
	[tilespmem:s2+$0x17000] =	vst v7;
	v7 =	vld.idx.msk [tilespmem:v15+s17+$0x0], $0xffff  }
0x23f: {  	s28 =	sor.u32 $0x300, s5;
	v1 =	vld.idx.msk [tilespmem:v1+s17+$0x0], $0xffff;
	[tilespmem:s25+$0x17000] =	vst v2;
	v2 =	vor.u32 $0x380, v5  }
0x240: {  	s29 =	sor.u32 $0x300, s4;
	v0 =	vld.idx.msk [tilespmem:v0+s17+$0x0], $0xffff;
	[tilespmem:s28+$0x17000] =	vst v11  }
0x241: {  	s5 =	sor.u32 $0x300, s10;
	v3 =	vld.idx.msk [tilespmem:v3+s17+$0x0], $0xffff;
	[tilespmem:s29+$0x17000] =	vst v9  }
0x242: {  	s8 =	sor.u32 $0x300, s20;
	[tilespmem:s5+$0x17000] =	vst v10;
	v4 =	vld.idx.msk [tilespmem:v4+s17+$0x0], $0xffff  }
0x243: {  	[tilespmem:s8+$0x17000] =	vst v7;
	v5 =	vld.idx.msk [tilespmem:v6+s17+$0x0], $0xffff  }
0x244: {  	s9 =	sor.u32 s14, s7;
	[tilespmem:s16+$0x17000] =	vst v1;
	v1 =	vld.idx.msk [tilespmem:v2+s17+$0x0], $0xffff  }
0x245: {  	s2 =	sor.u32 $0x380, s9;
	[tilespmem:s30+$0x17000] =	vst v0  }
0x246: {  	s4 =	sor.u32 $0x380, s4;
	[tilespmem:s2+$0x17000] =	vst v3  }
0x247: {  	s12 =	sor.u32 $0x380, s10;
	[tilespmem:s4+$0x17000] =	vst v4  }
0x248: {  	s13 =	sor.u32 $0x380, s20;
	s14 =	sadd.s32 s3, s11;
	[tilespmem:s12+$0x17000] =	vst v5  }
0x249: {  	s15 =	simm.s32 $0x15000;
	s16 =	simm.s32 $0x2;
	s2 =	simm.s32 $0x0;
	[tilespmem:s13+$0x17000] =	vst v1  }
0x24a: {  	[hbm4b:s14+s2] =	stream.linear.scatter [tilespmem:s15], [sflag:$0x5], $0x2000, $0x38;
	[tilespmem:$0x19000] =	vst v63  }
0x24b: {  	_ =	swait.ge [sflag:s16], $0x8000  }
0x24c: {  	[sflag:s16] =	ssyncset.done $0x0  }
0x24d: {  	s18 =	simm.s32 $0x3;
	[sflag:s16] =	ssyncadd.s32 $0xFFFF8000  }
0x24e: {  	s20 =	sand.u32 $0x40, s2;
	_ =	swait.ge [sflag:s18], $0x2000  }
0x24f: {  	s21 =	sand.u32 $0x380, s2;
	s22 =	sor.u32 $0x30, s20;
	[sflag:s18] =	ssyncset.done $0x0  }
0x250: {  	s23 =	sor.u32 s22, s21;
	[sflag:s18] =	ssyncadd.s32 $0xFFFFE000  }
0x251: {  	v0 =	vld [tilespmem:s23+$0x0]  }
0x252: {  	s24 =	sor.u32 $0x10, s20;
	v1 =	vld [tilespmem:s2+$0x0]  }
0x253: {  	s25 =	sor.u32 $0x20, s20;
	s26 =	sor.u32 s24, s21  }
0x254: {  	s6 =	sor.u32 s25, s21;
	v2 =	vld [tilespmem:s26+$0x0]  }
0x255: {  	v3 =	vld [tilespmem:s6+$0x0]  }
0x256: {  	v4 =	vshll.u32 v0, $0x3  }
0x257: {  	v5 =	vshll.u32 v1, $0x3;
	v0 =	vand.u32 $0x7F, v0;
	v4 =	vand.u32 $0xFFFFFC00, v4  }
0x258: {  	v1 =	vand.u32 $0x7F, v1;
	v6 =	vand.u32 $0xFFFFFC00, v5;
	v5 =	vor.u32 v0, v4  }
0x259: {  	v0 =	vor.u32 v1, v6;
	v1 =	vshll.u32 v2, $0x3  }
0x25a: {  	v4 =	vshll.u32 v3, $0x3;
	v2 =	vand.u32 $0x7F, v2;
	v1 =	vand.u32 $0xFFFFFC00, v1  }
0x25b: {  	v6 =	vand.u32 $0xFFFFFC00, v4;
	v4 =	vor.u32 v2, v1;
	v1 =	vand.u32 $0x7F, v3  }
0x25c: {  	v3 =	vor.u32 v1, v6  }
0x25d: {  	v1 =	vld.idx.msk [tilespmem:v5+s19+$0x0], $0xffff  }
0x25e: {  	v6 =	vor.u32 $0x80, v5;
	v2 =	vld.idx.msk [tilespmem:v0+s19+$0x0], $0xffff  }
0x25f: {  	s28 =	sand.u32 $0x1C00, s2;
	v7 =	vor.u32 $0x80, v0  }
0x260: {  	s6 =	sadd.s32 $0x11000, s28;
	v8 =	vld.idx.msk [tilespmem:v4+s19+$0x0], $0xffff  }
0x261: {  	s29 =	sor.u32 s22, s6;
	v9 =	vor.u32 $0x80, v4;
	v10 =	vld.idx.msk [tilespmem:v3+s19+$0x0], $0xffff  }
0x262: {  	s4 =	sor.u32 s20, s6;
	v11 =	vor.u32 $0x80, v3;
	[tilespmem:s29+$0x0] =	vst v1  }
0x263: {  	[tilespmem:s4+$0x0] =	vst v2;
	v1 =	vld.idx.msk [tilespmem:v6+s19+$0x0], $0xffff  }
0x264: {  	s9 =	sor.u32 s24, s6;
	v2 =	vld.idx.msk [tilespmem:v7+s19+$0x0], $0xffff;
	v6 =	vor.u32 $0x100, v5  }
0x265: {  	s10 =	sor.u32 s25, s6;
	v7 =	vor.u32 $0x100, v0;
	[tilespmem:s9+$0x0] =	vst v8  }
0x266: {  	v8 =	vld.idx.msk [tilespmem:v9+s19+$0x0], $0xffff;
	[tilespmem:s10+$0x0] =	vst v10  }
0x267: {  	v9 =	vor.u32 $0x100, v4;
	v10 =	vld.idx.msk [tilespmem:v11+s19+$0x0], $0xffff  }
0x268: {  	v11 =	vor.u32 $0x100, v3;
	[tilespmem:s29+$0x80] =	vst v1  }
0x269: {  	[tilespmem:s4+$0x80] =	vst v2;
	v1 =	vld.idx.msk [tilespmem:v6+s19+$0x0], $0xffff  }
0x26a: {  	v2 =	vld.idx.msk [tilespmem:v7+s19+$0x0], $0xffff;
	v6 =	vor.u32 $0x180, v5  }
0x26b: {  	v7 =	vor.u32 $0x180, v0;
	[tilespmem:s9+$0x80] =	vst v8  }
0x26c: {  	v8 =	vld.idx.msk [tilespmem:v9+s19+$0x0], $0xffff;
	[tilespmem:s10+$0x80] =	vst v10  }
0x26d: {  	s7 =	simm.s32 $0x40;
	v9 =	vor.u32 $0x180, v4;
	v10 =	vld.idx.msk [tilespmem:v11+s19+$0x0], $0xffff  }
0x26e: {  	s6 =	sand.u32 $0x40, s7;
	v11 =	vld [tilespmem:s7+$0x0];
	[tilespmem:s29+$0x100] =	vst v1  }
0x26f: {  	s23 =	sand.u32 $0x380, s7;
	s24 =	sor.u32 $0x30, s6;
	[tilespmem:s4+$0x100] =	vst v2;
	v1 =	vld.idx.msk [tilespmem:v6+s19+$0x0], $0xffff  }
0x270: {  	s25 =	sor.u32 s24, s23;
	v2 =	vor.u32 $0x180, v3;
	v6 =	vld.idx.msk [tilespmem:v7+s19+$0x0], $0xffff  }
0x271: {  	s26 =	sor.u32 $0x10, s6;
	v7 =	vor.u32 $0x200, v5;
	[tilespmem:s9+$0x100] =	vst v8;
	v8 =	vld [tilespmem:s25+$0x0]  }
0x272: {  	s5 =	smov.u32 s11;
	s28 =	sor.u32 $0x20, s6;
	s11 =	sor.u32 s26, s23;
	v9 =	vld.idx.msk [tilespmem:v9+s19+$0x0], $0xffff  }
0x273: {  	s14 =	sor.u32 s28, s23;
	v13 =	vld [tilespmem:s11+$0x0];
	v12 =	vor.u32 $0x200, v4;
	v14 =	vshll.u32 v11, $0x3  }
0x274: {  	v15 =	vld [tilespmem:s14+$0x0];
	[tilespmem:s10+$0x100] =	vst v10;
	v10 =	vor.u32 $0x200, v0;
	v11 =	vand.u32 $0x7F, v11;
	v14 =	vand.u32 $0xFFFFFC00, v14  }
0x275: {  	p0 =	por $0x0, $0x0;
	s12 =	simm.s32 $0x1;
	v16 =	vld.idx.msk [tilespmem:v2+s19+$0x0], $0xffff;
	[tilespmem:s29+$0x180] =	vst v1;
	v1 =	vor.u32 v11, v14  }
0x276: {  	s12 =	simm.s32 @!p0 $0x0;
	v11 =	vor.u32 $0x200, v3;
	v7 =	vld.idx.msk [tilespmem:v7+s19+$0x0], $0xffff;
	v2 =	vshll.u32 v8, $0x3  }
0x277: {  	s12 =	sshll.u32 s12, $0x6;
	v8 =	vand.u32 $0x7F, v8;
	[tilespmem:s9+$0x180] =	vst v9;
	v2 =	vand.u32 $0xFFFFFC00, v2;
	v9 =	vor.u32 $0x280, v5  }
0x278: {  	v14 =	vor.u32 $0x280, v4;
	[tilespmem:s4+$0x180] =	vst v6;
	s9 =	sadd.s32 $0x0, s12;
	v6 =	vld.idx.msk [tilespmem:v12+s19+$0x0], $0xffff;
	v12 =	vshll.u32 v13, $0x3;
	v2 =	vor.u32 v8, v2  }
0x279: {  	v8 =	vld.idx.msk [tilespmem:v10+s19+$0x0], $0xffff;
	v10 =	vshll.u32 v15, $0x3;
	v13 =	vand.u32 $0x7F, v13;
	s8 =	sadd.s32 $0x30, s9;
	v12 =	vand.u32 $0xFFFFFC00, v12  }
0x27a: {  	v10 =	vand.u32 $0xFFFFFC00, v10;
	[tilespmem:s10+$0x180] =	vst v16;
	s14 =	sor.u32 $0x200, s8;
	v17 =	vld.idx.msk [tilespmem:v1+s19+$0x0], $0xffff;
	v21 =	vor.u32 v13, v12;
	v12 =	vand.u32 $0x7F, v15  }
0x27b: {  	s16 =	sadd.s32 $0x10, s9;
	v11 =	vld.idx.msk [tilespmem:v11+s19+$0x0], $0xffff;
	v10 =	vor.u32 v12, v10;
	[tilespmem:s14+$0x11000] =	vst v7  }
0x27c: {  	s29 =	sor.u32 $0x200, s16;
	v7 =	vor.u32 $0x280, v0;
	v9 =	vld.idx.msk [tilespmem:v9+s19+$0x0], $0xffff  }
0x27d: {  	s20 =	sor.u32 $0x200, s9;
	v12 =	vor.u32 $0x280, v3;
	s14 =	simm.s32 $0x200;
	v13 =	vld.idx.msk [tilespmem:v2+s19+$0x0], $0xffff;
	[tilespmem:s29+$0x11000] =	vst v6  }
0x27e: {  	s11 =	sadd.s32 $0x20, s9;
	s21 =	sand.u32 $0x1C00, s14;
	[tilespmem:s20+$0x11000] =	vst v8;
	v8 =	vor.u32 $0x80, v1;
	v6 =	vld.idx.msk [tilespmem:v14+s19+$0x0], $0xffff  }
0x27f: {  	s18 =	sor.u32 $0x200, s11;
	s10 =	sadd.s32 $0x11000, s21;
	v14 =	vor.u32 $0x300, v5;
	v15 =	vld.idx.msk [tilespmem:v21+s19+$0x0], $0xffff  }
0x280: {  	v16 =	vor.u32 $0x80, v2;
	s30 =	sor.u32 s6, s10;
	[tilespmem:s18+$0x11000] =	vst v11;
	v18 =	vld.idx.msk [tilespmem:v10+s19+$0x0], $0xffff  }
0x281: {  	s22 =	sor.u32 $0x280, s8;
	v19 =	vor.u32 $0x80, v21;
	[tilespmem:s30+$0x0] =	vst v17;
	v7 =	vld.idx.msk [tilespmem:v7+s19+$0x0], $0xffff  }
0x282: {  	s20 =	sor.u32 s24, s10;
	v11 =	vor.u32 $0x80, v10;
	v12 =	vld.idx.msk [tilespmem:v12+s19+$0x0], $0xffff;
	[tilespmem:s22+$0x11000] =	vst v9  }
0x283: {  	s23 =	sor.u32 $0x280, s16;
	v9 =	vor.u32 $0x300, v4;
	[tilespmem:s20+$0x0] =	vst v13;
	v8 =	vld.idx.msk [tilespmem:v8+s19+$0x0], $0xffff  }
0x284: {  	s6 =	sor.u32 s26, s10;
	v13 =	vld.idx.msk [tilespmem:v14+s19+$0x0], $0xffff;
	v14 =	vor.u32 $0x300, v3;
	[tilespmem:s23+$0x11000] =	vst v6  }
0x285: {  	s4 =	sor.u32 s28, s10;
	v5 =	vor.u32 $0x380, v5;
	v16 =	vld.idx.msk [tilespmem:v16+s19+$0x0], $0xffff;
	[tilespmem:s6+$0x0] =	vst v15  }
0x286: {  	s24 =	sor.u32 $0x280, s11;
	v17 =	vor.u32 $0x100, v2;
	v15 =	vld.idx.msk [tilespmem:v19+s19+$0x0], $0xffff;
	[tilespmem:s4+$0x0] =	vst v18  }
0x287: {  	v19 =	vor.u32 $0x100, v1;
	[tilespmem:s24+$0x11000] =	vst v12;
	v20 =	vld.idx.msk [tilespmem:v11+s19+$0x0], $0xffff  }
0x288: {  	s25 =	sor.u32 $0x300, s8;
	v6 =	vor.u32 $0x100, v21;
	v22 =	vld.idx.msk [tilespmem:v9+s19+$0x0], $0xffff;
	[tilespmem:s30+$0x80] =	vst v8  }
0x289: {  	v23 =	vor.u32 $0x100, v10;
	v14 =	vld.idx.msk [tilespmem:v14+s19+$0x0], $0xffff;
	[tilespmem:s25+$0x11000] =	vst v13  }
0x28a: {  	[tilespmem:s20+$0x80] =	vst v16;
	v16 =	vor.u32 $0x300, v0;
	v24 =	vld.idx.msk [tilespmem:v5+s19+$0x0], $0xffff  }
0x28b: {  	v25 =	vor.u32 $0x380, v4;
	v18 =	vld.idx.msk [tilespmem:v17+s19+$0x0], $0xffff;
	[tilespmem:s6+$0x80] =	vst v15  }
0x28c: {  	s2 =	sor.u32 s2, s2;
	s28 =	sor.u32 $0x300, s16;
	v4 =	vor.u32 $0x380, v21;
	v17 =	vld.idx.msk [tilespmem:v19+s19+$0x0], $0xffff;
	[tilespmem:s4+$0x80] =	vst v20  }
0x28d: {  	s13 =	sor.u32 $0x380, s2;
	s26 =	sor.u32 $0x280, s9;
	v11 =	vor.u32 $0x200, v21;
	v8 =	vor.u32 $0x280, v21;
	v19 =	vld.idx.msk [tilespmem:v6+s19+$0x0], $0xffff;
	[tilespmem:s28+$0x11000] =	vst v22;
	v22 =	vor.u32 $0x180, v2  }
0x28e: {  	s2 =	simm.s32 $0x4;
	s15 =	sor.u32 $0x300, s11;
	s12 =	sor.u32 $0x380, s16;
	[tilespmem:s26+$0x11000] =	vst v7;
	v13 =	vor.u32 $0x180, v21;
	v6 =	vor.u32 $0x300, v21;
	v21 =	vor.u32 $0x180, v1;
	v20 =	vld.idx.msk [tilespmem:v23+s19+$0x0], $0xffff  }
0x28f: {  	s8 =	sor.u32 $0x380, s8;
	s29 =	sor.u32 s14, s7;
	s9 =	sor.u32 $0x300, s9;
	v3 =	vor.u32 $0x380, v3;
	v12 =	vor.u32 $0x180, v10;
	v7 =	vor.u32 $0x280, v10;
	v15 =	vld.idx.msk [tilespmem:v16+s19+$0x0], $0xffff  }
0x290: {  	s16 =	sor.u32 $0x380, s29;
	v9 =	vor.u32 $0x200, v10;
	s25 =	sor.u32 $0x380, s11;
	v5 =	vor.u32 $0x300, v10;
	v10 =	vor.u32 $0x380, v10;
	v16 =	vld.idx.msk [tilespmem:v25+s19+$0x0], $0xffff;
	[tilespmem:s8+$0x11000] =	vst v24;
	s8 =	simm.s32 $0x80  }
.LBB2_11:
0x291: {  	v23 =	vld [tilespmem:s8+$0x0];
	[tilespmem:s20+$0x100] =	vst v18;
	s7 =	sadd.s32 $0x40, s7  }
0x292: {  	s2 =	sadd.s32 $0x4, s2;
	s18 =	sand.u32 $0x40, s7;
	[tilespmem:s30+$0x100] =	vst v17;
	v17 =	vld.idx.msk [tilespmem:v22+s19+$0x0], $0xffff  }
0x293: {  	s10 =	sand.u32 $0x380, s7;
	p1 =	slt.u32 s2, $0x3C;
	s21 =	sor.u32 $0x30, s18;
	v18 =	vld.idx.msk [tilespmem:v21+s19+$0x0], $0xffff;
	[tilespmem:s6+$0x100] =	vst v19  }
0x294: {  	s23 =	sor.u32 $0x10, s18;
	s22 =	sor.u32 $0x20, s18;
	v19 =	vor.u32 $0x200, v2;
	s24 =	sor.u32 s21, s10;
	v13 =	vld.idx.msk [tilespmem:v13+s19+$0x0], $0xffff;
	[tilespmem:s4+$0x100] =	vst v20  }
0x295: {  	v21 =	vor.u32 $0x200, v1;
	s26 =	sor.u32 s23, s10;
	s10 =	sor.u32 s22, s10;
	v20 =	vld [tilespmem:s24+$0x0];
	[tilespmem:s15+$0x11000] =	vst v14  }
0x296: {  	v14 =	vld [tilespmem:s26+$0x0];
	[tilespmem:s9+$0x11000] =	vst v15  }
0x297: {  	v15 =	vshll.u32 v23, $0x3;
	v22 =	vld [tilespmem:s10+$0x0];
	[tilespmem:s12+$0x11000] =	vst v16  }
0x298: {  	v16 =	vand.u32 $0x7F, v23;
	v15 =	vand.u32 $0xFFFFFC00, v15;
	v12 =	vld.idx.msk [tilespmem:v12+s19+$0x0], $0xffff;
	[tilespmem:s20+$0x180] =	vst v17;
	v17 =	vor.u32 $0x380, v0;
	v0 =	vmovc v1  }
0x299: {  	p0 =	por !p0, !p0;
	s9 =	simm.s32 $0x1;
	v1 =	vor.u32 v16, v15;
	[tilespmem:s30+$0x180] =	vst v18;
	v15 =	vld.idx.msk [tilespmem:v19+s19+$0x0], $0xffff  }
0x29a: {  	s9 =	simm.s32 @!p0 $0x0;
	v16 =	vshll.u32 v20, $0x3;
	v18 =	vld.idx.msk [tilespmem:v21+s19+$0x0], $0xffff;
	[tilespmem:s6+$0x180] =	vst v13  }
0x29b: {  	v13 =	vand.u32 $0x7F, v20;
	s6 =	sshll.u32 s9, $0x6;
	v16 =	vand.u32 $0xFFFFFC00, v16;
	v19 =	vld.idx.msk [tilespmem:v11+s19+$0x0], $0xffff;
	v11 =	vor.u32 $0x280, v2  }
0x29c: {  	v20 =	vshll.u32 v14, $0x3;
	s6 =	sadd.s32 s6, s14;
	v21 =	vshll.u32 v22, $0x3;
	v16 =	vor.u32 v13, v16;
	v23 =	vld.idx.msk [tilespmem:v3+s19+$0x0], $0xffff;
	v3 =	vmovc v10  }
0x29d: {  	v10 =	vand.u32 $0x7F, v14;
	v13 =	vand.u32 $0xFFFFFC00, v20;
	s12 =	sadd.s32 $0x10, s6;
	s20 =	sadd.s32 $0x20, s6;
	s24 =	sadd.s32 $0x30, s6;
	v14 =	vand.u32 $0xFFFFFC00, v21;
	v17 =	vld.idx.msk [tilespmem:v17+s19+$0x0], $0xffff  }
0x29e: {  	v10 =	vor.u32 v10, v13;
	v13 =	vand.u32 $0x7F, v22;
	v21 =	vor.u32 $0x280, v0;
	s30 =	sor.u32 $0x200, s12;
	s9 =	sor.u32 $0x200, s24;
	v20 =	vld.idx.msk [tilespmem:v1+s19+$0x0], $0xffff;
	[tilespmem:s4+$0x180] =	vst v12;
	s4 =	sor.u32 $0x200, s20  }
0x29f: {  	s15 =	sor.u32 $0x200, s6;
	s10 =	sor.u32 $0x280, s12;
	s29 =	sor.u32 $0x280, s20;
	v22 =	vor.u32 $0x80, v10;
	v24 =	vor.u32 $0x100, v10;
	v14 =	vor.u32 v13, v14;
	v25 =	vld.idx.msk [tilespmem:v9+s19+$0x0], $0xffff;
	[tilespmem:s9+$0x11000] =	vst v15  }
0x2a0: {  	s28 =	sor.u32 $0x280, s6;
	s26 =	sor.u32 $0x300, s12;
	v13 =	vor.u32 $0x180, v10;
	v15 =	vor.u32 $0x80, v14;
	v26 =	vor.u32 $0x100, v14;
	[tilespmem:s15+$0x11000] =	vst v18;
	s15 =	sor.u32 $0x300, s20;
	v18 =	vld.idx.msk [tilespmem:v11+s19+$0x0], $0xffff  }
0x2a1: {  	s12 =	sor.u32 $0x380, s12;
	v12 =	vor.u32 $0x180, v14;
	v9 =	vor.u32 $0x200, v14;
	s9 =	sor.u32 $0x300, s6;
	s6 =	sor.u32 $0x380, s20;
	v11 =	vor.u32 $0x200, v10;
	v27 =	vld.idx.msk [tilespmem:v16+s19+$0x0], $0xffff;
	[tilespmem:s30+$0x11000] =	vst v19  }
0x2a2: {  	v29 =	vor.u32 $0x300, v2;
	v19 =	vor.u32 $0x280, v14;
	v28 =	vld.idx.msk [tilespmem:v8+s19+$0x0], $0xffff;
	v8 =	vor.u32 $0x280, v10;
	[tilespmem:s25+$0x11000] =	vst v23;
	s25 =	smov.u32 s6  }
0x2a3: {  	s14 =	sadd.s32 $0x200, s14;
	v32 =	vor.u32 $0x80, v16;
	v30 =	vor.u32 $0x300, v10;
	v31 =	vor.u32 $0x300, v14;
	v23 =	vld.idx.msk [tilespmem:v10+s19+$0x0], $0xffff;
	[tilespmem:s13+$0x11000] =	vst v17;
	s13 =	smov.u32 s16  }
0x2a4: {  	v33 =	vor.u32 $0x380, v10;
	s6 =	sand.u32 $0x1C00, s14;
	v17 =	vor.u32 $0x80, v1;
	s16 =	sor.u32 s14, s7;
	v10 =	vor.u32 $0x380, v14;
	v34 =	vld.idx.msk [tilespmem:v14+s19+$0x0], $0xffff  }
0x2a5: {  	s11 =	sadd.s32 $0x11000, s6;
	s16 =	sor.u32 $0x380, s16;
	v35 =	vld.idx.msk [tilespmem:v21+s19+$0x0], $0xffff;
	[tilespmem:s4+$0x11000] =	vst v25;
	s4 =	sor.u32 $0x280, s24  }
0x2a6: {  	s30 =	sor.u32 s18, s11;
	s6 =	sor.u32 s23, s11;
	s20 =	sor.u32 s21, s11;
	v14 =	vld.idx.msk [tilespmem:v7+s19+$0x0], $0xffff;
	[tilespmem:s4+$0x11000] =	vst v18;
	v7 =	vmov v19  }
0x2a7: {  	s4 =	sor.u32 s22, s11;
	[tilespmem:s20+$0x0] =	vst v27;
	v18 =	vld.idx.msk [tilespmem:v29+s19+$0x0], $0xffff  }
0x2a8: {  	[tilespmem:s30+$0x0] =	vst v20;
	v19 =	vld.idx.msk [tilespmem:v32+s19+$0x0], $0xffff  }
0x2a9: {  	v20 =	vor.u32 $0x380, v2;
	v2 =	vmov v16;
	v17 =	vld.idx.msk [tilespmem:v17+s19+$0x0], $0xffff;
	[tilespmem:s6+$0x0] =	vst v23  }
0x2aa: {  	v21 =	vor.u32 $0x100, v2;
	v16 =	vld.idx.msk [tilespmem:v22+s19+$0x0], $0xffff;
	[tilespmem:s4+$0x0] =	vst v34  }
0x2ab: {  	v22 =	vor.u32 $0x100, v1;
	v15 =	vld.idx.msk [tilespmem:v15+s19+$0x0], $0xffff;
	[tilespmem:s10+$0x11000] =	vst v28  }
0x2ac: {  	s10 =	sor.u32 $0x300, s24;
	v23 =	vld.idx.msk [tilespmem:v6+s19+$0x0], $0xffff;
	[tilespmem:s29+$0x11000] =	vst v14;
	v6 =	vmov v30  }
0x2ad: {  	v14 =	vld.idx.msk [tilespmem:v5+s19+$0x0], $0xffff;
	[tilespmem:s10+$0x11000] =	vst v18;
	v5 =	vmov v31  }
0x2ae: {  	v25 =	vor.u32 $0x300, v0;
	[tilespmem:s20+$0x80] =	vst v19;
	v27 =	vld.idx.msk [tilespmem:v20+s19+$0x0], $0xffff  }
0x2af: {  	[tilespmem:s30+$0x80] =	vst v17;
	v18 =	vld.idx.msk [tilespmem:v21+s19+$0x0], $0xffff  }
.Ltmp4:
0x2b0: {  	v17 =	vld.idx.msk [tilespmem:v22+s19+$0x0], $0xffff;
	[tilespmem:s6+$0x80] =	vst v16;
	(pc) =	sbr.rel @p1 .LBB2_11-.Ltmp4, $4  }
0x2b1: {  	v22 =	vor.u32 $0x180, v2;
	v19 =	vld.idx.msk [tilespmem:v24+s19+$0x0], $0xffff;
	[tilespmem:s4+$0x80] =	vst v15  }
0x2b2: {  	v21 =	vor.u32 $0x180, v1;
	v20 =	vld.idx.msk [tilespmem:v26+s19+$0x0], $0xffff;
	[tilespmem:s28+$0x11000] =	vst v35  }
0x2b3: {  	s10 =	sor.u32 $0x380, s24;
	v15 =	vld.idx.msk [tilespmem:v25+s19+$0x0], $0xffff;
	[tilespmem:s26+$0x11000] =	vst v23  }
0x2b4: {  	s8 =	sadd.s32 $0x40, s8;
	v16 =	vld.idx.msk [tilespmem:v4+s19+$0x0], $0xffff;
	[tilespmem:s10+$0x11000] =	vst v27;
	v4 =	vmov v33  }
0x2b5: {  	_ =	sdelay $0x2  }
0x2b6: {  	[tilespmem:s20+$0x100] =	vst v18  }
0x2b7: {  	v18 =	vld.idx.msk [tilespmem:v22+s19+$0x0], $0xffff  }
0x2b8: {  	[tilespmem:s6+$0x100] =	vst v19;
	v19 =	vor.u32 $0x200, v2  }
0x2b9: {  	[tilespmem:s30+$0x100] =	vst v17;
	v13 =	vld.idx.msk [tilespmem:v13+s19+$0x0], $0xffff  }
0x2ba: {  	v17 =	vld.idx.msk [tilespmem:v21+s19+$0x0], $0xffff;
	[tilespmem:s4+$0x100] =	vst v20  }
0x2bb: {  	v61 =	vor.u32 $0x200, v1;
	v12 =	vld.idx.msk [tilespmem:v12+s19+$0x0], $0xffff  }
0x2bc: {  	p0 =	por !p0, !p0;
	s2 =	simm.s32 $0x1;
	[tilespmem:s20+$0x180] =	vst v18  }
0x2bd: {  	s2 =	simm.s32 @!p0 $0x0;
	v18 =	vld.idx.msk [tilespmem:v19+s19+$0x0], $0xffff  }
0x2be: {  	s2 =	sshll.u32 s2, $0x6;
	[tilespmem:s6+$0x180] =	vst v13;
	v13 =	vor.u32 $0x280, v2  }
0x2bf: {  	s2 =	sadd.s32 s2, s14;
	[tilespmem:s30+$0x180] =	vst v17;
	v11 =	vld.idx.msk [tilespmem:v11+s19+$0x0], $0xffff  }
0x2c0: {  	s14 =	sadd.s32 $0x30, s2;
	[tilespmem:s4+$0x180] =	vst v12;
	v12 =	vld.idx.msk [tilespmem:v61+s19+$0x0], $0xffff  }
0x2c1: {  	s7 =	sor.u32 $0x200, s14;
	v17 =	vor.u32 $0x280, v1;
	v9 =	vld.idx.msk [tilespmem:v9+s19+$0x0], $0xffff  }
0x2c2: {  	s18 =	sadd.s32 $0x10, s2;
	[tilespmem:s7+$0x11000] =	vst v18  }
0x2c3: {  	s10 =	sor.u32 $0x200, s18;
	v13 =	vld.idx.msk [tilespmem:v13+s19+$0x0], $0xffff  }
0x2c4: {  	s8 =	sadd.s32 $0x20, s2;
	s21 =	sor.u32 $0x200, s2;
	[tilespmem:s10+$0x11000] =	vst v11;
	v11 =	vor.u32 $0x300, v2  }
0x2c5: {  	s20 =	sor.u32 $0x200, s8;
	[tilespmem:s21+$0x11000] =	vst v12;
	v8 =	vld.idx.msk [tilespmem:v8+s19+$0x0], $0xffff  }
0x2c6: {  	[tilespmem:s20+$0x11000] =	vst v9;
	v9 =	vld.idx.msk [tilespmem:v17+s19+$0x0], $0xffff  }
0x2c7: {  	[tilespmem:s15+$0x11000] =	vst v14;
	s22 =	sor.u32 $0x280, s14;
	v12 =	vor.u32 $0x300, v1;
	v7 =	vld.idx.msk [tilespmem:v7+s19+$0x0], $0xffff  }
0x2c8: {  	[tilespmem:s22+$0x11000] =	vst v13  }
0x2c9: {  	v0 =	vor.u32 $0x380, v0;
	[tilespmem:s9+$0x11000] =	vst v15;
	s23 =	sor.u32 $0x280, s18;
	v11 =	vld.idx.msk [tilespmem:v11+s19+$0x0], $0xffff  }
0x2ca: {  	v3 =	vld.idx.msk [tilespmem:v3+s19+$0x0], $0xffff;
	s26 =	sor.u32 $0x280, s2;
	v2 =	vor.u32 $0x380, v2;
	[tilespmem:s23+$0x11000] =	vst v8  }
0x2cb: {  	s24 =	sor.u32 $0x280, s8;
	[tilespmem:s26+$0x11000] =	vst v9;
	v6 =	vld.idx.msk [tilespmem:v6+s19+$0x0], $0xffff  }
0x2cc: {  	[tilespmem:s24+$0x11000] =	vst v7;
	v7 =	vld.idx.msk [tilespmem:v12+s19+$0x0], $0xffff  }
0x2cd: {  	[tilespmem:s12+$0x11000] =	vst v16;
	s28 =	sor.u32 $0x300, s14;
	v1 =	vor.u32 $0x380, v1;
	v5 =	vld.idx.msk [tilespmem:v5+s19+$0x0], $0xffff  }
0x2ce: {  	v0 =	vld.idx.msk [tilespmem:v0+s19+$0x0], $0xffff;
	[tilespmem:s28+$0x11000] =	vst v11  }
0x2cf: {  	s29 =	sor.u32 $0x300, s18;
	[tilespmem:s25+$0x11000] =	vst v3;
	v2 =	vld.idx.msk [tilespmem:v2+s19+$0x0], $0xffff  }
0x2d0: {  	s2 =	sor.u32 $0x300, s2;
	[tilespmem:s29+$0x11000] =	vst v6  }
0x2d1: {  	s30 =	sor.u32 $0x300, s8;
	[tilespmem:s2+$0x11000] =	vst v7;
	v4 =	vld.idx.msk [tilespmem:v4+s19+$0x0], $0xffff  }
0x2d2: {  	[tilespmem:s30+$0x11000] =	vst v5;
	v1 =	vld.idx.msk [tilespmem:v1+s19+$0x0], $0xffff  }
0x2d3: {  	[tilespmem:s13+$0x11000] =	vst v0;
	s7 =	sor.u32 $0x380, s14;
	v5 =	vld.idx.msk [tilespmem:v10+s19+$0x0], $0xffff  }
0x2d4: {  	[tilespmem:s7+$0x11000] =	vst v2  }
0x2d5: {  	p0 =	seq.s32 s31, $0xF;
	s9 =	sor.u32 $0x380, s18;
	s2 =	rddreg [dreg:$0x9]  }
0x2d6: {  	[tilespmem:s9+$0x11000] =	vst v4;
	s1 =	sadd.s32 @!p0 s1, s2  }
0x2d7: {  	s12 =	simm.s32 $0x17000;
	s10 =	sor.u32 $0x380, s8;
	[tilespmem:s16+$0x11000] =	vst v1;
	s1 =	sshll.u32 @!p0 s1, $0xC  }
0x2d8: {  	s4 =	simm.s32 @!p0 $0x1000;
	[tilespmem:s10+$0x11000] =	vst v5;
	s2 =	rddreg [dreg:$0x0];
	s1 =	sand.u32 @!p0 $0x1FFFE000, s1  }
0x2d9: {  	s11 =	rddreg [dreg:$0x7];
	s1 =	sadd.s32 @!p0 s2, s1;
	s2 =	simm.s32 @!p0 $0x0  }
0x2da: {  	[tilespmem:s4], [sflag:$0x1] =	stream.linear.gather @!p0 [hbm4b:s1+s2], $0x8000, $0x38;
	[tilespmem:$0x19000] =	vst v63  }
0x2db: {  	s13 =	simm.s32 $0x4;
	s1 =	sadd.s32 s3, s11;
	s3 =	simm.s32 $0x0  }
0x2dc: {  	[hbm4b:s1+s3] =	stream.linear.scatter [tilespmem:s12], [sflag:$0x6], $0x2000, $0x38;
	[tilespmem:$0x19000] =	vst v63  }
0x2dd: {  	_ =	swait.ge [sflag:s13], $0x2000  }
0x2de: {  	[sflag:s13] =	ssyncset.done $0x0  }
0x2df: {  	s14 =	sand.u32 $0x3C0, s3;
	[sflag:s13] =	ssyncadd.s32 $0xFFFFE000  }
0x2e0: {  	v0 =	vld [tilespmem:s14+$0x400];
	_ =	sdelay $0x4  }
0x2e1: {  	s15 =	simm.s32 $0x430;
	v1 =	vshll.u32 v0, $0x3  }
0x2e2: {  	v2 =	vld [tilespmem:s15+$0xFFFFFFE0];
	v0 =	vand.u32 $0x7F, v0;
	v1 =	vand.u32 $0xFFFFFC00, v1  }
0x2e3: {  	v8 =	vor.u32 v0, v1  }
0x2e4: {  	v0 =	vld [tilespmem:s15+$0xFFFFFFF0]  }
0x2e5: {  	v3 =	vld [tilespmem:s15+$0x0];
	_ =	sdelay $0x1  }
0x2e6: {  	v1 =	vshll.u32 v2, $0x3  }
0x2e7: {  	v2 =	vand.u32 $0x7F, v2;
	v1 =	vand.u32 $0xFFFFFC00, v1;
	v4 =	vld.idx.msk [tilespmem:v8+s19+$0x0], $0xffff  }
0x2e8: {  	v5 =	vor.u32 $0x80, v8;
	v2 =	vor.u32 v2, v1;
	v1 =	vshll.u32 v0, $0x3  }
0x2e9: {  	v6 =	vshll.u32 v3, $0x3;
	v0 =	vand.u32 $0x7F, v0;
	v1 =	vand.u32 $0xFFFFFC00, v1  }
0x2ea: {  	s16 =	sand.u32 $0x40, s3;
	s18 =	sand.u32 $0x1C00, s3;
	v1 =	vor.u32 v0, v1;
	v0 =	vand.u32 $0x7F, v3;
	v3 =	vand.u32 $0xFFFFFC00, v6  }
0x2eb: {  	s1 =	sor.u32 s16, s18;
	v0 =	vor.u32 v0, v3  }
0x2ec: {  	[tilespmem:s1+$0x13000] =	vst v4  }
0x2ed: {  	v3 =	vld.idx.msk [tilespmem:v5+s19+$0x0], $0xffff  }
0x2ee: {  	v4 =	vor.u32 $0x100, v8;
	v5 =	vld.idx.msk [tilespmem:v2+s19+$0x0], $0xffff  }
0x2ef: {  	v7 =	vor.u32 $0x80, v2;
	v6 =	vld.idx.msk [tilespmem:v1+s19+$0x0], $0xffff  }
0x2f0: {  	v10 =	vor.u32 $0x80, v1;
	v9 =	vld.idx.msk [tilespmem:v0+s19+$0x0], $0xffff  }
0x2f1: {  	s2 =	sadd.s32 $0x13000, s1;
	v11 =	vor.u32 $0x80, v0  }
0x2f2: {  	[tilespmem:s2+$0x80] =	vst v3  }
0x2f3: {  	[tilespmem:s2+$0x10] =	vst v5;
	v3 =	vld.idx.msk [tilespmem:v4+s19+$0x0], $0xffff  }
0x2f4: {  	v5 =	vor.u32 $0x180, v8;
	v7 =	vld.idx.msk [tilespmem:v7+s19+$0x0], $0xffff;
	[tilespmem:s2+$0x20] =	vst v6  }
0x2f5: {  	v6 =	vld.idx.msk [tilespmem:v10+s19+$0x0], $0xffff;
	[tilespmem:s2+$0x30] =	vst v9;
	v9 =	vor.u32 $0x100, v2  }
0x2f6: {  	s20 =	simm.s32 $0x470;
	v10 =	vld.idx.msk [tilespmem:v11+s19+$0x0], $0xffff  }
0x2f7: {  	v12 =	vld [tilespmem:s20+$0xFFFFFFF0];
	v11 =	vor.u32 $0x100, v1  }
0x2f8: {  	v4 =	vld [tilespmem:s20+$0xFFFFFFE0];
	[tilespmem:s2+$0x100] =	vst v3;
	v3 =	vor.u32 $0x100, v0  }
0x2f9: {  	s1 =	simm.s32 $0x40;
	[tilespmem:s2+$0x90] =	vst v7;
	v5 =	vld.idx.msk [tilespmem:v5+s19+$0x0], $0xffff  }
0x2fa: {  	s21 =	sand.u32 $0x3C0, s1;
	v7 =	vor.u32 $0x200, v8;
	v9 =	vld.idx.msk [tilespmem:v9+s19+$0x0], $0xffff;
	[tilespmem:s2+$0xA0] =	vst v6  }
0x2fb: {  	v13 =	vld [tilespmem:s21+$0x400];
	[tilespmem:s2+$0xB0] =	vst v10;
	v10 =	vor.u32 $0x180, v2  }
0x2fc: {  	v6 =	vld.idx.msk [tilespmem:v11+s19+$0x0], $0xffff  }
0x2fd: {  	v11 =	vor.u32 $0x180, v1;
	v14 =	vld.idx.msk [tilespmem:v3+s19+$0x0], $0xffff;
	v3 =	vshll.u32 v4, $0x3  }
0x2fe: {  	v15 =	vld [tilespmem:s20+$0x0];
	v4 =	vand.u32 $0x7F, v4;
	[tilespmem:s2+$0x180] =	vst v5;
	v5 =	vor.u32 $0x180, v0;
	v3 =	vand.u32 $0xFFFFFC00, v3  }
0x2ff: {  	p0 =	por $0x0, $0x0;
	s4 =	simm.s32 $0x1;
	[tilespmem:s2+$0x110] =	vst v9;
	v16 =	vld.idx.msk [tilespmem:v7+s19+$0x0], $0xffff;
	v4 =	vor.u32 v4, v3  }
0x300: {  	s4 =	simm.s32 @!p0 $0x0;
	v9 =	vor.u32 $0x280, v8;
	v7 =	vshll.u32 v13, $0x3;
	v10 =	vld.idx.msk [tilespmem:v10+s19+$0x0], $0xffff  }
0x301: {  	s4 =	sshll.u32 s4, $0x6;
	v3 =	vand.u32 $0x7F, v13;
	[tilespmem:s2+$0x120] =	vst v6;
	v13 =	vor.u32 $0x200, v2;
	v7 =	vand.u32 $0xFFFFFC00, v7  }
0x302: {  	s20 =	sadd.s32 $0x0, s4;
	v11 =	vld.idx.msk [tilespmem:v11+s19+$0x0], $0xffff;
	v3 =	vor.u32 v3, v7;
	[tilespmem:s2+$0x130] =	vst v14  }
0x303: {  	s4 =	sor.u32 $0x200, s20;
	v6 =	vshll.u32 v12, $0x3;
	v14 =	vld.idx.msk [tilespmem:v5+s19+$0x0], $0xffff;
	v5 =	vand.u32 $0x7F, v12;
	v12 =	vor.u32 $0x200, v1  }
0x304: {  	v17 =	vshll.u32 v15, $0x3;
	v6 =	vand.u32 $0xFFFFFC00, v6;
	v7 =	vld.idx.msk [tilespmem:v4+s19+$0x0], $0xffff;
	[tilespmem:s4+$0x13000] =	vst v16;
	v16 =	vor.u32 $0x200, v0  }
0x305: {  	v6 =	vor.u32 v5, v6;
	v5 =	vand.u32 $0x7F, v15;
	v15 =	vand.u32 $0xFFFFFC00, v17;
	[tilespmem:s2+$0x190] =	vst v10;
	v9 =	vld.idx.msk [tilespmem:v9+s19+$0x0], $0xffff  }
0x306: {  	v5 =	vor.u32 v5, v15;
	v17 =	vld.idx.msk [tilespmem:v13+s19+$0x0], $0xffff  }
0x307: {  	[tilespmem:s2+$0x1A0] =	vst v11;
	v15 =	vor.u32 $0x300, v8;
	v10 =	vld.idx.msk [tilespmem:v3+s19+$0x0], $0xffff  }
0x308: {  	v18 =	vor.u32 $0x80, v3;
	v19 =	vld.idx.msk [tilespmem:v12+s19+$0x0], $0xffff;
	[tilespmem:s2+$0x1B0] =	vst v14  }
0x309: {  	s6 =	simm.s32 $0x4B0;
	s7 =	simm.s32 $0x200;
	v14 =	vor.u32 $0x280, v2;
	v16 =	vld.idx.msk [tilespmem:v16+s19+$0x0], $0xffff  }
0x30a: {  	s23 =	sand.u32 $0x1C00, s7;
	v62 =	vor.u32 $0x280, v1;
	s22 =	sand.u32 $0x40, s1;
	s24 =	sor.u32 $0x280, s20;
	v11 =	vld.idx.msk [tilespmem:v6+s19+$0x0], $0xffff  }
0x30b: {  	s8 =	simm.s32 $0x4;
	v63 =	vor.u32 $0x280, v0;
	s10 =	sor.u32 s22, s23;
	s11 =	sadd.s32 $0x10, s20;
	v12 =	vld.idx.msk [tilespmem:v5+s19+$0x0], $0xffff;
	[tilespmem:s24+$0x13000] =	vst v9  }
0x30c: {  	s25 =	sadd.s32 $0x20, s20;
	s29 =	sadd.s32 $0x30, s20;
	s26 =	sor.u32 $0x200, s11;
	[tilespmem:s10+$0x13000] =	vst v10;
	v13 =	vld.idx.msk [tilespmem:v15+s19+$0x0], $0xffff  }
0x30d: {  	s28 =	sor.u32 $0x200, s25;
	s22 =	sor.u32 $0x280, s11;
	s21 =	sor.u32 $0x280, s25;
	[tilespmem:s26+$0x13000] =	vst v17;
	v15 =	vld.idx.msk [tilespmem:v18+s19+$0x0], $0xffff  }
0x30e: {  	s30 =	sor.u32 $0x200, s29;
	s9 =	sor.u32 $0x300, s11;
	s12 =	sor.u32 $0x300, s25;
	v10 =	vld.idx.msk [tilespmem:v14+s19+$0x0], $0xffff;
	[tilespmem:s28+$0x13000] =	vst v19;
	v14 =	vor.u32 $0x380, v8  }
0x30f: {  	s15 =	sor.u32 $0x280, s29;
	s16 =	sor.u32 $0x380, s11;
	s13 =	sor.u32 $0x380, s25;
	v9 =	vld.idx.msk [tilespmem:v62+s19+$0x0], $0xffff;
	[tilespmem:s30+$0x13000] =	vst v16;
	v16 =	vor.u32 $0x100, v3  }
0x310: {  	s14 =	sor.u32 $0x380, s29;
	s4 =	simm.s32 $0x0;
	s2 =	sor.u32 $0x300, s29;
	v17 =	vor.u32 $0x80, v4;
	v8 =	vld.idx.msk [tilespmem:v63+s19+$0x0], $0xffff  }
.LBB2_13:
0x311: {  	v18 =	vld [tilespmem:s6+$0xFFFFFFE0];
	v19 =	vor.u32 $0x80, v6;
	s11 =	sor.u32 $0x300, s20  }
0x312: {  	s18 =	sadd.s32 $0x13000, s10;
	v21 =	vor.u32 $0x80, v5;
	v20 =	vld [tilespmem:s6+$0xFFFFFFF0];
	[tilespmem:s11+$0x13000] =	vst v13  }
0x313: {  	[tilespmem:s18+$0x80] =	vst v15;
	v13 =	vld.idx.msk [tilespmem:v14+s19+$0x0], $0xffff;
	v14 =	vor.u32 $0x300, v2  }
0x314: {  	v15 =	vld.idx.msk [tilespmem:v16+s19+$0x0], $0xffff;
	[tilespmem:s18+$0x10] =	vst v7;
	v7 =	vor.u32 $0x300, v1  }
0x315: {  	v16 =	vld.idx.msk [tilespmem:v17+s19+$0x0], $0xffff;
	[tilespmem:s18+$0x20] =	vst v11  }
0x316: {  	v11 =	vor.u32 $0x180, v3;
	v17 =	vld.idx.msk [tilespmem:v19+s19+$0x0], $0xffff;
	[tilespmem:s18+$0x30] =	vst v12  }
0x317: {  	s10 =	sor.u32 s4, s3;
	s3 =	smov.u32 s1;
	s4 =	smov.u32 s7;
	v12 =	vor.u32 $0x100, v4;
	v19 =	vld.idx.msk [tilespmem:v21+s19+$0x0], $0xffff;
	[tilespmem:s22+$0x13000] =	vst v10  }
0x318: {  	s10 =	sor.u32 $0x380, s10;
	v10 =	vor.u32 $0x100, v6;
	v14 =	vld.idx.msk [tilespmem:v14+s19+$0x0], $0xffff;
	[tilespmem:s21+$0x13000] =	vst v9  }
0x319: {  	[tilespmem:s10+$0x13000] =	vst v13;
	v7 =	vld.idx.msk [tilespmem:v7+s19+$0x0], $0xffff  }
0x31a: {  	v13 =	vor.u32 $0x100, v5;
	v9 =	vld [tilespmem:s6+$0x0];
	[tilespmem:s18+$0x100] =	vst v15  }
0x31b: {  	v15 =	vor.u32 $0x300, v0;
	v11 =	vld.idx.msk [tilespmem:v11+s19+$0x0], $0xffff;
	[tilespmem:s18+$0x90] =	vst v16  }
0x31c: {  	s1 =	sadd.s32 $0x40, s1;
	v16 =	vor.u32 $0x380, v2;
	v2 =	vmov v4;
	v12 =	vld.idx.msk [tilespmem:v12+s19+$0x0], $0xffff;
	[tilespmem:s18+$0xA0] =	vst v17  }
0x31d: {  	s8 =	sadd.s32 $0x4, s8;
	s10 =	sand.u32 $0x3C0, s1;
	v4 =	vor.u32 $0x200, v3;
	v10 =	vld.idx.msk [tilespmem:v10+s19+$0x0], $0xffff;
	[tilespmem:s18+$0xB0] =	vst v19  }
0x31e: {  	p1 =	slt.u32 s8, $0x3C;
	v19 =	vor.u32 $0x180, v2;
	v17 =	vld [tilespmem:s10+$0x400];
	[tilespmem:s15+$0x13000] =	vst v8  }
0x31f: {  	v8 =	vor.u32 $0x180, v6;
	v13 =	vld.idx.msk [tilespmem:v13+s19+$0x0], $0xffff;
	[tilespmem:s9+$0x13000] =	vst v14  }
0x320: {  	[tilespmem:s12+$0x13000] =	vst v7;
	v7 =	vor.u32 $0x380, v1;
	v14 =	vld.idx.msk [tilespmem:v15+s19+$0x0], $0xffff;
	v1 =	vmov v6  }
0x321: {  	v6 =	vshll.u32 v18, $0x3;
	[tilespmem:s18+$0x180] =	vst v11;
	v11 =	vor.u32 $0x180, v5;
	v15 =	vld.idx.msk [tilespmem:v16+s19+$0x0], $0xffff  }
0x322: {  	v16 =	vand.u32 $0x7F, v18;
	v6 =	vand.u32 $0xFFFFFC00, v6;
	v18 =	vld.idx.msk [tilespmem:v4+s19+$0x0], $0xffff;
	[tilespmem:s18+$0x110] =	vst v12;
	v12 =	vor.u32 $0x380, v0;
	v0 =	vmovc v5  }
0x323: {  	p0 =	por !p0, !p0;
	s9 =	simm.s32 $0x1;
	v4 =	vor.u32 v16, v6;
	v5 =	vshll.u32 v17, $0x3;
	v16 =	vld.idx.msk [tilespmem:v19+s19+$0x0], $0xffff;
	[tilespmem:s18+$0x120] =	vst v10  }
0x324: {  	s9 =	simm.s32 @!p0 $0x0;
	v6 =	vand.u32 $0x7F, v17;
	v10 =	vor.u32 $0x280, v3;
	v5 =	vand.u32 $0xFFFFFC00, v5;
	v8 =	vld.idx.msk [tilespmem:v8+s19+$0x0], $0xffff  }
0x325: {  	s9 =	sshll.u32 s9, $0x6;
	v17 =	vor.u32 v6, v5;
	[tilespmem:s18+$0x130] =	vst v13;
	v13 =	vld.idx.msk [tilespmem:v7+s19+$0x0], $0xffff  }
0x326: {  	s20 =	sadd.s32 s9, s7;
	v19 =	vor.u32 $0x200, v2;
	v11 =	vld.idx.msk [tilespmem:v11+s19+$0x0], $0xffff;
	[tilespmem:s2+$0x13000] =	vst v14  }
0x327: {  	s10 =	sadd.s32 $0x10, s20;
	s11 =	sadd.s32 $0x20, s20;
	v5 =	vand.u32 $0x7F, v20;
	v6 =	vshll.u32 v20, $0x3;
	s2 =	sor.u32 $0x200, s20;
	v14 =	vor.u32 $0x200, v1;
	[tilespmem:s16+$0x13000] =	vst v15;
	v12 =	vld.idx.msk [tilespmem:v12+s19+$0x0], $0xffff  }
0x328: {  	s25 =	sadd.s32 $0x30, s20;
	s23 =	sor.u32 $0x200, s10;
	s24 =	sor.u32 $0x200, s11;
	v6 =	vand.u32 $0xFFFFFC00, v6;
	v15 =	vshll.u32 v9, $0x3;
	v7 =	vld.idx.msk [tilespmem:v4+s19+$0x0], $0xffff;
	[tilespmem:s2+$0x13000] =	vst v18;
	v18 =	vor.u32 $0x200, v0  }
0x329: {  	s22 =	sor.u32 $0x280, s10;
	s21 =	sor.u32 $0x280, s11;
	s26 =	sor.u32 $0x200, s25;
	v6 =	vor.u32 v5, v6;
	v5 =	vand.u32 $0x7F, v9;
	v9 =	vand.u32 $0xFFFFFC00, v15;
	v10 =	vld.idx.msk [tilespmem:v10+s19+$0x0], $0xffff;
	[tilespmem:s18+$0x190] =	vst v16  }
0x32a: {  	s9 =	sor.u32 $0x300, s10;
	s12 =	sor.u32 $0x300, s11;
	s15 =	sor.u32 $0x280, s25;
	v5 =	vor.u32 v5, v9;
	v15 =	vld.idx.msk [tilespmem:v17+s19+$0x0], $0xffff;
	[tilespmem:s18+$0x1A0] =	vst v8  }
0x32b: {  	s16 =	sor.u32 $0x380, s10;
	s2 =	sor.u32 $0x300, s25;
	v8 =	vor.u32 $0x300, v3;
	v9 =	vld.idx.msk [tilespmem:v19+s19+$0x0], $0xffff;
	[tilespmem:s13+$0x13000] =	vst v13;
	s13 =	sor.u32 $0x380, s11  }
0x32c: {  	s10 =	sor.u32 $0x380, s25;
	v16 =	vor.u32 $0x80, v17;
	v19 =	vld.idx.msk [tilespmem:v14+s19+$0x0], $0xffff;
	[tilespmem:s18+$0x1B0] =	vst v11  }
0x32d: {  	s7 =	sadd.s32 $0x200, s7;
	v20 =	vor.u32 $0x280, v2;
	v18 =	vld.idx.msk [tilespmem:v18+s19+$0x0], $0xffff;
	[tilespmem:s14+$0x13000] =	vst v12;
	s14 =	smov.u32 s10  }
0x32e: {  	v21 =	vor.u32 $0x280, v1;
	s11 =	sand.u32 $0x1C00, s7;
	s18 =	sor.u32 $0x280, s20;
	s10 =	sand.u32 $0x40, s1;
	v11 =	vld.idx.msk [tilespmem:v6+s19+$0x0], $0xffff  }
0x32f: {  	v22 =	vor.u32 $0x280, v0;
	s10 =	sor.u32 s10, s11;
	v12 =	vld.idx.msk [tilespmem:v5+s19+$0x0], $0xffff;
	[tilespmem:s18+$0x13000] =	vst v10  }
.Ltmp5:
0x330: {  	[tilespmem:s10+$0x13000] =	vst v15;
	v13 =	vld.idx.msk [tilespmem:v8+s19+$0x0], $0xffff;
	(pc) =	sbr.rel @p1 .LBB2_13-.Ltmp5, $4  }
0x331: {  	v15 =	vld.idx.msk [tilespmem:v16+s19+$0x0], $0xffff;
	[tilespmem:s23+$0x13000] =	vst v9  }
0x332: {  	v14 =	vor.u32 $0x380, v3;
	v3 =	vmov v17;
	v10 =	vld.idx.msk [tilespmem:v20+s19+$0x0], $0xffff;
	[tilespmem:s24+$0x13000] =	vst v19  }
0x333: {  	v16 =	vor.u32 $0x100, v3;
	v9 =	vld.idx.msk [tilespmem:v21+s19+$0x0], $0xffff;
	[tilespmem:s26+$0x13000] =	vst v18  }
0x334: {  	s6 =	sadd.s32 $0x40, s6;
	v17 =	vor.u32 $0x80, v4;
	v8 =	vld.idx.msk [tilespmem:v22+s19+$0x0], $0xffff  }
0x335: {  	v18 =	vor.u32 $0x80, v6  }
0x336: {  	v19 =	vor.u32 $0x80, v5  }
0x337: {  	s6 =	sadd.s32 $0x13000, s10  }
0x338: {  	[tilespmem:s6+$0x10] =	vst v7  }
0x339: {  	[tilespmem:s6+$0x20] =	vst v11;
	v7 =	vld.idx.msk [tilespmem:v17+s19+$0x0], $0xffff  }
0x33a: {  	[tilespmem:s6+$0x30] =	vst v12;
	v12 =	vor.u32 $0x100, v4;
	v11 =	vld.idx.msk [tilespmem:v18+s19+$0x0], $0xffff  }
0x33b: {  	v17 =	vld.idx.msk [tilespmem:v19+s19+$0x0], $0xffff;
	v18 =	vor.u32 $0x100, v6  }
0x33c: {  	v19 =	vor.u32 $0x100, v5  }
0x33d: {  	[tilespmem:s6+$0x80] =	vst v15  }
0x33e: {  	v15 =	vld.idx.msk [tilespmem:v16+s19+$0x0], $0xffff;
	[tilespmem:s6+$0x90] =	vst v7  }
0x33f: {  	v7 =	vor.u32 $0x180, v3;
	v12 =	vld.idx.msk [tilespmem:v12+s19+$0x0], $0xffff;
	[tilespmem:s6+$0xA0] =	vst v11  }
0x340: {  	v16 =	vor.u32 $0x180, v4;
	[tilespmem:s6+$0xB0] =	vst v17;
	v11 =	vld.idx.msk [tilespmem:v18+s19+$0x0], $0xffff  }
0x341: {  	s8 =	sor.u32 $0x300, s20;
	v17 =	vor.u32 $0x180, v6;
	v18 =	vld.idx.msk [tilespmem:v19+s19+$0x0], $0xffff  }
0x342: {  	[tilespmem:s8+$0x13000] =	vst v13;
	v13 =	vor.u32 $0x180, v5  }
0x343: {  	[tilespmem:s6+$0x100] =	vst v15  }
0x344: {  	v7 =	vld.idx.msk [tilespmem:v7+s19+$0x0], $0xffff;
	[tilespmem:s6+$0x110] =	vst v12  }
0x345: {  	v12 =	vor.u32 $0x200, v3;
	v15 =	vld.idx.msk [tilespmem:v16+s19+$0x0], $0xffff;
	[tilespmem:s6+$0x120] =	vst v11  }
0x346: {  	v16 =	vor.u32 $0x200, v4;
	[tilespmem:s6+$0x130] =	vst v18;
	v11 =	vld.idx.msk [tilespmem:v17+s19+$0x0], $0xffff  }
0x347: {  	[tilespmem:s22+$0x13000] =	vst v10;
	v10 =	vld.idx.msk [tilespmem:v13+s19+$0x0], $0xffff;
	v13 =	vor.u32 $0x200, v6  }
0x348: {  	v14 =	vld.idx.msk [tilespmem:v14+s19+$0x0], $0xffff;
	[tilespmem:s21+$0x13000] =	vst v9;
	v9 =	vor.u32 $0x200, v5  }
0x349: {  	v17 =	vor.u32 $0x300, v2;
	[tilespmem:s6+$0x180] =	vst v7  }
0x34a: {  	p0 =	por !p0, !p0;
	s8 =	simm.s32 $0x1;
	v7 =	vor.u32 $0x300, v1;
	v12 =	vld.idx.msk [tilespmem:v12+s19+$0x0], $0xffff;
	[tilespmem:s6+$0x190] =	vst v15  }
0x34b: {  	s3 =	sor.u32 s4, s3;
	s8 =	simm.s32 @!p0 $0x0;
	v15 =	vor.u32 $0x280, v3;
	[tilespmem:s6+$0x1A0] =	vst v11;
	v11 =	vld.idx.msk [tilespmem:v16+s19+$0x0], $0xffff  }
0x34c: {  	s3 =	sor.u32 $0x380, s3;
	s10 =	sshll.u32 s8, $0x6;
	[tilespmem:s6+$0x1B0] =	vst v10;
	v10 =	vor.u32 $0x280, v4;
	v13 =	vld.idx.msk [tilespmem:v13+s19+$0x0], $0xffff  }
0x34d: {  	s4 =	sadd.s32 s10, s7;
	[tilespmem:s3+$0x13000] =	vst v14;
	v14 =	vor.u32 $0x280, v6;
	v9 =	vld.idx.msk [tilespmem:v9+s19+$0x0], $0xffff  }
0x34e: {  	[tilespmem:s15+$0x13000] =	vst v8;
	v8 =	vor.u32 $0x280, v5;
	s11 =	sor.u32 $0x200, s4;
	s15 =	sadd.s32 $0x10, s4;
	v16 =	vld.idx.msk [tilespmem:v17+s19+$0x0], $0xffff  }
0x34f: {  	s18 =	sadd.s32 $0x20, s4;
	s20 =	sor.u32 $0x200, s15;
	v7 =	vld.idx.msk [tilespmem:v7+s19+$0x0], $0xffff;
	v17 =	vor.u32 $0x300, v0;
	[tilespmem:s11+$0x13000] =	vst v12  }
0x350: {  	s21 =	sor.u32 $0x200, s18;
	v2 =	vor.u32 $0x380, v2;
	s11 =	sadd.s32 $0x30, s4;
	v12 =	vld.idx.msk [tilespmem:v15+s19+$0x0], $0xffff;
	[tilespmem:s20+$0x13000] =	vst v11  }
0x351: {  	s22 =	sor.u32 $0x200, s11;
	v11 =	vor.u32 $0x300, v3;
	v10 =	vld.idx.msk [tilespmem:v10+s19+$0x0], $0xffff;
	[tilespmem:s21+$0x13000] =	vst v13  }
0x352: {  	[tilespmem:s22+$0x13000] =	vst v9;
	v9 =	vor.u32 $0x300, v4;
	v13 =	vld.idx.msk [tilespmem:v14+s19+$0x0], $0xffff  }
0x353: {  	[tilespmem:s9+$0x13000] =	vst v16;
	v8 =	vld.idx.msk [tilespmem:v8+s19+$0x0], $0xffff;
	v14 =	vor.u32 $0x300, v6  }
0x354: {  	s23 =	sor.u32 $0x280, s4;
	v15 =	vor.u32 $0x300, v5;
	[tilespmem:s12+$0x13000] =	vst v7;
	v7 =	vld.idx.msk [tilespmem:v17+s19+$0x0], $0xffff  }
0x355: {  	s24 =	sor.u32 $0x280, s15;
	v1 =	vor.u32 $0x380, v1;
	v2 =	vld.idx.msk [tilespmem:v2+s19+$0x0], $0xffff;
	[tilespmem:s23+$0x13000] =	vst v12  }
0x356: {  	s25 =	sor.u32 $0x280, s18;
	v0 =	vor.u32 $0x380, v0;
	v11 =	vld.idx.msk [tilespmem:v11+s19+$0x0], $0xffff;
	[tilespmem:s24+$0x13000] =	vst v10  }
0x357: {  	s26 =	sor.u32 $0x280, s11;
	v3 =	vor.u32 $0x380, v3;
	v9 =	vld.idx.msk [tilespmem:v9+s19+$0x0], $0xffff;
	[tilespmem:s25+$0x13000] =	vst v13  }
0x358: {  	v4 =	vor.u32 $0x380, v4;
	[tilespmem:s26+$0x13000] =	vst v8;
	v10 =	vld.idx.msk [tilespmem:v14+s19+$0x0], $0xffff  }
0x359: {  	v6 =	vor.u32 $0x380, v6;
	[tilespmem:s2+$0x13000] =	vst v7;
	v7 =	vld.idx.msk [tilespmem:v15+s19+$0x0], $0xffff  }
0x35a: {  	s28 =	sor.u32 $0x300, s4;
	v1 =	vld.idx.msk [tilespmem:v1+s19+$0x0], $0xffff;
	[tilespmem:s16+$0x13000] =	vst v2;
	v2 =	vor.u32 $0x380, v5  }
0x35b: {  	s29 =	sor.u32 $0x300, s15;
	v0 =	vld.idx.msk [tilespmem:v0+s19+$0x0], $0xffff;
	[tilespmem:s28+$0x13000] =	vst v11  }
0x35c: {  	s30 =	sor.u32 $0x300, s18;
	v3 =	vld.idx.msk [tilespmem:v3+s19+$0x0], $0xffff;
	[tilespmem:s29+$0x13000] =	vst v9  }
0x35d: {  	s6 =	sor.u32 $0x300, s11;
	[tilespmem:s30+$0x13000] =	vst v10;
	v4 =	vld.idx.msk [tilespmem:v4+s19+$0x0], $0xffff  }
0x35e: {  	[tilespmem:s6+$0x13000] =	vst v7;
	v5 =	vld.idx.msk [tilespmem:v6+s19+$0x0], $0xffff  }
0x35f: {  	s1 =	sor.u32 s7, s1;
	[tilespmem:s13+$0x13000] =	vst v1;
	v1 =	vld.idx.msk [tilespmem:v2+s19+$0x0], $0xffff  }
0x360: {  	s1 =	sor.u32 $0x380, s1;
	[tilespmem:s14+$0x13000] =	vst v0  }
0x361: {  	s7 =	sor.u32 $0x380, s15;
	[tilespmem:s1+$0x13000] =	vst v3  }
0x362: {  	s8 =	sor.u32 $0x380, s18;
	[tilespmem:s7+$0x13000] =	vst v4  }
0x363: {  	s10 =	rddreg [dreg:$0x2];
	s3 =	simm.s32 $0x0;
	s9 =	sor.u32 $0x380, s11;
	[tilespmem:s8+$0x13000] =	vst v5  }
0x364: {  	s11 =	simm.s32 $0x11000;
	s12 =	simm.s32 $0x5;
	s1 =	sadd.s32 s10, s0;
	[tilespmem:s9+$0x13000] =	vst v1  }
0x365: {  	[hbm4b:s1+s3] =	stream.linear.scatter [tilespmem:s11], [sflag:$0x3], $0x2000, $0x38;
	[tilespmem:$0x19000] =	vst v63  }
0x366: {  	_ =	swait.ge [sflag:s12], $0x2000  }
0x367: {  	[sflag:s12] =	ssyncset.done $0x0  }
0x368: {  	s13 =	sand.u32 $0x3C0, s3;
	[sflag:s12] =	ssyncadd.s32 $0xFFFFE000  }
0x369: {  	v0 =	vld [tilespmem:s13+$0x800];
	_ =	sdelay $0x4  }
0x36a: {  	s14 =	simm.s32 $0x830;
	v1 =	vshll.u32 v0, $0x3  }
0x36b: {  	v2 =	vld [tilespmem:s14+$0xFFFFFFE0];
	v0 =	vand.u32 $0x7F, v0;
	v1 =	vand.u32 $0xFFFFFC00, v1  }
0x36c: {  	v8 =	vor.u32 v0, v1  }
0x36d: {  	v0 =	vld [tilespmem:s14+$0xFFFFFFF0]  }
0x36e: {  	v3 =	vld [tilespmem:s14+$0x0];
	_ =	sdelay $0x1  }
0x36f: {  	v1 =	vshll.u32 v2, $0x3  }
0x370: {  	v2 =	vand.u32 $0x7F, v2;
	v1 =	vand.u32 $0xFFFFFC00, v1;
	v4 =	vld.idx.msk [tilespmem:v8+s19+$0x0], $0xffff  }
0x371: {  	v5 =	vor.u32 $0x80, v8;
	v2 =	vor.u32 v2, v1;
	v1 =	vshll.u32 v0, $0x3  }
0x372: {  	v6 =	vshll.u32 v3, $0x3;
	v0 =	vand.u32 $0x7F, v0;
	v1 =	vand.u32 $0xFFFFFC00, v1  }
0x373: {  	s15 =	sand.u32 $0x40, s3;
	s16 =	sand.u32 $0x1C00, s3;
	v1 =	vor.u32 v0, v1;
	v0 =	vand.u32 $0x7F, v3;
	v3 =	vand.u32 $0xFFFFFC00, v6  }
0x374: {  	s1 =	sor.u32 s15, s16;
	v0 =	vor.u32 v0, v3  }
0x375: {  	[tilespmem:s1+$0x15000] =	vst v4  }
0x376: {  	v3 =	vld.idx.msk [tilespmem:v5+s19+$0x0], $0xffff  }
0x377: {  	v4 =	vor.u32 $0x100, v8;
	v5 =	vld.idx.msk [tilespmem:v2+s19+$0x0], $0xffff  }
0x378: {  	v7 =	vor.u32 $0x80, v2;
	v6 =	vld.idx.msk [tilespmem:v1+s19+$0x0], $0xffff  }
0x379: {  	v10 =	vor.u32 $0x80, v1;
	v9 =	vld.idx.msk [tilespmem:v0+s19+$0x0], $0xffff  }
0x37a: {  	s2 =	sadd.s32 $0x15000, s1;
	v11 =	vor.u32 $0x80, v0  }
0x37b: {  	[tilespmem:s2+$0x80] =	vst v3  }
0x37c: {  	[tilespmem:s2+$0x10] =	vst v5;
	v3 =	vld.idx.msk [tilespmem:v4+s19+$0x0], $0xffff  }
0x37d: {  	v5 =	vor.u32 $0x180, v8;
	v7 =	vld.idx.msk [tilespmem:v7+s19+$0x0], $0xffff;
	[tilespmem:s2+$0x20] =	vst v6  }
0x37e: {  	v6 =	vld.idx.msk [tilespmem:v10+s19+$0x0], $0xffff;
	[tilespmem:s2+$0x30] =	vst v9;
	v9 =	vor.u32 $0x100, v2  }
0x37f: {  	s18 =	simm.s32 $0x870;
	v10 =	vld.idx.msk [tilespmem:v11+s19+$0x0], $0xffff  }
0x380: {  	v12 =	vld [tilespmem:s18+$0xFFFFFFF0];
	v11 =	vor.u32 $0x100, v1  }
0x381: {  	v4 =	vld [tilespmem:s18+$0xFFFFFFE0];
	[tilespmem:s2+$0x100] =	vst v3;
	v3 =	vor.u32 $0x100, v0  }
0x382: {  	s1 =	simm.s32 $0x40;
	[tilespmem:s2+$0x90] =	vst v7;
	v5 =	vld.idx.msk [tilespmem:v5+s19+$0x0], $0xffff  }
0x383: {  	s20 =	sand.u32 $0x3C0, s1;
	v7 =	vor.u32 $0x200, v8;
	v9 =	vld.idx.msk [tilespmem:v9+s19+$0x0], $0xffff;
	[tilespmem:s2+$0xA0] =	vst v6  }
0x384: {  	v13 =	vld [tilespmem:s20+$0x800];
	[tilespmem:s2+$0xB0] =	vst v10;
	v10 =	vor.u32 $0x180, v2  }
0x385: {  	v6 =	vld.idx.msk [tilespmem:v11+s19+$0x0], $0xffff  }
0x386: {  	v11 =	vor.u32 $0x180, v1;
	v14 =	vld.idx.msk [tilespmem:v3+s19+$0x0], $0xffff;
	v3 =	vshll.u32 v4, $0x3  }
0x387: {  	v15 =	vld [tilespmem:s18+$0x0];
	v4 =	vand.u32 $0x7F, v4;
	[tilespmem:s2+$0x180] =	vst v5;
	v5 =	vor.u32 $0x180, v0;
	v3 =	vand.u32 $0xFFFFFC00, v3  }
0x388: {  	p0 =	por $0x0, $0x0;
	s4 =	simm.s32 $0x1;
	[tilespmem:s2+$0x110] =	vst v9;
	v16 =	vld.idx.msk [tilespmem:v7+s19+$0x0], $0xffff;
	v4 =	vor.u32 v4, v3  }
0x389: {  	s4 =	simm.s32 @!p0 $0x0;
	v9 =	vor.u32 $0x280, v8;
	v7 =	vshll.u32 v13, $0x3;
	v10 =	vld.idx.msk [tilespmem:v10+s19+$0x0], $0xffff  }
0x38a: {  	s4 =	sshll.u32 s4, $0x6;
	v3 =	vand.u32 $0x7F, v13;
	[tilespmem:s2+$0x120] =	vst v6;
	v13 =	vor.u32 $0x200, v2;
	v7 =	vand.u32 $0xFFFFFC00, v7  }
0x38b: {  	s20 =	sadd.s32 $0x0, s4;
	v11 =	vld.idx.msk [tilespmem:v11+s19+$0x0], $0xffff;
	v3 =	vor.u32 v3, v7;
	[tilespmem:s2+$0x130] =	vst v14  }
0x38c: {  	s4 =	sor.u32 $0x200, s20;
	v6 =	vshll.u32 v12, $0x3;
	v14 =	vld.idx.msk [tilespmem:v5+s19+$0x0], $0xffff;
	v5 =	vand.u32 $0x7F, v12;
	v12 =	vor.u32 $0x200, v1  }
0x38d: {  	v17 =	vshll.u32 v15, $0x3;
	v6 =	vand.u32 $0xFFFFFC00, v6;
	v7 =	vld.idx.msk [tilespmem:v4+s19+$0x0], $0xffff;
	[tilespmem:s4+$0x15000] =	vst v16;
	v16 =	vor.u32 $0x200, v0  }
0x38e: {  	v6 =	vor.u32 v5, v6;
	v5 =	vand.u32 $0x7F, v15;
	v15 =	vand.u32 $0xFFFFFC00, v17;
	[tilespmem:s2+$0x190] =	vst v10;
	v9 =	vld.idx.msk [tilespmem:v9+s19+$0x0], $0xffff  }
0x38f: {  	v5 =	vor.u32 v5, v15;
	v17 =	vld.idx.msk [tilespmem:v13+s19+$0x0], $0xffff  }
0x390: {  	[tilespmem:s2+$0x1A0] =	vst v11;
	v15 =	vor.u32 $0x300, v8;
	v10 =	vld.idx.msk [tilespmem:v3+s19+$0x0], $0xffff  }
0x391: {  	v18 =	vor.u32 $0x80, v3;
	v19 =	vld.idx.msk [tilespmem:v12+s19+$0x0], $0xffff;
	[tilespmem:s2+$0x1B0] =	vst v14  }
0x392: {  	s6 =	simm.s32 $0x8B0;
	s7 =	simm.s32 $0x200;
	v14 =	vor.u32 $0x280, v2;
	v16 =	vld.idx.msk [tilespmem:v16+s19+$0x0], $0xffff  }
0x393: {  	s22 =	sand.u32 $0x1C00, s7;
	v20 =	vor.u32 $0x280, v1;
	s21 =	sand.u32 $0x40, s1;
	s23 =	sor.u32 $0x280, s20;
	v11 =	vld.idx.msk [tilespmem:v6+s19+$0x0], $0xffff  }
0x394: {  	s8 =	simm.s32 $0x4;
	v21 =	vor.u32 $0x280, v0;
	s10 =	sor.u32 s21, s22;
	s24 =	sadd.s32 $0x10, s20;
	v12 =	vld.idx.msk [tilespmem:v5+s19+$0x0], $0xffff;
	[tilespmem:s23+$0x15000] =	vst v9  }
0x395: {  	s25 =	sadd.s32 $0x20, s20;
	s29 =	sadd.s32 $0x30, s20;
	s26 =	sor.u32 $0x200, s24;
	[tilespmem:s10+$0x15000] =	vst v10;
	v13 =	vld.idx.msk [tilespmem:v15+s19+$0x0], $0xffff  }
0x396: {  	s28 =	sor.u32 $0x200, s25;
	s22 =	sor.u32 $0x280, s24;
	s21 =	sor.u32 $0x280, s25;
	[tilespmem:s26+$0x15000] =	vst v17;
	v15 =	vld.idx.msk [tilespmem:v18+s19+$0x0], $0xffff  }
0x397: {  	s30 =	sor.u32 $0x200, s29;
	s9 =	sor.u32 $0x300, s24;
	s12 =	sor.u32 $0x300, s25;
	v10 =	vld.idx.msk [tilespmem:v14+s19+$0x0], $0xffff;
	[tilespmem:s28+$0x15000] =	vst v19;
	v14 =	vor.u32 $0x380, v8  }
0x398: {  	s15 =	sor.u32 $0x280, s29;
	s16 =	sor.u32 $0x380, s24;
	s13 =	sor.u32 $0x380, s25;
	v9 =	vld.idx.msk [tilespmem:v20+s19+$0x0], $0xffff;
	[tilespmem:s30+$0x15000] =	vst v16;
	v16 =	vor.u32 $0x100, v3  }
0x399: {  	s14 =	sor.u32 $0x380, s29;
	s4 =	simm.s32 $0x0;
	s2 =	sor.u32 $0x300, s29;
	v17 =	vor.u32 $0x80, v4;
	v8 =	vld.idx.msk [tilespmem:v21+s19+$0x0], $0xffff  }
.LBB2_15:
0x39a: {  	v18 =	vld [tilespmem:s6+$0xFFFFFFE0];
	v19 =	vor.u32 $0x80, v6;
	s11 =	sor.u32 $0x300, s20  }
0x39b: {  	s18 =	sadd.s32 $0x15000, s10;
	v21 =	vor.u32 $0x80, v5;
	v20 =	vld [tilespmem:s6+$0xFFFFFFF0];
	[tilespmem:s11+$0x15000] =	vst v13  }
0x39c: {  	[tilespmem:s18+$0x80] =	vst v15;
	v13 =	vld.idx.msk [tilespmem:v14+s19+$0x0], $0xffff;
	v14 =	vor.u32 $0x300, v2  }
0x39d: {  	v15 =	vld.idx.msk [tilespmem:v16+s19+$0x0], $0xffff;
	[tilespmem:s18+$0x10] =	vst v7;
	v7 =	vor.u32 $0x300, v1  }
0x39e: {  	v16 =	vld.idx.msk [tilespmem:v17+s19+$0x0], $0xffff;
	[tilespmem:s18+$0x20] =	vst v11  }
0x39f: {  	v11 =	vor.u32 $0x180, v3;
	v17 =	vld.idx.msk [tilespmem:v19+s19+$0x0], $0xffff;
	[tilespmem:s18+$0x30] =	vst v12  }
0x3a0: {  	s10 =	sor.u32 s4, s3;
	s3 =	smov.u32 s1;
	s4 =	smov.u32 s7;
	v12 =	vor.u32 $0x100, v4;
	v19 =	vld.idx.msk [tilespmem:v21+s19+$0x0], $0xffff;
	[tilespmem:s22+$0x15000] =	vst v10  }
0x3a1: {  	s10 =	sor.u32 $0x380, s10;
	v10 =	vor.u32 $0x100, v6;
	v14 =	vld.idx.msk [tilespmem:v14+s19+$0x0], $0xffff;
	[tilespmem:s21+$0x15000] =	vst v9  }
0x3a2: {  	[tilespmem:s10+$0x15000] =	vst v13;
	v7 =	vld.idx.msk [tilespmem:v7+s19+$0x0], $0xffff  }
0x3a3: {  	v13 =	vor.u32 $0x100, v5;
	v9 =	vld [tilespmem:s6+$0x0];
	[tilespmem:s18+$0x100] =	vst v15  }
0x3a4: {  	v15 =	vor.u32 $0x300, v0;
	v11 =	vld.idx.msk [tilespmem:v11+s19+$0x0], $0xffff;
	[tilespmem:s18+$0x90] =	vst v16  }
0x3a5: {  	s1 =	sadd.s32 $0x40, s1;
	v16 =	vor.u32 $0x380, v2;
	v2 =	vmov v4;
	v12 =	vld.idx.msk [tilespmem:v12+s19+$0x0], $0xffff;
	[tilespmem:s18+$0xA0] =	vst v17  }
0x3a6: {  	s8 =	sadd.s32 $0x4, s8;
	s10 =	sand.u32 $0x3C0, s1;
	v4 =	vor.u32 $0x200, v3;
	v10 =	vld.idx.msk [tilespmem:v10+s19+$0x0], $0xffff;
	[tilespmem:s18+$0xB0] =	vst v19  }
0x3a7: {  	p1 =	slt.u32 s8, $0x3C;
	v19 =	vor.u32 $0x180, v2;
	v17 =	vld [tilespmem:s10+$0x800];
	[tilespmem:s15+$0x15000] =	vst v8  }
0x3a8: {  	v8 =	vor.u32 $0x180, v6;
	v13 =	vld.idx.msk [tilespmem:v13+s19+$0x0], $0xffff;
	[tilespmem:s9+$0x15000] =	vst v14  }
0x3a9: {  	[tilespmem:s12+$0x15000] =	vst v7;
	v7 =	vor.u32 $0x380, v1;
	v14 =	vld.idx.msk [tilespmem:v15+s19+$0x0], $0xffff;
	v1 =	vmov v6  }
0x3aa: {  	v6 =	vshll.u32 v18, $0x3;
	[tilespmem:s18+$0x180] =	vst v11;
	v11 =	vor.u32 $0x180, v5;
	v15 =	vld.idx.msk [tilespmem:v16+s19+$0x0], $0xffff  }
0x3ab: {  	v16 =	vand.u32 $0x7F, v18;
	v6 =	vand.u32 $0xFFFFFC00, v6;
	v18 =	vld.idx.msk [tilespmem:v4+s19+$0x0], $0xffff;
	[tilespmem:s18+$0x110] =	vst v12;
	v12 =	vor.u32 $0x380, v0;
	v0 =	vmovc v5  }
0x3ac: {  	p0 =	por !p0, !p0;
	s9 =	simm.s32 $0x1;
	v4 =	vor.u32 v16, v6;
	v5 =	vshll.u32 v17, $0x3;
	v16 =	vld.idx.msk [tilespmem:v19+s19+$0x0], $0xffff;
	[tilespmem:s18+$0x120] =	vst v10  }
0x3ad: {  	s9 =	simm.s32 @!p0 $0x0;
	v6 =	vand.u32 $0x7F, v17;
	v10 =	vor.u32 $0x280, v3;
	v5 =	vand.u32 $0xFFFFFC00, v5;
	v8 =	vld.idx.msk [tilespmem:v8+s19+$0x0], $0xffff  }
0x3ae: {  	s9 =	sshll.u32 s9, $0x6;
	v17 =	vor.u32 v6, v5;
	[tilespmem:s18+$0x130] =	vst v13;
	v13 =	vld.idx.msk [tilespmem:v7+s19+$0x0], $0xffff  }
0x3af: {  	s20 =	sadd.s32 s9, s7;
	v19 =	vor.u32 $0x200, v2;
	v11 =	vld.idx.msk [tilespmem:v11+s19+$0x0], $0xffff;
	[tilespmem:s2+$0x15000] =	vst v14  }
0x3b0: {  	s10 =	sadd.s32 $0x10, s20;
	s11 =	sadd.s32 $0x20, s20;
	v5 =	vand.u32 $0x7F, v20;
	v6 =	vshll.u32 v20, $0x3;
	s2 =	sor.u32 $0x200, s20;
	v14 =	vor.u32 $0x200, v1;
	[tilespmem:s16+$0x15000] =	vst v15;
	v12 =	vld.idx.msk [tilespmem:v12+s19+$0x0], $0xffff  }
0x3b1: {  	s25 =	sadd.s32 $0x30, s20;
	s23 =	sor.u32 $0x200, s10;
	s24 =	sor.u32 $0x200, s11;
	v6 =	vand.u32 $0xFFFFFC00, v6;
	v15 =	vshll.u32 v9, $0x3;
	v7 =	vld.idx.msk [tilespmem:v4+s19+$0x0], $0xffff;
	[tilespmem:s2+$0x15000] =	vst v18;
	v18 =	vor.u32 $0x200, v0  }
0x3b2: {  	s22 =	sor.u32 $0x280, s10;
	s21 =	sor.u32 $0x280, s11;
	s26 =	sor.u32 $0x200, s25;
	v6 =	vor.u32 v5, v6;
	v5 =	vand.u32 $0x7F, v9;
	v9 =	vand.u32 $0xFFFFFC00, v15;
	v10 =	vld.idx.msk [tilespmem:v10+s19+$0x0], $0xffff;
	[tilespmem:s18+$0x190] =	vst v16  }
0x3b3: {  	s9 =	sor.u32 $0x300, s10;
	s12 =	sor.u32 $0x300, s11;
	s15 =	sor.u32 $0x280, s25;
	v5 =	vor.u32 v5, v9;
	v15 =	vld.idx.msk [tilespmem:v17+s19+$0x0], $0xffff;
	[tilespmem:s18+$0x1A0] =	vst v8  }
0x3b4: {  	s16 =	sor.u32 $0x380, s10;
	s2 =	sor.u32 $0x300, s25;
	v8 =	vor.u32 $0x300, v3;
	v9 =	vld.idx.msk [tilespmem:v19+s19+$0x0], $0xffff;
	[tilespmem:s13+$0x15000] =	vst v13;
	s13 =	sor.u32 $0x380, s11  }
0x3b5: {  	s10 =	sor.u32 $0x380, s25;
	v16 =	vor.u32 $0x80, v17;
	v19 =	vld.idx.msk [tilespmem:v14+s19+$0x0], $0xffff;
	[tilespmem:s18+$0x1B0] =	vst v11  }
0x3b6: {  	s7 =	sadd.s32 $0x200, s7;
	v20 =	vor.u32 $0x280, v2;
	v18 =	vld.idx.msk [tilespmem:v18+s19+$0x0], $0xffff;
	[tilespmem:s14+$0x15000] =	vst v12;
	s14 =	smov.u32 s10  }
0x3b7: {  	v21 =	vor.u32 $0x280, v1;
	s11 =	sand.u32 $0x1C00, s7;
	s18 =	sor.u32 $0x280, s20;
	s10 =	sand.u32 $0x40, s1;
	v11 =	vld.idx.msk [tilespmem:v6+s19+$0x0], $0xffff  }
0x3b8: {  	v22 =	vor.u32 $0x280, v0;
	s10 =	sor.u32 s10, s11;
	v12 =	vld.idx.msk [tilespmem:v5+s19+$0x0], $0xffff;
	[tilespmem:s18+$0x15000] =	vst v10  }
.Ltmp6:
0x3b9: {  	[tilespmem:s10+$0x15000] =	vst v15;
	v13 =	vld.idx.msk [tilespmem:v8+s19+$0x0], $0xffff;
	(pc) =	sbr.rel @p1 .LBB2_15-.Ltmp6, $4  }
0x3ba: {  	v15 =	vld.idx.msk [tilespmem:v16+s19+$0x0], $0xffff;
	[tilespmem:s23+$0x15000] =	vst v9  }
0x3bb: {  	v14 =	vor.u32 $0x380, v3;
	v3 =	vmov v17;
	v10 =	vld.idx.msk [tilespmem:v20+s19+$0x0], $0xffff;
	[tilespmem:s24+$0x15000] =	vst v19  }
0x3bc: {  	v16 =	vor.u32 $0x100, v3;
	v9 =	vld.idx.msk [tilespmem:v21+s19+$0x0], $0xffff;
	[tilespmem:s26+$0x15000] =	vst v18  }
0x3bd: {  	s6 =	sadd.s32 $0x40, s6;
	v17 =	vor.u32 $0x80, v4;
	v8 =	vld.idx.msk [tilespmem:v22+s19+$0x0], $0xffff  }
0x3be: {  	v18 =	vor.u32 $0x80, v6  }
0x3bf: {  	v19 =	vor.u32 $0x80, v5  }
0x3c0: {  	s6 =	sadd.s32 $0x15000, s10  }
0x3c1: {  	[tilespmem:s6+$0x10] =	vst v7  }
0x3c2: {  	[tilespmem:s6+$0x20] =	vst v11;
	v7 =	vld.idx.msk [tilespmem:v17+s19+$0x0], $0xffff  }
0x3c3: {  	[tilespmem:s6+$0x30] =	vst v12;
	v12 =	vor.u32 $0x100, v4;
	v11 =	vld.idx.msk [tilespmem:v18+s19+$0x0], $0xffff  }
0x3c4: {  	v17 =	vld.idx.msk [tilespmem:v19+s19+$0x0], $0xffff;
	v18 =	vor.u32 $0x100, v6  }
0x3c5: {  	v19 =	vor.u32 $0x100, v5  }
0x3c6: {  	[tilespmem:s6+$0x80] =	vst v15  }
0x3c7: {  	v15 =	vld.idx.msk [tilespmem:v16+s19+$0x0], $0xffff;
	[tilespmem:s6+$0x90] =	vst v7  }
0x3c8: {  	v7 =	vor.u32 $0x180, v3;
	v12 =	vld.idx.msk [tilespmem:v12+s19+$0x0], $0xffff;
	[tilespmem:s6+$0xA0] =	vst v11  }
0x3c9: {  	v16 =	vor.u32 $0x180, v4;
	[tilespmem:s6+$0xB0] =	vst v17;
	v11 =	vld.idx.msk [tilespmem:v18+s19+$0x0], $0xffff  }
0x3ca: {  	s8 =	sor.u32 $0x300, s20;
	v17 =	vor.u32 $0x180, v6;
	v18 =	vld.idx.msk [tilespmem:v19+s19+$0x0], $0xffff  }
0x3cb: {  	[tilespmem:s8+$0x15000] =	vst v13;
	v13 =	vor.u32 $0x180, v5  }
0x3cc: {  	[tilespmem:s6+$0x100] =	vst v15  }
0x3cd: {  	v7 =	vld.idx.msk [tilespmem:v7+s19+$0x0], $0xffff;
	[tilespmem:s6+$0x110] =	vst v12  }
0x3ce: {  	v12 =	vor.u32 $0x200, v3;
	v15 =	vld.idx.msk [tilespmem:v16+s19+$0x0], $0xffff;
	[tilespmem:s6+$0x120] =	vst v11  }
0x3cf: {  	v16 =	vor.u32 $0x200, v4;
	[tilespmem:s6+$0x130] =	vst v18;
	v11 =	vld.idx.msk [tilespmem:v17+s19+$0x0], $0xffff  }
0x3d0: {  	[tilespmem:s22+$0x15000] =	vst v10;
	v10 =	vld.idx.msk [tilespmem:v13+s19+$0x0], $0xffff;
	v13 =	vor.u32 $0x200, v6  }
0x3d1: {  	v14 =	vld.idx.msk [tilespmem:v14+s19+$0x0], $0xffff;
	[tilespmem:s21+$0x15000] =	vst v9;
	v9 =	vor.u32 $0x200, v5  }
0x3d2: {  	v17 =	vor.u32 $0x300, v2;
	[tilespmem:s6+$0x180] =	vst v7  }
0x3d3: {  	p0 =	por !p0, !p0;
	s8 =	simm.s32 $0x1;
	v7 =	vor.u32 $0x300, v1;
	v12 =	vld.idx.msk [tilespmem:v12+s19+$0x0], $0xffff;
	[tilespmem:s6+$0x190] =	vst v15  }
0x3d4: {  	s3 =	sor.u32 s4, s3;
	s8 =	simm.s32 @!p0 $0x0;
	v15 =	vor.u32 $0x280, v3;
	[tilespmem:s6+$0x1A0] =	vst v11;
	v11 =	vld.idx.msk [tilespmem:v16+s19+$0x0], $0xffff  }
0x3d5: {  	s3 =	sor.u32 $0x380, s3;
	s10 =	sshll.u32 s8, $0x6;
	[tilespmem:s6+$0x1B0] =	vst v10;
	v10 =	vor.u32 $0x280, v4;
	v13 =	vld.idx.msk [tilespmem:v13+s19+$0x0], $0xffff  }
0x3d6: {  	s4 =	sadd.s32 s10, s7;
	[tilespmem:s3+$0x15000] =	vst v14;
	v14 =	vor.u32 $0x280, v6;
	v9 =	vld.idx.msk [tilespmem:v9+s19+$0x0], $0xffff  }
0x3d7: {  	[tilespmem:s15+$0x15000] =	vst v8;
	v8 =	vor.u32 $0x280, v5;
	s11 =	sor.u32 $0x200, s4;
	s15 =	sadd.s32 $0x10, s4;
	v16 =	vld.idx.msk [tilespmem:v17+s19+$0x0], $0xffff  }
0x3d8: {  	s18 =	sadd.s32 $0x20, s4;
	s20 =	sor.u32 $0x200, s15;
	v7 =	vld.idx.msk [tilespmem:v7+s19+$0x0], $0xffff;
	v17 =	vor.u32 $0x300, v0;
	[tilespmem:s11+$0x15000] =	vst v12  }
0x3d9: {  	s21 =	sor.u32 $0x200, s18;
	v2 =	vor.u32 $0x380, v2;
	s11 =	sadd.s32 $0x30, s4;
	v12 =	vld.idx.msk [tilespmem:v15+s19+$0x0], $0xffff;
	[tilespmem:s20+$0x15000] =	vst v11  }
0x3da: {  	s22 =	sor.u32 $0x200, s11;
	v11 =	vor.u32 $0x300, v3;
	v10 =	vld.idx.msk [tilespmem:v10+s19+$0x0], $0xffff;
	[tilespmem:s21+$0x15000] =	vst v13  }
0x3db: {  	[tilespmem:s22+$0x15000] =	vst v9;
	v9 =	vor.u32 $0x300, v4;
	v13 =	vld.idx.msk [tilespmem:v14+s19+$0x0], $0xffff  }
0x3dc: {  	[tilespmem:s9+$0x15000] =	vst v16;
	v8 =	vld.idx.msk [tilespmem:v8+s19+$0x0], $0xffff;
	v14 =	vor.u32 $0x300, v6  }
0x3dd: {  	s23 =	sor.u32 $0x280, s4;
	v15 =	vor.u32 $0x300, v5;
	[tilespmem:s12+$0x15000] =	vst v7;
	v7 =	vld.idx.msk [tilespmem:v17+s19+$0x0], $0xffff  }
0x3de: {  	s24 =	sor.u32 $0x280, s15;
	v1 =	vor.u32 $0x380, v1;
	v2 =	vld.idx.msk [tilespmem:v2+s19+$0x0], $0xffff;
	[tilespmem:s23+$0x15000] =	vst v12  }
0x3df: {  	s25 =	sor.u32 $0x280, s18;
	v0 =	vor.u32 $0x380, v0;
	v11 =	vld.idx.msk [tilespmem:v11+s19+$0x0], $0xffff;
	[tilespmem:s24+$0x15000] =	vst v10  }
0x3e0: {  	s26 =	sor.u32 $0x280, s11;
	v3 =	vor.u32 $0x380, v3;
	v9 =	vld.idx.msk [tilespmem:v9+s19+$0x0], $0xffff;
	[tilespmem:s25+$0x15000] =	vst v13  }
0x3e1: {  	v4 =	vor.u32 $0x380, v4;
	[tilespmem:s26+$0x15000] =	vst v8;
	v10 =	vld.idx.msk [tilespmem:v14+s19+$0x0], $0xffff  }
0x3e2: {  	v6 =	vor.u32 $0x380, v6;
	[tilespmem:s2+$0x15000] =	vst v7;
	v7 =	vld.idx.msk [tilespmem:v15+s19+$0x0], $0xffff  }
0x3e3: {  	s28 =	sor.u32 $0x300, s4;
	v1 =	vld.idx.msk [tilespmem:v1+s19+$0x0], $0xffff;
	[tilespmem:s16+$0x15000] =	vst v2;
	v2 =	vor.u32 $0x380, v5  }
0x3e4: {  	s29 =	sor.u32 $0x300, s15;
	v0 =	vld.idx.msk [tilespmem:v0+s19+$0x0], $0xffff;
	[tilespmem:s28+$0x15000] =	vst v11  }
0x3e5: {  	s30 =	sor.u32 $0x300, s18;
	v3 =	vld.idx.msk [tilespmem:v3+s19+$0x0], $0xffff;
	[tilespmem:s29+$0x15000] =	vst v9  }
0x3e6: {  	s6 =	sor.u32 $0x300, s11;
	[tilespmem:s30+$0x15000] =	vst v10;
	v4 =	vld.idx.msk [tilespmem:v4+s19+$0x0], $0xffff  }
0x3e7: {  	[tilespmem:s6+$0x15000] =	vst v7;
	v5 =	vld.idx.msk [tilespmem:v6+s19+$0x0], $0xffff  }
0x3e8: {  	s1 =	sor.u32 s7, s1;
	[tilespmem:s13+$0x15000] =	vst v1;
	v1 =	vld.idx.msk [tilespmem:v2+s19+$0x0], $0xffff  }
0x3e9: {  	s1 =	sor.u32 $0x380, s1;
	[tilespmem:s14+$0x15000] =	vst v0  }
0x3ea: {  	s7 =	sor.u32 $0x380, s15;
	[tilespmem:s1+$0x15000] =	vst v3  }
0x3eb: {  	s9 =	sor.u32 $0x380, s18;
	[tilespmem:s7+$0x15000] =	vst v4  }
0x3ec: {  	s10 =	sor.u32 $0x380, s11;
	[tilespmem:s9+$0x15000] =	vst v5  }
0x3ed: {  	[tilespmem:s10+$0x15000] =	vst v1  }
0x3ee: {  	s3 =	simm.s32 $0x0;
	s1 =	rddreg [dreg:$0x8]  }
0x3ef: {  	s11 =	simm.s32 $0x13000;
	s12 =	simm.s32 $0x6;
	s1 =	sadd.s32 s0, s1  }
0x3f0: {  	[hbm4b:s1+s3] =	stream.linear.scatter [tilespmem:s11], [sflag:$0x4], $0x2000, $0x38;
	[tilespmem:$0x19000] =	vst v63  }
0x3f1: {  	_ =	swait.ge [sflag:s12], $0x2000  }
0x3f2: {  	[sflag:s12] =	ssyncset.done $0x0  }
0x3f3: {  	s13 =	sand.u32 $0x3C0, s3;
	[sflag:s12] =	ssyncadd.s32 $0xFFFFE000  }
0x3f4: {  	v0 =	vld [tilespmem:s13+$0xC00];
	_ =	sdelay $0x4  }
0x3f5: {  	s14 =	simm.s32 $0xC30;
	v1 =	vshll.u32 v0, $0x3  }
0x3f6: {  	v2 =	vld [tilespmem:s14+$0xFFFFFFE0];
	v0 =	vand.u32 $0x7F, v0;
	v1 =	vand.u32 $0xFFFFFC00, v1  }
0x3f7: {  	v8 =	vor.u32 v0, v1  }
0x3f8: {  	v0 =	vld [tilespmem:s14+$0xFFFFFFF0]  }
0x3f9: {  	v3 =	vld [tilespmem:s14+$0x0];
	_ =	sdelay $0x1  }
0x3fa: {  	v1 =	vshll.u32 v2, $0x3  }
0x3fb: {  	v2 =	vand.u32 $0x7F, v2;
	v1 =	vand.u32 $0xFFFFFC00, v1;
	v4 =	vld.idx.msk [tilespmem:v8+s19+$0x0], $0xffff  }
0x3fc: {  	v5 =	vor.u32 $0x80, v8;
	v2 =	vor.u32 v2, v1;
	v1 =	vshll.u32 v0, $0x3  }
0x3fd: {  	v6 =	vshll.u32 v3, $0x3;
	v0 =	vand.u32 $0x7F, v0;
	v1 =	vand.u32 $0xFFFFFC00, v1  }
0x3fe: {  	s15 =	sand.u32 $0x40, s3;
	s16 =	sand.u32 $0x1C00, s3;
	v1 =	vor.u32 v0, v1;
	v0 =	vand.u32 $0x7F, v3;
	v3 =	vand.u32 $0xFFFFFC00, v6  }
0x3ff: {  	s1 =	sor.u32 s15, s16;
	v0 =	vor.u32 v0, v3  }
0x400: {  	[tilespmem:s1+$0x17000] =	vst v4  }
0x401: {  	v3 =	vld.idx.msk [tilespmem:v5+s19+$0x0], $0xffff  }
0x402: {  	v4 =	vor.u32 $0x100, v8;
	v5 =	vld.idx.msk [tilespmem:v2+s19+$0x0], $0xffff  }
0x403: {  	v7 =	vor.u32 $0x80, v2;
	v6 =	vld.idx.msk [tilespmem:v1+s19+$0x0], $0xffff  }
0x404: {  	v10 =	vor.u32 $0x80, v1;
	v9 =	vld.idx.msk [tilespmem:v0+s19+$0x0], $0xffff  }
0x405: {  	s2 =	sadd.s32 $0x17000, s1;
	v11 =	vor.u32 $0x80, v0  }
0x406: {  	[tilespmem:s2+$0x80] =	vst v3  }
0x407: {  	[tilespmem:s2+$0x10] =	vst v5;
	v3 =	vld.idx.msk [tilespmem:v4+s19+$0x0], $0xffff  }
0x408: {  	v5 =	vor.u32 $0x180, v8;
	v7 =	vld.idx.msk [tilespmem:v7+s19+$0x0], $0xffff;
	[tilespmem:s2+$0x20] =	vst v6  }
0x409: {  	v6 =	vld.idx.msk [tilespmem:v10+s19+$0x0], $0xffff;
	[tilespmem:s2+$0x30] =	vst v9;
	v9 =	vor.u32 $0x100, v2  }
0x40a: {  	s18 =	simm.s32 $0xC70;
	v10 =	vld.idx.msk [tilespmem:v11+s19+$0x0], $0xffff  }
0x40b: {  	v12 =	vld [tilespmem:s18+$0xFFFFFFF0];
	v11 =	vor.u32 $0x100, v1  }
0x40c: {  	v4 =	vld [tilespmem:s18+$0xFFFFFFE0];
	[tilespmem:s2+$0x100] =	vst v3;
	v3 =	vor.u32 $0x100, v0  }
0x40d: {  	s1 =	simm.s32 $0x40;
	[tilespmem:s2+$0x90] =	vst v7;
	v5 =	vld.idx.msk [tilespmem:v5+s19+$0x0], $0xffff  }
0x40e: {  	s20 =	sand.u32 $0x3C0, s1;
	v7 =	vor.u32 $0x200, v8;
	v9 =	vld.idx.msk [tilespmem:v9+s19+$0x0], $0xffff;
	[tilespmem:s2+$0xA0] =	vst v6  }
0x40f: {  	v13 =	vld [tilespmem:s20+$0xC00];
	[tilespmem:s2+$0xB0] =	vst v10;
	v10 =	vor.u32 $0x180, v2  }
0x410: {  	v6 =	vld.idx.msk [tilespmem:v11+s19+$0x0], $0xffff  }
0x411: {  	v11 =	vor.u32 $0x180, v1;
	v14 =	vld.idx.msk [tilespmem:v3+s19+$0x0], $0xffff;
	v3 =	vshll.u32 v4, $0x3  }
0x412: {  	v15 =	vld [tilespmem:s18+$0x0];
	v4 =	vand.u32 $0x7F, v4;
	[tilespmem:s2+$0x180] =	vst v5;
	v5 =	vor.u32 $0x180, v0;
	v3 =	vand.u32 $0xFFFFFC00, v3  }
0x413: {  	p0 =	por $0x0, $0x0;
	s4 =	simm.s32 $0x1;
	[tilespmem:s2+$0x110] =	vst v9;
	v16 =	vld.idx.msk [tilespmem:v7+s19+$0x0], $0xffff;
	v4 =	vor.u32 v4, v3  }
0x414: {  	s4 =	simm.s32 @!p0 $0x0;
	v9 =	vor.u32 $0x280, v8;
	v7 =	vshll.u32 v13, $0x3;
	v10 =	vld.idx.msk [tilespmem:v10+s19+$0x0], $0xffff  }
0x415: {  	s4 =	sshll.u32 s4, $0x6;
	v3 =	vand.u32 $0x7F, v13;
	[tilespmem:s2+$0x120] =	vst v6;
	v13 =	vor.u32 $0x200, v2;
	v7 =	vand.u32 $0xFFFFFC00, v7  }
0x416: {  	s20 =	sadd.s32 $0x0, s4;
	v11 =	vld.idx.msk [tilespmem:v11+s19+$0x0], $0xffff;
	v3 =	vor.u32 v3, v7;
	[tilespmem:s2+$0x130] =	vst v14  }
0x417: {  	s4 =	sor.u32 $0x200, s20;
	v6 =	vshll.u32 v12, $0x3;
	v14 =	vld.idx.msk [tilespmem:v5+s19+$0x0], $0xffff;
	v5 =	vand.u32 $0x7F, v12;
	v12 =	vor.u32 $0x200, v1  }
0x418: {  	v17 =	vshll.u32 v15, $0x3;
	v6 =	vand.u32 $0xFFFFFC00, v6;
	v7 =	vld.idx.msk [tilespmem:v4+s19+$0x0], $0xffff;
	[tilespmem:s4+$0x17000] =	vst v16;
	v16 =	vor.u32 $0x200, v0  }
0x419: {  	v6 =	vor.u32 v5, v6;
	v5 =	vand.u32 $0x7F, v15;
	v15 =	vand.u32 $0xFFFFFC00, v17;
	[tilespmem:s2+$0x190] =	vst v10;
	v9 =	vld.idx.msk [tilespmem:v9+s19+$0x0], $0xffff  }
0x41a: {  	v5 =	vor.u32 v5, v15;
	v17 =	vld.idx.msk [tilespmem:v13+s19+$0x0], $0xffff  }
0x41b: {  	[tilespmem:s2+$0x1A0] =	vst v11;
	v15 =	vor.u32 $0x300, v8;
	v10 =	vld.idx.msk [tilespmem:v3+s19+$0x0], $0xffff  }
0x41c: {  	v18 =	vor.u32 $0x80, v3;
	v19 =	vld.idx.msk [tilespmem:v12+s19+$0x0], $0xffff;
	[tilespmem:s2+$0x1B0] =	vst v14  }
0x41d: {  	s8 =	simm.s32 $0x4;
	s7 =	simm.s32 $0x200;
	v14 =	vor.u32 $0x280, v2;
	v16 =	vld.idx.msk [tilespmem:v16+s19+$0x0], $0xffff  }
0x41e: {  	s22 =	sand.u32 $0x1C00, s7;
	v20 =	vor.u32 $0x280, v1;
	s21 =	sand.u32 $0x40, s1;
	s23 =	sor.u32 $0x280, s20;
	v11 =	vld.idx.msk [tilespmem:v6+s19+$0x0], $0xffff  }
0x41f: {  	s6 =	simm.s32 $0xCB0;
	v21 =	vor.u32 $0x280, v0;
	s10 =	sor.u32 s21, s22;
	s24 =	sadd.s32 $0x10, s20;
	v12 =	vld.idx.msk [tilespmem:v5+s19+$0x0], $0xffff;
	[tilespmem:s23+$0x17000] =	vst v9  }
0x420: {  	s25 =	sadd.s32 $0x20, s20;
	s29 =	sadd.s32 $0x30, s20;
	s26 =	sor.u32 $0x200, s24;
	[tilespmem:s10+$0x17000] =	vst v10;
	v13 =	vld.idx.msk [tilespmem:v15+s19+$0x0], $0xffff  }
0x421: {  	s28 =	sor.u32 $0x200, s25;
	s22 =	sor.u32 $0x280, s24;
	s21 =	sor.u32 $0x280, s25;
	[tilespmem:s26+$0x17000] =	vst v17;
	v15 =	vld.idx.msk [tilespmem:v18+s19+$0x0], $0xffff  }
0x422: {  	s30 =	sor.u32 $0x200, s29;
	s9 =	sor.u32 $0x300, s24;
	s12 =	sor.u32 $0x300, s25;
	v10 =	vld.idx.msk [tilespmem:v14+s19+$0x0], $0xffff;
	[tilespmem:s28+$0x17000] =	vst v19;
	v14 =	vor.u32 $0x380, v8  }
0x423: {  	s15 =	sor.u32 $0x280, s29;
	s16 =	sor.u32 $0x380, s24;
	s13 =	sor.u32 $0x380, s25;
	v9 =	vld.idx.msk [tilespmem:v20+s19+$0x0], $0xffff;
	[tilespmem:s30+$0x17000] =	vst v16;
	v16 =	vor.u32 $0x100, v3  }
0x424: {  	s14 =	sor.u32 $0x380, s29;
	s4 =	simm.s32 $0x0;
	s2 =	sor.u32 $0x300, s29;
	v17 =	vor.u32 $0x80, v4;
	v8 =	vld.idx.msk [tilespmem:v21+s19+$0x0], $0xffff  }
.LBB2_17:
0x425: {  	v18 =	vld [tilespmem:s6+$0xFFFFFFE0];
	v19 =	vor.u32 $0x80, v6;
	s11 =	sor.u32 $0x300, s20  }
0x426: {  	s18 =	sadd.s32 $0x17000, s10;
	v21 =	vor.u32 $0x80, v5;
	v20 =	vld [tilespmem:s6+$0xFFFFFFF0];
	[tilespmem:s11+$0x17000] =	vst v13  }
0x427: {  	[tilespmem:s18+$0x80] =	vst v15;
	v13 =	vld.idx.msk [tilespmem:v14+s19+$0x0], $0xffff;
	v14 =	vor.u32 $0x300, v2  }
0x428: {  	v15 =	vld.idx.msk [tilespmem:v16+s19+$0x0], $0xffff;
	[tilespmem:s18+$0x10] =	vst v7;
	v7 =	vor.u32 $0x300, v1  }
0x429: {  	v16 =	vld.idx.msk [tilespmem:v17+s19+$0x0], $0xffff;
	[tilespmem:s18+$0x20] =	vst v11  }
0x42a: {  	v11 =	vor.u32 $0x180, v3;
	v17 =	vld.idx.msk [tilespmem:v19+s19+$0x0], $0xffff;
	[tilespmem:s18+$0x30] =	vst v12  }
0x42b: {  	s10 =	sor.u32 s4, s3;
	s3 =	smov.u32 s1;
	s4 =	smov.u32 s7;
	v12 =	vor.u32 $0x100, v4;
	v19 =	vld.idx.msk [tilespmem:v21+s19+$0x0], $0xffff;
	[tilespmem:s22+$0x17000] =	vst v10  }
0x42c: {  	s10 =	sor.u32 $0x380, s10;
	v10 =	vor.u32 $0x100, v6;
	v14 =	vld.idx.msk [tilespmem:v14+s19+$0x0], $0xffff;
	[tilespmem:s21+$0x17000] =	vst v9  }
0x42d: {  	[tilespmem:s10+$0x17000] =	vst v13;
	v7 =	vld.idx.msk [tilespmem:v7+s19+$0x0], $0xffff  }
0x42e: {  	v13 =	vor.u32 $0x100, v5;
	v9 =	vld [tilespmem:s6+$0x0];
	[tilespmem:s18+$0x100] =	vst v15  }
0x42f: {  	v15 =	vor.u32 $0x300, v0;
	v11 =	vld.idx.msk [tilespmem:v11+s19+$0x0], $0xffff;
	[tilespmem:s18+$0x90] =	vst v16  }
0x430: {  	s1 =	sadd.s32 $0x40, s1;
	v16 =	vor.u32 $0x380, v2;
	v2 =	vmov v4;
	v12 =	vld.idx.msk [tilespmem:v12+s19+$0x0], $0xffff;
	[tilespmem:s18+$0xA0] =	vst v17  }
0x431: {  	s8 =	sadd.s32 $0x4, s8;
	s10 =	sand.u32 $0x3C0, s1;
	v4 =	vor.u32 $0x200, v3;
	v10 =	vld.idx.msk [tilespmem:v10+s19+$0x0], $0xffff;
	[tilespmem:s18+$0xB0] =	vst v19  }
0x432: {  	p1 =	slt.u32 s8, $0x3C;
	v19 =	vor.u32 $0x180, v2;
	v17 =	vld [tilespmem:s10+$0xC00];
	[tilespmem:s15+$0x17000] =	vst v8  }
0x433: {  	v8 =	vor.u32 $0x180, v6;
	v13 =	vld.idx.msk [tilespmem:v13+s19+$0x0], $0xffff;
	[tilespmem:s9+$0x17000] =	vst v14  }
0x434: {  	[tilespmem:s12+$0x17000] =	vst v7;
	v7 =	vor.u32 $0x380, v1;
	v14 =	vld.idx.msk [tilespmem:v15+s19+$0x0], $0xffff;
	v1 =	vmov v6  }
0x435: {  	v6 =	vshll.u32 v18, $0x3;
	[tilespmem:s18+$0x180] =	vst v11;
	v11 =	vor.u32 $0x180, v5;
	v15 =	vld.idx.msk [tilespmem:v16+s19+$0x0], $0xffff  }
0x436: {  	v16 =	vand.u32 $0x7F, v18;
	v6 =	vand.u32 $0xFFFFFC00, v6;
	v18 =	vld.idx.msk [tilespmem:v4+s19+$0x0], $0xffff;
	[tilespmem:s18+$0x110] =	vst v12;
	v12 =	vor.u32 $0x380, v0;
	v0 =	vmovc v5  }
0x437: {  	p0 =	por !p0, !p0;
	s9 =	simm.s32 $0x1;
	v4 =	vor.u32 v16, v6;
	v5 =	vshll.u32 v17, $0x3;
	v16 =	vld.idx.msk [tilespmem:v19+s19+$0x0], $0xffff;
	[tilespmem:s18+$0x120] =	vst v10  }
0x438: {  	s9 =	simm.s32 @!p0 $0x0;
	v6 =	vand.u32 $0x7F, v17;
	v10 =	vor.u32 $0x280, v3;
	v5 =	vand.u32 $0xFFFFFC00, v5;
	v8 =	vld.idx.msk [tilespmem:v8+s19+$0x0], $0xffff  }
0x439: {  	s9 =	sshll.u32 s9, $0x6;
	v17 =	vor.u32 v6, v5;
	[tilespmem:s18+$0x130] =	vst v13;
	v13 =	vld.idx.msk [tilespmem:v7+s19+$0x0], $0xffff  }
0x43a: {  	s20 =	sadd.s32 s9, s7;
	v19 =	vor.u32 $0x200, v2;
	v11 =	vld.idx.msk [tilespmem:v11+s19+$0x0], $0xffff;
	[tilespmem:s2+$0x17000] =	vst v14  }
0x43b: {  	s10 =	sadd.s32 $0x10, s20;
	s11 =	sadd.s32 $0x20, s20;
	v5 =	vand.u32 $0x7F, v20;
	v6 =	vshll.u32 v20, $0x3;
	s2 =	sor.u32 $0x200, s20;
	v14 =	vor.u32 $0x200, v1;
	[tilespmem:s16+$0x17000] =	vst v15;
	v12 =	vld.idx.msk [tilespmem:v12+s19+$0x0], $0xffff  }
0x43c: {  	s25 =	sadd.s32 $0x30, s20;
	s23 =	sor.u32 $0x200, s10;
	s24 =	sor.u32 $0x200, s11;
	v6 =	vand.u32 $0xFFFFFC00, v6;
	v15 =	vshll.u32 v9, $0x3;
	v7 =	vld.idx.msk [tilespmem:v4+s19+$0x0], $0xffff;
	[tilespmem:s2+$0x17000] =	vst v18;
	v18 =	vor.u32 $0x200, v0  }
0x43d: {  	s22 =	sor.u32 $0x280, s10;
	s21 =	sor.u32 $0x280, s11;
	s26 =	sor.u32 $0x200, s25;
	v6 =	vor.u32 v5, v6;
	v5 =	vand.u32 $0x7F, v9;
	v9 =	vand.u32 $0xFFFFFC00, v15;
	v10 =	vld.idx.msk [tilespmem:v10+s19+$0x0], $0xffff;
	[tilespmem:s18+$0x190] =	vst v16  }
0x43e: {  	s9 =	sor.u32 $0x300, s10;
	s12 =	sor.u32 $0x300, s11;
	s15 =	sor.u32 $0x280, s25;
	v5 =	vor.u32 v5, v9;
	v15 =	vld.idx.msk [tilespmem:v17+s19+$0x0], $0xffff;
	[tilespmem:s18+$0x1A0] =	vst v8  }
0x43f: {  	s16 =	sor.u32 $0x380, s10;
	s2 =	sor.u32 $0x300, s25;
	v8 =	vor.u32 $0x300, v3;
	v9 =	vld.idx.msk [tilespmem:v19+s19+$0x0], $0xffff;
	[tilespmem:s13+$0x17000] =	vst v13;
	s13 =	sor.u32 $0x380, s11  }
0x440: {  	s10 =	sor.u32 $0x380, s25;
	v16 =	vor.u32 $0x80, v17;
	v19 =	vld.idx.msk [tilespmem:v14+s19+$0x0], $0xffff;
	[tilespmem:s18+$0x1B0] =	vst v11  }
0x441: {  	s7 =	sadd.s32 $0x200, s7;
	v20 =	vor.u32 $0x280, v2;
	v18 =	vld.idx.msk [tilespmem:v18+s19+$0x0], $0xffff;
	[tilespmem:s14+$0x17000] =	vst v12;
	s14 =	smov.u32 s10  }
0x442: {  	v21 =	vor.u32 $0x280, v1;
	s11 =	sand.u32 $0x1C00, s7;
	s18 =	sor.u32 $0x280, s20;
	s10 =	sand.u32 $0x40, s1;
	v11 =	vld.idx.msk [tilespmem:v6+s19+$0x0], $0xffff  }
0x443: {  	v22 =	vor.u32 $0x280, v0;
	s10 =	sor.u32 s10, s11;
	v12 =	vld.idx.msk [tilespmem:v5+s19+$0x0], $0xffff;
	[tilespmem:s18+$0x17000] =	vst v10  }
.Ltmp7:
0x444: {  	[tilespmem:s10+$0x17000] =	vst v15;
	v13 =	vld.idx.msk [tilespmem:v8+s19+$0x0], $0xffff;
	(pc) =	sbr.rel @p1 .LBB2_17-.Ltmp7, $4  }
0x445: {  	v15 =	vld.idx.msk [tilespmem:v16+s19+$0x0], $0xffff;
	[tilespmem:s23+$0x17000] =	vst v9  }
0x446: {  	v14 =	vor.u32 $0x380, v3;
	v3 =	vmov v17;
	v10 =	vld.idx.msk [tilespmem:v20+s19+$0x0], $0xffff;
	[tilespmem:s24+$0x17000] =	vst v19  }
0x447: {  	v16 =	vor.u32 $0x100, v3;
	v9 =	vld.idx.msk [tilespmem:v21+s19+$0x0], $0xffff;
	[tilespmem:s26+$0x17000] =	vst v18  }
0x448: {  	s6 =	sadd.s32 $0x40, s6;
	v17 =	vor.u32 $0x80, v4;
	v8 =	vld.idx.msk [tilespmem:v22+s19+$0x0], $0xffff  }
0x449: {  	v18 =	vor.u32 $0x80, v6  }
0x44a: {  	v19 =	vor.u32 $0x80, v5  }
0x44b: {  	s6 =	sadd.s32 $0x17000, s10  }
0x44c: {  	[tilespmem:s6+$0x10] =	vst v7  }
0x44d: {  	[tilespmem:s6+$0x20] =	vst v11;
	v7 =	vld.idx.msk [tilespmem:v17+s19+$0x0], $0xffff  }
0x44e: {  	v24 =	vor.u32 $0x100, v4;
	[tilespmem:s6+$0x30] =	vst v12;
	v11 =	vld.idx.msk [tilespmem:v18+s19+$0x0], $0xffff  }
0x44f: {  	v26 =	vor.u32 $0x100, v6;
	v25 =	vld.idx.msk [tilespmem:v19+s19+$0x0], $0xffff  }
0x450: {  	v27 =	vor.u32 $0x100, v5  }
0x451: {  	[tilespmem:s6+$0x80] =	vst v15  }
0x452: {  	v15 =	vld.idx.msk [tilespmem:v16+s19+$0x0], $0xffff;
	[tilespmem:s6+$0x90] =	vst v7  }
0x453: {  	v28 =	vor.u32 $0x180, v3;
	v12 =	vld.idx.msk [tilespmem:v24+s19+$0x0], $0xffff;
	[tilespmem:s6+$0xA0] =	vst v11  }
0x454: {  	v29 =	vor.u32 $0x180, v4;
	[tilespmem:s6+$0xB0] =	vst v25;
	v11 =	vld.idx.msk [tilespmem:v26+s19+$0x0], $0xffff  }
0x455: {  	s8 =	sor.u32 $0x300, s20;
	v30 =	vor.u32 $0x180, v6;
	v31 =	vld.idx.msk [tilespmem:v27+s19+$0x0], $0xffff  }
0x456: {  	v32 =	vor.u32 $0x180, v5;
	[tilespmem:s8+$0x17000] =	vst v13  }
0x457: {  	[tilespmem:s6+$0x100] =	vst v15  }
0x458: {  	v7 =	vld.idx.msk [tilespmem:v28+s19+$0x0], $0xffff;
	[tilespmem:s6+$0x110] =	vst v12  }
0x459: {  	v33 =	vor.u32 $0x200, v3;
	v34 =	vld.idx.msk [tilespmem:v29+s19+$0x0], $0xffff;
	[tilespmem:s6+$0x120] =	vst v11  }
0x45a: {  	v35 =	vor.u32 $0x200, v4;
	[tilespmem:s6+$0x130] =	vst v31;
	v11 =	vld.idx.msk [tilespmem:v30+s19+$0x0], $0xffff  }
0x45b: {  	v37 =	vor.u32 $0x200, v6;
	[tilespmem:s22+$0x17000] =	vst v10;
	v36 =	vld.idx.msk [tilespmem:v32+s19+$0x0], $0xffff  }
0x45c: {  	v38 =	vor.u32 $0x200, v5;
	[tilespmem:s21+$0x17000] =	vst v9  }
0x45d: {  	v39 =	vor.u32 $0x300, v2;
	v14 =	vld.idx.msk [tilespmem:v14+s19+$0x0], $0xffff;
	[tilespmem:s6+$0x180] =	vst v7  }
0x45e: {  	p0 =	por !p0, !p0;
	v47 =	vor.u32 $0x300, v0;
	s8 =	simm.s32 $0x1;
	v12 =	vld.idx.msk [tilespmem:v33+s19+$0x0], $0xffff;
	[tilespmem:s6+$0x190] =	vst v34  }
0x45f: {  	v41 =	vor.u32 $0x280, v3;
	s8 =	simm.s32 @!p0 $0x0;
	v42 =	vld.idx.msk [tilespmem:v35+s19+$0x0], $0xffff;
	[tilespmem:s6+$0x1A0] =	vst v11  }
0x460: {  	s3 =	sor.u32 s4, s3;
	v43 =	vor.u32 $0x280, v4;
	s24 =	sshll.u32 s8, $0x6;
	[tilespmem:s6+$0x1B0] =	vst v36;
	v13 =	vld.idx.msk [tilespmem:v37+s19+$0x0], $0xffff  }
0x461: {  	v44 =	vor.u32 $0x280, v6;
	s3 =	sor.u32 $0x380, s3;
	s4 =	sadd.s32 s24, s7;
	[tilespmem:s15+$0x17000] =	vst v8;
	v9 =	vld.idx.msk [tilespmem:v38+s19+$0x0], $0xffff  }
0x462: {  	v46 =	vor.u32 $0x280, v5;
	v45 =	vld.idx.msk [tilespmem:v39+s19+$0x0], $0xffff;
	s25 =	sor.u32 $0x200, s4;
	s26 =	sadd.s32 $0x10, s4;
	[tilespmem:s3+$0x17000] =	vst v14  }
0x463: {  	v48 =	vor.u32 $0x380, v2;
	s8 =	sadd.s32 $0x20, s4;
	v52 =	vld.idx.msk [tilespmem:v47+s19+$0x0], $0xffff;
	s28 =	sor.u32 $0x200, s26;
	[tilespmem:s25+$0x17000] =	vst v12  }
0x464: {  	v40 =	vor.u32 $0x300, v1;
	s11 =	sadd.s32 $0x30, s4;
	s29 =	sor.u32 $0x200, s8;
	v12 =	vld.idx.msk [tilespmem:v41+s19+$0x0], $0xffff;
	[tilespmem:s28+$0x17000] =	vst v42  }
0x465: {  	v49 =	vor.u32 $0x300, v3;
	s30 =	sor.u32 $0x200, s11;
	v10 =	vld.idx.msk [tilespmem:v43+s19+$0x0], $0xffff;
	[tilespmem:s29+$0x17000] =	vst v13  }
0x466: {  	v50 =	vor.u32 $0x300, v4;
	[tilespmem:s30+$0x17000] =	vst v9;
	v13 =	vld.idx.msk [tilespmem:v44+s19+$0x0], $0xffff  }
0x467: {  	v51 =	vor.u32 $0x300, v6;
	[tilespmem:s9+$0x17000] =	vst v45;
	v8 =	vld.idx.msk [tilespmem:v46+s19+$0x0], $0xffff  }
0x468: {  	v53 =	vor.u32 $0x300, v5;
	s15 =	sor.u32 $0x280, s4;
	[tilespmem:s2+$0x17000] =	vst v52;
	v2 =	vld.idx.msk [tilespmem:v48+s19+$0x0], $0xffff  }
0x469: {  	v55 =	vor.u32 $0x380, v0;
	s18 =	sor.u32 $0x280, s26;
	v7 =	vld.idx.msk [tilespmem:v40+s19+$0x0], $0xffff;
	[tilespmem:s15+$0x17000] =	vst v12  }
0x46a: {  	v54 =	vor.u32 $0x380, v1;
	s20 =	sor.u32 $0x280, s8;
	v11 =	vld.idx.msk [tilespmem:v49+s19+$0x0], $0xffff;
	[tilespmem:s18+$0x17000] =	vst v10  }
0x46b: {  	v56 =	vor.u32 $0x380, v3;
	s21 =	sor.u32 $0x280, s11;
	v9 =	vld.idx.msk [tilespmem:v50+s19+$0x0], $0xffff;
	[tilespmem:s20+$0x17000] =	vst v13  }
0x46c: {  	v58 =	vor.u32 $0x380, v4;
	[tilespmem:s21+$0x17000] =	vst v8;
	v57 =	vld.idx.msk [tilespmem:v51+s19+$0x0], $0xffff  }
0x46d: {  	v59 =	vor.u32 $0x380, v6;
	[tilespmem:s16+$0x17000] =	vst v2;
	v60 =	vld.idx.msk [tilespmem:v53+s19+$0x0], $0xffff  }
0x46e: {  	v61 =	vor.u32 $0x380, v5;
	s22 =	sor.u32 $0x300, s4;
	v0 =	vld.idx.msk [tilespmem:v55+s19+$0x0], $0xffff;
	[tilespmem:s12+$0x17000] =	vst v7  }
0x46f: {  	s23 =	sor.u32 $0x300, s26;
	v1 =	vld.idx.msk [tilespmem:v54+s19+$0x0], $0xffff;
	[tilespmem:s22+$0x17000] =	vst v11  }
0x470: {  	s24 =	sor.u32 $0x300, s8;
	v3 =	vld.idx.msk [tilespmem:v56+s19+$0x0], $0xffff;
	[tilespmem:s23+$0x17000] =	vst v9  }
0x471: {  	s25 =	sor.u32 $0x300, s11;
	v4 =	vld.idx.msk [tilespmem:v58+s19+$0x0], $0xffff;
	[tilespmem:s24+$0x17000] =	vst v57  }
0x472: {  	[tilespmem:s25+$0x17000] =	vst v60;
	v62 =	vld.idx.msk [tilespmem:v59+s19+$0x0], $0xffff  }
0x473: {  	s1 =	sor.u32 s7, s1;
	s31 =	sadd.s32 $0x1, s31;
	[tilespmem:s14+$0x17000] =	vst v0;
	v63 =	vld.idx.msk [tilespmem:v61+s19+$0x0], $0xffff  }
0x474: {  	s1 =	sor.u32 $0x380, s1;
	p0 =	sne.s32 s31, $0x10;
	[tilespmem:s13+$0x17000] =	vst v1  }
.Ltmp8:
0x475: {  	s26 =	sor.u32 $0x380, s26;
	[tilespmem:s1+$0x17000] =	vst v3;
	(pc) =	sbr.rel @p0 .LBB2_2-.Ltmp8, $4  }
0x476: {  	s28 =	sor.u32 $0x380, s8;
	[tilespmem:s26+$0x17000] =	vst v4  }
0x477: {  	s0 =	sadd.s32 s0, s5;
	s29 =	sor.u32 $0x380, s11;
	[tilespmem:s28+$0x17000] =	vst v62  }
0x478: {  	s11 =	smov.u32 s5;
	s5 =	simm.s32 $0x0;
	s30 =	simm.s32 $0x15000;
	[tilespmem:s29+$0x17000] =	vst v63  }
0x479: {  	[hbm4b:s0+s5] =	stream.linear.scatter [tilespmem:s30], [sflag:$0x5], $0x2000, $0x38;
	[tilespmem:$0x19000] =	vst v63  }
0x47a: {  	s0 =	simm.s32 $0x3  }
0x47b: {  	_ =	swait.ge [sflag:s0], $0x2000  }
0x47c: {  	[sflag:s0] =	ssyncset.done $0x0  }
0x47d: {  	s26 =	simm.s32 $0x4;
	[sflag:s0] =	ssyncadd.s32 $0xFFFFE000  }
0x47e: {  	_ =	swait.ge [sflag:s26], $0x2000  }
0x47f: {  	[sflag:s26] =	ssyncset.done $0x0  }
0x480: {  	s28 =	simm.s32 $0x5;
	[sflag:s26] =	ssyncadd.s32 $0xFFFFE000  }
0x481: {  	_ =	swait.ge [sflag:s28], $0x2000  }
0x482: {  	[sflag:s28] =	ssyncset.done $0x0  }
0x483: {  	[sflag:s28] =	ssyncadd.s32 $0xFFFFE000  }
0x484: {  	[bflag:$0x0] =	sbarrier.arrive $0xFFFF  }
0x485: {  	s1 =	simm.s32 $0x17000;
	s30 =	simm.s32 $0x6;
	s29 =	rddreg [dreg:$0xa]  }
0x486: {  	[hbm4b:s29+s5] =	stream.linear.scatter [tilespmem:s1], [sflag:$0x6], $0x2000, $0x38;
	[tilespmem:$0x19000] =	vst v63  }
0x487: {  	_ =	swait.ge [sflag:s30], $0x2000  }
0x488: {  	s2 =	rddreg [dreg:$0xd]  }
0x489: {  	s31 =	rddreg [dreg:$0xb];
	s2 =	sadd.s32 $0x1, s2  }
0x48a: {  	p0 =	sne.s32 s2, s31  }
.Ltmp9:
0x48b: {  	_ = 	snop;
	(pc) =	sbr.rel @p0 .LBB2_1-.Ltmp9, $3  }
0x48c: {  	_ =	sdelay $0x1  }
0x48d: {  	[sflag:s30] =	ssyncset.done $0x0  }
0x48e: {  	[sflag:s30] =	ssyncadd.s32 $0xFFFFE000  }
0x48f: {  	_ =	sfence.sel $0x180000  }
0x490: {  	[bflag:$0x0] =	sbarrier.arrive $0xFFFF  }
0x491: {  	_ =	strace $0x90000047  }
0x492: {  	s0 =	stileid.u32;
	[bflag:$0x2] =	sbarrier.arrive $0xFFFF  }
0x493: {  	p0 =	sne.s32 s0, $0x0;
	s0 =	rddreg [dreg:$0x3]  }
0x494: {  	s0 =	sadd.s32 @!p0 $0x100000, s0  }
0x495: {  	[sflag:s0] =	ssyncadd.tile.s32 @!p0 $0x1;
	_ =	shalt  }
.Lfunc_end2:
_tile_overlayer_lowered:
.L_overlay_start_2:
0x496: {  	(tag) =	ssettag $0x2  }
0x497: {  	s0 =	rddreg [dreg:$0x0];
	s2 =	stileid.u32  }
0x498: {  	s1 =	rddreg [dreg:$0x1];
	p0 =	sne.s32 s2, $0x0  }
0x499: {  	s3 =	rddreg [dreg:$0x2];
	[bflag:$0x3] =	sbarrier.arrive $0xFFFF;
	s2 =	simm.s32 @!p0 $0x1C07  }
0x49a: {  	[timem:s3], [sflag:s2] =	dma.local @!p0 [hbm:s0], s1  }
0x49b: {  	s0 =	simm.s32 @!p0 $0x7  }
0x49c: {  	_ =	swait.ge @!p0 [sflag:s0], s1  }
0x49d: {  	s1 =	ssub.s32 @!p0 $0x0, s1;
	[sflag:s0] =	ssyncset.done @!p0 $0x0  }
0x49e: {  	[sflag:s0] =	ssyncadd.s32 @!p0 s1  }
0x49f: {  	[bflag:$0x3] =	sbarrier.arrive $0xFFFF  }
0x4a0: {  	_ =	shalt  }

</sc_bundles>
